<compile_context>
chip_gen: v7x
topology: tpu7x:2x2x1
jax: 0.10.2.dev20260603
libtpu: 0.0.44.dev20260713+nightly
codegen_flags: <defaults>
</compile_context>

<pallas_src>
import jax
import jax.numpy as jnp
from jax import lax
from jax.experimental import pallas as pl
from jax.experimental.pallas import tpu as pltpu
from jax.experimental.pallas import tpu_sc as plsc

N = 10000
D = 128
H = 128
HF = H // 2
G = 256
E = 320000

NC = 2
NS = 16
NW = NC * NS

EB = 128
NB = 80
EP = NW * NB * EB

NPAD = 10240
BLK = 1024
NG = NPAD // BLK
RT = NPAD // NS

_HIGH = jax.lax.Precision.HIGHEST


def _dot(a, b):
    return jnp.dot(a, b, preferred_element_type=jnp.float32)


def _dot_exact(a, b):
    return jnp.dot(a, b, preferred_element_type=jnp.float32, precision=_HIGH)



def _sc_mesh():
    return plsc.VectorSubcoreMesh(
        core_axis_name="c", subcore_axis_name="s", num_cores=NC,
        num_subcores=NS)


def _deg_body(dst_hbm, out_hbm, dst_v, ones_v, stage_v, acc_sh):
    c = lax.axis_index("c")
    s = lax.axis_index("s")
    w = c * NS + s
    zeros16 = jnp.zeros((16,), jnp.float32)
    ones16 = jnp.ones((16,), jnp.float32)

    def _zrow(i, carry):
        stage_v[i, :] = zeros16
        return carry

    lax.fori_loop(0, RT, _zrow, 0)

    def _orow(i, carry):
        ones_v[i, :] = ones16
        return carry

    lax.fori_loop(0, EB, _orow, 0)

    pltpu.sync_copy(stage_v, acc_sh.at[pl.ds(s * RT, RT)])
    plsc.subcore_barrier()

    pltpu.sync_copy(dst_hbm.at[w], dst_v)

    def _blk(b, carry):
        pltpu.sync_copy(ones_v, acc_sh.at[dst_v.at[b]], add=True)
        return carry

    lax.fori_loop(0, NB, _blk, 0)
    plsc.subcore_barrier()

    pltpu.sync_copy(acc_sh.at[pl.ds(s * RT, RT)],
                    out_hbm.at[pl.ds(c * NPAD + s * RT, RT)])


def _deg_call(dstp):
    fn = pl.kernel(
        _deg_body,
        out_type=jax.ShapeDtypeStruct((NC * NPAD, 16), jnp.float32),
        mesh=_sc_mesh(),
        scratch_types=[
            pltpu.VMEM((NB, EB), jnp.int32),
            pltpu.VMEM((EB, 16), jnp.float32),
            pltpu.VMEM((RT, 16), jnp.float32),
            pltpu.VMEM_SHARED((NPAD, 16), jnp.float32),
        ],
        compiler_params=pltpu.CompilerParams(use_tc_tiling_on_sc=False),
    )
    return fn(dstp)


def _scatter_body(hsA, hsB, src_hbm, dst_hbm, outA, outB,
                  src_v, dst_v, buf0, buf1, zbuf, acc_sh, sem0, sem1):
    c = lax.axis_index("c")
    s = lax.axis_index("s")
    w = c * NS + s
    zeros16 = jnp.zeros((16,), jnp.float32)

    def _zrow(i, carry):
        for j in range(HF // 16):
            zbuf[i, pl.ds(j * 16, 16)] = zeros16
        return carry

    lax.fori_loop(0, EB, _zrow, 0)

    pltpu.sync_copy(src_hbm.at[w], src_v)
    pltpu.sync_copy(dst_hbm.at[w], dst_v)

    for hs_hbm, out_hbm in ((hsA, outA), (hsB, outB)):
        plsc.subcore_barrier()
        for k in range(RT // EB):
            pltpu.sync_copy(zbuf, acc_sh.at[pl.ds(s * RT + k * EB, EB)])
        plsc.subcore_barrier()

        pltpu.async_copy(hs_hbm.at[src_v.at[0]], buf0, sem0)

        def _pair(i, carry):
            b = i * 2
            pltpu.async_copy(hs_hbm.at[src_v.at[b + 1]], buf1, sem1)
            pltpu.make_async_copy(hs_hbm.at[src_v.at[b]], buf0, sem0).wait()
            pltpu.sync_copy(buf0, acc_sh.at[dst_v.at[b]], add=True)

            @pl.when(b + 2 < NB)
            def _():
                pltpu.async_copy(hs_hbm.at[src_v.at[b + 2]], buf0, sem0)

            pltpu.make_async_copy(hs_hbm.at[src_v.at[b + 1]], buf1,
                                  sem1).wait()
            pltpu.sync_copy(buf1, acc_sh.at[dst_v.at[b + 1]], add=True)
            return carry

        lax.fori_loop(0, NB // 2, _pair, 0)
        plsc.subcore_barrier()

        pltpu.sync_copy(acc_sh.at[pl.ds(s * RT, RT)],
                        out_hbm.at[pl.ds(c * NPAD + s * RT, RT)])


def _scatter_call(hsA, hsB, srcp, dstp):
    fn = pl.kernel(
        _scatter_body,
        out_type=[jax.ShapeDtypeStruct((NC * NPAD, HF), jnp.float32),
                  jax.ShapeDtypeStruct((NC * NPAD, HF), jnp.float32)],
        mesh=_sc_mesh(),
        scratch_types=[
            pltpu.VMEM((NB, EB), jnp.int32),
            pltpu.VMEM((NB, EB), jnp.int32),
            pltpu.VMEM((EB, HF), jnp.float32),
            pltpu.VMEM((EB, HF), jnp.float32),
            pltpu.VMEM((EB, HF), jnp.float32),
            pltpu.VMEM_SHARED((NPAD, HF), jnp.float32),
            pltpu.SemaphoreType.DMA,
            pltpu.SemaphoreType.DMA,
        ],
        compiler_params=pltpu.CompilerParams(use_tc_tiling_on_sc=False),
    )
    return fn(hsA, hsB, srcp, dstp)



def _mm1_body(x_ref, w_ref, deg0_ref, deg1_ref, hsA_ref, hsB_ref, dinv_ref):
    i = pl.program_id(0)
    deg = deg0_ref[:, 0:1] + deg1_ref[:, 0:1] + 1.0
    rows = i * BLK + lax.broadcasted_iota(jnp.int32, (BLK, 1), 0)
    dinv = jnp.where(rows < N, lax.rsqrt(deg), 0.0)
    hs = dinv * _dot(x_ref[...], w_ref[...])
    hsA_ref[...] = hs[:, :HF]
    hsB_ref[...] = hs[:, HF:]
    dinv_ref[...] = dinv


def _mm1_call(x_pad, w1, degp):
    return pl.pallas_call(
        _mm1_body,
        grid=(NG,),
        in_specs=[
            pl.BlockSpec((BLK, D), lambda i: (i, 0)),
            pl.BlockSpec((D, H), lambda i: (0, 0)),
            pl.BlockSpec((BLK, 16), lambda i: (i, 0)),
            pl.BlockSpec((BLK, 16), lambda i: (NG + i, 0)),
        ],
        out_specs=[
            pl.BlockSpec((BLK, HF), lambda i: (i, 0)),
            pl.BlockSpec((BLK, HF), lambda i: (i, 0)),
            pl.BlockSpec((BLK, 1), lambda i: (i, 0)),
        ],
        out_shape=[
            jax.ShapeDtypeStruct((NPAD, HF), jnp.float32),
            jax.ShapeDtypeStruct((NPAD, HF), jnp.float32),
            jax.ShapeDtypeStruct((NPAD, 1), jnp.float32),
        ],
    )(x_pad, w1, degp, degp)


def _agg(pA0, pA1, pB0, pB1, hsA, hsB):
    return jnp.concatenate([pA0 + pA1 + hsA, pB0 + pB1 + hsB], axis=1)


def _mm2_body(pA0, pA1, pB0, pB1, hsA, hsB, dinv_ref, b1_ref, w2_ref,
              hs2A_ref, hs2B_ref):
    dinv = dinv_ref[...]
    agg = _agg(pA0[...], pA1[...], pB0[...], pB1[...], hsA[...], hsB[...])
    l1 = jnp.maximum(dinv * agg + b1_ref[...], 0.0)
    hs2 = dinv * _dot(l1, w2_ref[...])
    hs2A_ref[...] = hs2[:, :HF]
    hs2B_ref[...] = hs2[:, HF:]


def _part_specs():
    return [
        pl.BlockSpec((BLK, HF), lambda i: (i, 0)),
        pl.BlockSpec((BLK, HF), lambda i: (NG + i, 0)),
    ]


def _mm2_call(pA, pB, hsA, hsB, dinv, b1, w2):
    return pl.pallas_call(
        _mm2_body,
        grid=(NG,),
        in_specs=(
            _part_specs() + _part_specs() + [
                pl.BlockSpec((BLK, HF), lambda i: (i, 0)),
                pl.BlockSpec((BLK, HF), lambda i: (i, 0)),
                pl.BlockSpec((BLK, 1), lambda i: (i, 0)),
                pl.BlockSpec((1, H), lambda i: (0, 0)),
                pl.BlockSpec((H, H), lambda i: (0, 0)),
            ]),
        out_specs=[
            pl.BlockSpec((BLK, HF), lambda i: (i, 0)),
            pl.BlockSpec((BLK, HF), lambda i: (i, 0)),
        ],
        out_shape=[
            jax.ShapeDtypeStruct((NPAD, HF), jnp.float32),
            jax.ShapeDtypeStruct((NPAD, HF), jnp.float32),
        ],
    )(pA, pA, pB, pB, hsA, hsB, dinv, b1, w2)


def _pool_body(qA0, qA1, qB0, qB1, hsA, hsB, dinv_ref, b2_ref, batch_ref,
               wl1_ref, bl1_ref, wl2_ref, bl2_ref, out_ref, sums, counts):
    i = pl.program_id(0)

    @pl.when(i == 0)
    def _():
        sums[...] = jnp.zeros_like(sums)
        counts[...] = jnp.zeros_like(counts)

    dinv = dinv_ref[...]
    agg = _agg(qA0[...], qA1[...], qB0[...], qB1[...], hsA[...], hsB[...])
    l2 = jnp.maximum(dinv * agg + b2_ref[...], 0.0)
    bi = batch_ref[...]
    oh = (lax.broadcasted_iota(jnp.int32, (G, BLK), 0)
          == jnp.broadcast_to(bi, (G, BLK))).astype(jnp.float32)
    sums[...] += _dot_exact(oh, l2)
    counts[...] += jnp.sum(oh, axis=1, keepdims=True)

    @pl.when(i == NG - 1)
    def _():
        pooled = sums[...] / jnp.maximum(counts[...], 1.0)
        a = jnp.maximum(_dot(pooled, wl1_ref[...]) + bl1_ref[...], 0.0)
        out_ref[...] = _dot(a, wl2_ref[...]) + bl2_ref[...]


def _pool_call(qA, qB, hsA, hsB, dinv, b2, batch2d, wl1, bl1, wl2, bl2):
    return pl.pallas_call(
        _pool_body,
        grid=(NG,),
        in_specs=(
            _part_specs() + _part_specs() + [
                pl.BlockSpec((BLK, HF), lambda i: (i, 0)),
                pl.BlockSpec((BLK, HF), lambda i: (i, 0)),
                pl.BlockSpec((BLK, 1), lambda i: (i, 0)),
                pl.BlockSpec((1, H), lambda i: (0, 0)),
                pl.BlockSpec((1, BLK), lambda i: (0, i)),
                pl.BlockSpec((H, H // 2), lambda i: (0, 0)),
                pl.BlockSpec((1, H // 2), lambda i: (0, 0)),
                pl.BlockSpec((H // 2, 1), lambda i: (0, 0)),
                pl.BlockSpec((1, 1), lambda i: (0, 0)),
            ]),
        out_specs=pl.BlockSpec((G, 1), lambda i: (0, 0)),
        out_shape=jax.ShapeDtypeStruct((G, 1), jnp.float32),
        scratch_shapes=[
            pltpu.VMEM((G, H), jnp.float32),
            pltpu.VMEM((G, 1), jnp.float32),
        ],
    )(qA, qA, qB, qB, hsA, hsB, dinv, b2, batch2d, wl1, bl1, wl2, bl2)



def kernel(x, edge_index, batch, W1, b1, W2, b2, Wl1, bl1, Wl2, bl2):
    src = edge_index[0]
    dst = edge_index[1]
    srcp = jnp.concatenate(
        [src, jnp.zeros((EP - E,), jnp.int32)]).reshape(NW, NB, EB)
    dstp = jnp.concatenate(
        [dst, jnp.full((EP - E,), N, jnp.int32)]).reshape(NW, NB, EB)
    x_pad = jnp.pad(x, ((0, NPAD - N), (0, 0)))
    batch2d = jnp.pad(batch, (0, NPAD - N),
                      constant_values=G).reshape(1, NPAD)

    degp = _deg_call(dstp)
    hsA, hsB, dinv = _mm1_call(x_pad, W1, degp)
    pA, pB = _scatter_call(hsA, hsB, srcp, dstp)
    hs2A, hs2B = _mm2_call(pA, pB, hsA, hsB, dinv, b1.reshape(1, H), W2)
    qA, qB = _scatter_call(hs2A, hs2B, srcp, dstp)
    return _pool_call(qA, qB, hs2A, hs2B, dinv, b2.reshape(1, H), batch2d,
                      Wl1, bl1.reshape(1, H // 2), Wl2, bl2.reshape(1, 1))

# --- scband reference (transcript-rebuilt; emitter-appended) ---
"""Pipeline reference for scband-gcnmodel-33818572488717 (READ-ONLY COPY).

The authoritative reference and input builder live on the scoring server;
editing this copy changes nothing except your own understanding.
"""

import jax, jax.numpy as jnp
import numpy as np

N = 10000
E = 320000
D = 128
H = 128
G = 256


def setup_inputs(seed: int = 0) -> dict:
    key = jax.random.key(seed)
    ks = jax.random.split(key, 12)
    x = jax.random.normal(ks[0], (N, D), dtype=jnp.float32)
    edge_index = jax.random.randint(ks[1], (2, E), 0, N, dtype=jnp.int32)
    batch = jnp.sort(jax.random.randint(ks[2], (N,), 0, G, dtype=jnp.int32))
    # GCNConv weights (glorot-ish scaling)
    W1 = jax.random.normal(ks[3], (D, H), dtype=jnp.float32) * (1.0 / np.sqrt(D))
    b1 = jnp.zeros((H,), dtype=jnp.float32)
    W2 = jax.random.normal(ks[4], (H, H), dtype=jnp.float32) * (1.0 / np.sqrt(H))
    b2 = jnp.zeros((H,), dtype=jnp.float32)
    Wl1 = jax.random.normal(ks[5], (H, H // 2), dtype=jnp.float32) * (1.0 / np.sqrt(H))
    bl1 = jnp.zeros((H // 2,), dtype=jnp.float32)
    Wl2 = jax.random.normal(ks[6], (H // 2, 1), dtype=jnp.float32) * (1.0 / np.sqrt(H // 2))
    bl2 = jnp.zeros((1,), dtype=jnp.float32)
    return {"x": x, "edge_index": edge_index, "batch": batch,
            "W1": W1, "b1": b1, "W2": W2, "b2": b2,
            "Wl1": Wl1, "bl1": bl1, "Wl2": Wl2, "bl2": bl2}


def _gcn_conv(x, src, dst, W, b, num_nodes):
    # PyG GCNConv: add self-loops, symmetric normalization D^-1/2 (A+I) D^-1/2 X W + b
    loop = jnp.arange(num_nodes, dtype=src.dtype)
    s = jnp.concatenate([src, loop])
    d = jnp.concatenate([dst, loop])
    deg = jnp.zeros((num_nodes,), dtype=x.dtype).at[d].add(1.0)
    dinv = jnp.where(deg > 0, deg ** -0.5, 0.0)
    norm = dinv[s] * dinv[d]
    h = x @ W
    msg = h[s] * norm[:, None]
    out = jnp.zeros((num_nodes, h.shape[1]), dtype=x.dtype).at[d].add(msg)
    return out + b


def reference(x, edge_index, batch, W1, b1, W2, b2, Wl1, bl1, Wl2, bl2):
    src = edge_index[0]
    dst = edge_index[1]
    num_nodes = x.shape[0]
    h = jax.nn.relu(_gcn_conv(x, src, dst, W1, b1, num_nodes))
    h = jax.nn.relu(_gcn_conv(h, src, dst, W2, b2, num_nodes))
    # global mean pool over graph ids
    sums = jax.ops.segment_sum(h, batch, num_segments=G)
    counts = jax.ops.segment_sum(jnp.ones((num_nodes, 1), dtype=h.dtype), batch, num_segments=G)
    pooled = sums / jnp.maximum(counts, 1.0)
    out = jax.nn.relu(pooled @ Wl1 + bl1)
    out = out @ Wl2 + bl2
    return out

if __name__ == "__main__":
    import jax
    _d = setup_inputs()
    print(jax.jit(kernel)(*tuple(_d.values())))

</pallas_src>

<mosaic_0001>
#map = affine_map<(d0, d1) -> (0, 0, 0)>
#map1 = affine_map<(d0, d1) -> (0, 0)>
module attributes {stable_mosaic.version = 14 : i64} {
  func.func @_deg_body(%arg0: i32, %arg1: i32, %arg2: memref<32x80x128xi32, #tpu.memory_space<hbm>>, %arg3: memref<20480x16xf32, #tpu.memory_space<hbm>>, %arg4: memref<80x128xi32, #tpu.memory_space<vmem>>, %arg5: memref<128x16xf32, #tpu.memory_space<vmem>>, %arg6: memref<640x16xf32, #tpu.memory_space<vmem>>, %arg7: memref<10240x16xf32, #tpu.memory_space<vmem_shared>>) attributes {dimension_semantics = [#tpu.dimension_semantics<core_parallel>, #tpu.dimension_semantics<subcore_parallel>], iteration_bounds = array<i64: 2, 16>, scalar_prefetch = 0 : i64, scratch_operands = 4 : i64, tpu.core_type = #tpu.core_type<sc_vector_subcore>, window_params = [{transform_indices = #map}, {transform_indices = #map1}]} {
    %mul3A = arith.constant 16 : i32
    %mul3A_0 = arith.muli %arg0, %mul3A : i32
    %add3A = arith.addi %mul3A_0, %arg1 : i32
    %broadcast_in_dim3A = arith.constant 0.000000e+00 : f32
    %broadcast_in_dim3A_1 = vector.broadcast %broadcast_in_dim3A : f32 to vector<16xf32>
    %broadcast_in_dim3A_2 = arith.constant 1.000000e+00 : f32
    %broadcast_in_dim3A_3 = vector.broadcast %broadcast_in_dim3A_2 : f32 to vector<16xf32>
    %scan3A = arith.constant 0 : i32
    %scan3A_4 = arith.constant 0 : i32
    %scan3A_5 = arith.constant 640 : i32
    %scan3A_6 = arith.addi %scan3A_4, %scan3A_5 : i32
    %scan3A_7 = arith.constant 1 : i32
    scf.for %scan3A_31 = %scan3A_4 to %scan3A_6 step %scan3A_7  : i32 {
      %swap3A = arith.index_cast %scan3A_31 : i32 to index
      %swap3A_32 = arith.constant 0 : index
      %swap3A_33 = tpu.vector_load %arg6[%swap3A, %swap3A_32] {strides = array<i32>} : memref<640x16xf32, #tpu.memory_space<vmem>>, vector<1x16xf32>,
      %swap3A_34 = vector.shape_cast %swap3A_33 : vector<1x16xf32> to vector<16xf32>
      %swap3A_35 = vector.shape_cast %broadcast_in_dim3A_1 : vector<16xf32> to vector<1x16xf32>
      tpu.vector_store %arg6[%swap3A, %swap3A_32], %swap3A_35 {strides = array<i32>} : memref<640x16xf32, #tpu.memory_space<vmem>>, vector<1x16xf32>,
    }
    %scan3A_8 = arith.constant 640 : i32
    %scan3A_9 = arith.constant 0 : i32
    %scan3A_10 = arith.constant 0 : i32
    %scan3A_11 = arith.constant 128 : i32
    %scan3A_12 = arith.addi %scan3A_10, %scan3A_11 : i32
    %scan3A_13 = arith.constant 1 : i32
    scf.for %scan3A_31 = %scan3A_10 to %scan3A_12 step %scan3A_13  : i32 {
      %swap3A = arith.index_cast %scan3A_31 : i32 to index
      %swap3A_32 = arith.constant 0 : index
      %swap3A_33 = tpu.vector_load %arg5[%swap3A, %swap3A_32] {strides = array<i32>} : memref<128x16xf32, #tpu.memory_space<vmem>>, vector<1x16xf32>,
      %swap3A_34 = vector.shape_cast %swap3A_33 : vector<1x16xf32> to vector<16xf32>
      %swap3A_35 = vector.shape_cast %broadcast_in_dim3A_3 : vector<16xf32> to vector<1x16xf32>
      tpu.vector_store %arg5[%swap3A, %swap3A_32], %swap3A_35 {strides = array<i32>} : memref<128x16xf32, #tpu.memory_space<vmem>>, vector<1x16xf32>,
    }
    %scan3A_14 = arith.constant 128 : i32
    %mul3A_15 = arith.constant 640 : i32
    %mul3A_16 = arith.muli %arg1, %mul3A_15 : i32
    "tpu.region"() ({
      %run_scoped3A = tpu.sem_alloc : memref<!tpu.dma_semaphore, #tpu.memory_space<semaphore_mem>>
      %dma_start3A = arith.constant 0 : i32
      %dma_start3A_31 = tpu.memref_slice %arg7[%mul3A_16, %dma_start3A] : memref<10240x16xf32, #tpu.memory_space<vmem_shared>> -> memref<640x16xf32, #tpu.memory_space<vmem_shared>>
      %dma_start3A_32 = arith.constant 0 : i32
      %dma_start3A_33 = tpu.memref_slice %arg7[%mul3A_16, %dma_start3A_32] : memref<10240x16xf32, #tpu.memory_space<vmem_shared>> -> memref<640x16xf32, #tpu.memory_space<vmem_shared>>
      tpu.enqueue_dma source(%arg6 : memref<640x16xf32, #tpu.memory_space<vmem>>) target(%dma_start3A_33 : memref<640x16xf32, #tpu.memory_space<vmem_shared>>) target_semaphore(%run_scoped3A : memref<!tpu.dma_semaphore, #tpu.memory_space<semaphore_mem>>)
      %dma_wait3A = arith.constant 0 : i32
      %dma_wait3A_34 = tpu.memref_slice %arg7[%mul3A_16, %dma_wait3A] : memref<10240x16xf32, #tpu.memory_space<vmem_shared>> -> memref<640x16xf32, #tpu.memory_space<vmem_shared>>
      %dma_wait3A_35 = arith.constant 0 : i32
      %dma_wait3A_36 = tpu.memref_slice %arg7[%mul3A_16, %dma_wait3A_35] : memref<10240x16xf32, #tpu.memory_space<vmem_shared>> -> memref<640x16xf32, #tpu.memory_space<vmem_shared>>
      tpu.wait_dma2 semaphore(%run_scoped3A : memref<!tpu.dma_semaphore, #tpu.memory_space<semaphore_mem>>) src(%arg6 : memref<640x16xf32, #tpu.memory_space<vmem>>) dst(%dma_wait3A_36 : memref<640x16xf32, #tpu.memory_space<vmem_shared>>)
      tpu.yield
    }) : () -> ()
    %barrier3A = arith.constant 0 : index
    tpu.barrier barrier_id(%barrier3A)
    "tpu.region"() ({
      %run_scoped3A = tpu.sem_alloc : memref<!tpu.dma_semaphore, #tpu.memory_space<semaphore_mem>>
      %dma_start3A = arith.constant 0 : i32
      %dma_start3A_31 = arith.constant 0 : i32
      %dma_start3A_32 = tpu.memref_slice %arg2[%add3A, %dma_start3A, %dma_start3A_31] : memref<32x80x128xi32, #tpu.memory_space<hbm>> -> memref<1x80x128xi32, #tpu.memory_space<hbm>>
      %dma_start3A_33 = tpu.memref_squeeze %dma_start3A_32 : memref<1x80x128xi32, #tpu.memory_space<hbm>> -> memref<80x128xi32, #tpu.memory_space<hbm>>
      %dma_start3A_34 = arith.constant 0 : i32
      %dma_start3A_35 = arith.constant 0 : i32
      %dma_start3A_36 = tpu.memref_slice %arg2[%add3A, %dma_start3A_34, %dma_start3A_35] : memref<32x80x128xi32, #tpu.memory_space<hbm>> -> memref<1x80x128xi32, #tpu.memory_space<hbm>>
      %dma_start3A_37 = tpu.memref_squeeze %dma_start3A_36 : memref<1x80x128xi32, #tpu.memory_space<hbm>> -> memref<80x128xi32, #tpu.memory_space<hbm>>
      tpu.enqueue_dma source(%dma_start3A_37 : memref<80x128xi32, #tpu.memory_space<hbm>>) target(%arg4 : memref<80x128xi32, #tpu.memory_space<vmem>>) target_semaphore(%run_scoped3A : memref<!tpu.dma_semaphore, #tpu.memory_space<semaphore_mem>>)
      %dma_wait3A = arith.constant 0 : i32
      %dma_wait3A_38 = arith.constant 0 : i32
      %dma_wait3A_39 = tpu.memref_slice %arg2[%add3A, %dma_wait3A, %dma_wait3A_38] : memref<32x80x128xi32, #tpu.memory_space<hbm>> -> memref<1x80x128xi32, #tpu.memory_space<hbm>>
      %dma_wait3A_40 = tpu.memref_squeeze %dma_wait3A_39 : memref<1x80x128xi32, #tpu.memory_space<hbm>> -> memref<80x128xi32, #tpu.memory_space<hbm>>
      %dma_wait3A_41 = arith.constant 0 : i32
      %dma_wait3A_42 = arith.constant 0 : i32
      %dma_wait3A_43 = tpu.memref_slice %arg2[%add3A, %dma_wait3A_41, %dma_wait3A_42] : memref<32x80x128xi32, #tpu.memory_space<hbm>> -> memref<1x80x128xi32, #tpu.memory_space<hbm>>
      %dma_wait3A_44 = tpu.memref_squeeze %dma_wait3A_43 : memref<1x80x128xi32, #tpu.memory_space<hbm>> -> memref<80x128xi32, #tpu.memory_space<hbm>>
      tpu.wait_dma2 semaphore(%run_scoped3A : memref<!tpu.dma_semaphore, #tpu.memory_space<semaphore_mem>>) src(%dma_wait3A_44 : memref<80x128xi32, #tpu.memory_space<hbm>>) dst(%arg4 : memref<80x128xi32, #tpu.memory_space<vmem>>)
      tpu.yield
    }) : () -> ()
    %scan3A_17 = arith.constant 0 : i32
    %scan3A_18 = arith.constant 0 : i32
    %scan3A_19 = arith.constant 80 : i32
    %scan3A_20 = arith.addi %scan3A_18, %scan3A_19 : i32
    %scan3A_21 = arith.constant 1 : i32
    scf.for %scan3A_31 = %scan3A_18 to %scan3A_20 step %scan3A_21  : i32 {
      "tpu.region"() ({
        %run_scoped3A = tpu.sem_alloc : memref<!tpu.dma_semaphore, #tpu.memory_space<semaphore_mem>>
        %dma_start3A = arith.constant 0 : i32
        %dma_start3A_32 = tpu.memref_slice %arg4[%scan3A_31, %dma_start3A] : memref<80x128xi32, #tpu.memory_space<vmem>> -> memref<1x128xi32, #tpu.memory_space<vmem>>
        %dma_start3A_33 = tpu.memref_squeeze %dma_start3A_32 : memref<1x128xi32, #tpu.memory_space<vmem>> -> memref<128xi32, #tpu.memory_space<vmem>>
        %dma_start3A_34 = arith.constant 0 : i32
        %dma_start3A_35 = arith.constant 0 : i32
        %dma_start3A_36 = tpu.memref_slice %arg7[%dma_start3A_34, %dma_start3A_35] : memref<10240x16xf32, #tpu.memory_space<vmem_shared>> -> memref<10240x16xf32, #tpu.memory_space<vmem_shared>>
        tpu.enqueue_indirect_dma source(%arg5 : memref<128x16xf32, #tpu.memory_space<vmem>>) target(%dma_start3A_36 : memref<10240x16xf32, #tpu.memory_space<vmem_shared>>) offsets(%dma_start3A_33 : memref<128xi32, #tpu.memory_space<vmem>>) semaphore(%run_scoped3A : memref<!tpu.dma_semaphore, #tpu.memory_space<semaphore_mem>>) {add = true}
        %dma_wait3A = arith.constant 0 : i32
        %dma_wait3A_37 = tpu.memref_slice %arg4[%scan3A_31, %dma_wait3A] : memref<80x128xi32, #tpu.memory_space<vmem>> -> memref<1x128xi32, #tpu.memory_space<vmem>>
        %dma_wait3A_38 = tpu.memref_squeeze %dma_wait3A_37 : memref<1x128xi32, #tpu.memory_space<vmem>> -> memref<128xi32, #tpu.memory_space<vmem>>
        %dma_wait3A_39 = arith.constant 0 : i32
        %dma_wait3A_40 = arith.constant 0 : i32
        %dma_wait3A_41 = tpu.memref_slice %arg7[%dma_wait3A_39, %dma_wait3A_40] : memref<10240x16xf32, #tpu.memory_space<vmem_shared>> -> memref<10240x16xf32, #tpu.memory_space<vmem_shared>>
        tpu.wait_indirect_dma semaphore(%run_scoped3A : memref<!tpu.dma_semaphore, #tpu.memory_space<semaphore_mem>>) src(%arg5 : memref<128x16xf32, #tpu.memory_space<vmem>>) dst(%dma_wait3A_41 : memref<10240x16xf32, #tpu.memory_space<vmem_shared>>)
        tpu.yield
      }) : () -> ()
    }
    %scan3A_22 = arith.constant 80 : i32
    %barrier3A_23 = arith.constant 0 : index
    tpu.barrier barrier_id(%barrier3A_23)
    %mul3A_24 = arith.constant 640 : i32
    %mul3A_25 = arith.muli %arg1, %mul3A_24 : i32
    %mul3A_26 = arith.constant 10240 : i32
    %mul3A_27 = arith.muli %arg0, %mul3A_26 : i32
    %mul3A_28 = arith.constant 640 : i32
    %mul3A_29 = arith.muli %arg1, %mul3A_28 : i32
    %add3A_30 = arith.addi %mul3A_27, %mul3A_29 : i32
    "tpu.region"() ({
      %run_scoped3A = tpu.sem_alloc : memref<!tpu.dma_semaphore, #tpu.memory_space<semaphore_mem>>
      %dma_start3A = arith.constant 0 : i32
      %dma_start3A_31 = tpu.memref_slice %arg3[%add3A_30, %dma_start3A] : memref<20480x16xf32, #tpu.memory_space<hbm>> -> memref<640x16xf32, #tpu.memory_space<hbm>>
      %dma_start3A_32 = arith.constant 0 : i32
      %dma_start3A_33 = tpu.memref_slice %arg7[%mul3A_25, %dma_start3A_32] : memref<10240x16xf32, #tpu.memory_space<vmem_shared>> -> memref<640x16xf32, #tpu.memory_space<vmem_shared>>
      tpu.enqueue_dma source(%dma_start3A_33 : memref<640x16xf32, #tpu.memory_space<vmem_shared>>) target(%dma_start3A_31 : memref<640x16xf32, #tpu.memory_space<hbm>>) target_semaphore(%run_scoped3A : memref<!tpu.dma_semaphore, #tpu.memory_space<semaphore_mem>>)
      %dma_wait3A = arith.constant 0 : i32
      %dma_wait3A_34 = tpu.memref_slice %arg3[%add3A_30, %dma_wait3A] : memref<20480x16xf32, #tpu.memory_space<hbm>> -> memref<640x16xf32, #tpu.memory_space<hbm>>
      %dma_wait3A_35 = arith.constant 0 : i32
      %dma_wait3A_36 = tpu.memref_slice %arg7[%mul3A_25, %dma_wait3A_35] : memref<10240x16xf32, #tpu.memory_space<vmem_shared>> -> memref<640x16xf32, #tpu.memory_space<vmem_shared>>
      tpu.wait_dma2 semaphore(%run_scoped3A : memref<!tpu.dma_semaphore, #tpu.memory_space<semaphore_mem>>) src(%dma_wait3A_36 : memref<640x16xf32, #tpu.memory_space<vmem_shared>>) dst(%dma_wait3A_34 : memref<640x16xf32, #tpu.memory_space<hbm>>)
      tpu.yield
    }) : () -> ()
    return
  }
}

#map = affine_map<(d0, d1) -> (0, 0)>
#map1 = affine_map<(d0, d1) -> (0, 0, 0)>
module attributes {stable_mosaic.version = 14 : i64} {
  func.func @_scatter_body(%arg0: i32, %arg1: i32, %arg2: memref<10240x64xf32, #tpu.memory_space<hbm>>, %arg3: memref<10240x64xf32, #tpu.memory_space<hbm>>, %arg4: memref<32x80x128xi32, #tpu.memory_space<hbm>>, %arg5: memref<32x80x128xi32, #tpu.memory_space<hbm>>, %arg6: memref<20480x64xf32, #tpu.memory_space<hbm>>, %arg7: memref<20480x64xf32, #tpu.memory_space<hbm>>, %arg8: memref<80x128xi32, #tpu.memory_space<vmem>>, %arg9: memref<80x128xi32, #tpu.memory_space<vmem>>, %arg10: memref<128x64xf32, #tpu.memory_space<vmem>>, %arg11: memref<128x64xf32, #tpu.memory_space<vmem>>, %arg12: memref<128x64xf32, #tpu.memory_space<vmem>>, %arg13: memref<10240x64xf32, #tpu.memory_space<vmem_shared>>, %arg14: memref<!tpu.dma_semaphore, #tpu.memory_space<semaphore_mem>>, %arg15: memref<!tpu.dma_semaphore, #tpu.memory_space<semaphore_mem>>) attributes {dimension_semantics = [#tpu.dimension_semantics<core_parallel>, #tpu.dimension_semantics<subcore_parallel>], iteration_bounds = array<i64: 2, 16>, scalar_prefetch = 0 : i64, scratch_operands = 8 : i64, tpu.core_type = #tpu.core_type<sc_vector_subcore>, window_params = [{transform_indices = #map}, {transform_indices = #map}, {transform_indices = #map1}, {transform_indices = #map1}, {transform_indices = #map}, {transform_indices = #map}]} {
    %mul3A = arith.constant 16 : i32
    %mul3A_0 = arith.muli %arg0, %mul3A : i32
    %add3A = arith.addi %mul3A_0, %arg1 : i32
    %broadcast_in_dim3A = arith.constant 0.000000e+00 : f32
    %broadcast_in_dim3A_1 = vector.broadcast %broadcast_in_dim3A : f32 to vector<16xf32>
    %scan3A = arith.constant 0 : i32
    %scan3A_2 = arith.constant 0 : i32
    %scan3A_3 = arith.constant 128 : i32
    %scan3A_4 = arith.addi %scan3A_2, %scan3A_3 : i32
    %scan3A_5 = arith.constant 1 : i32
    scf.for %scan3A_91 = %scan3A_2 to %scan3A_4 step %scan3A_5  : i32 {
      %swap3A = arith.index_cast %scan3A_91 : i32 to index
      %swap3A_92 = arith.constant 0 : index
      %swap3A_93 = tpu.vector_load %arg12[%swap3A, %swap3A_92] {strides = array<i32>} : memref<128x64xf32, #tpu.memory_space<vmem>>, vector<1x16xf32>,
      %swap3A_94 = vector.shape_cast %swap3A_93 : vector<1x16xf32> to vector<16xf32>
      %swap3A_95 = vector.shape_cast %broadcast_in_dim3A_1 : vector<16xf32> to vector<1x16xf32>
      tpu.vector_store %arg12[%swap3A, %swap3A_92], %swap3A_95 {strides = array<i32>} : memref<128x64xf32, #tpu.memory_space<vmem>>, vector<1x16xf32>,
      %swap3A_96 = arith.index_cast %scan3A_91 : i32 to index
      %swap3A_97 = arith.constant 16 : index
      %swap3A_98 = tpu.vector_load %arg12[%swap3A_96, %swap3A_97] {strides = array<i32>} : memref<128x64xf32, #tpu.memory_space<vmem>>, vector<1x16xf32>,
      %swap3A_99 = vector.shape_cast %swap3A_98 : vector<1x16xf32> to vector<16xf32>
      %swap3A_100 = vector.shape_cast %broadcast_in_dim3A_1 : vector<16xf32> to vector<1x16xf32>
      tpu.vector_store %arg12[%swap3A_96, %swap3A_97], %swap3A_100 {strides = array<i32>} : memref<128x64xf32, #tpu.memory_space<vmem>>, vector<1x16xf32>,
      %swap3A_101 = arith.index_cast %scan3A_91 : i32 to index
      %swap3A_102 = arith.constant 32 : index
      %swap3A_103 = tpu.vector_load %arg12[%swap3A_101, %swap3A_102] {strides = array<i32>} : memref<128x64xf32, #tpu.memory_space<vmem>>, vector<1x16xf32>,
      %swap3A_104 = vector.shape_cast %swap3A_103 : vector<1x16xf32> to vector<16xf32>
      %swap3A_105 = vector.shape_cast %broadcast_in_dim3A_1 : vector<16xf32> to vector<1x16xf32>
      tpu.vector_store %arg12[%swap3A_101, %swap3A_102], %swap3A_105 {strides = array<i32>} : memref<128x64xf32, #tpu.memory_space<vmem>>, vector<1x16xf32>,
      %swap3A_106 = arith.index_cast %scan3A_91 : i32 to index
      %swap3A_107 = arith.constant 48 : index
      %swap3A_108 = tpu.vector_load %arg12[%swap3A_106, %swap3A_107] {strides = array<i32>} : memref<128x64xf32, #tpu.memory_space<vmem>>, vector<1x16xf32>,
      %swap3A_109 = vector.shape_cast %swap3A_108 : vector<1x16xf32> to vector<16xf32>
      %swap3A_110 = vector.shape_cast %broadcast_in_dim3A_1 : vector<16xf32> to vector<1x16xf32>
      tpu.vector_store %arg12[%swap3A_106, %swap3A_107], %swap3A_110 {strides = array<i32>} : memref<128x64xf32, #tpu.memory_space<vmem>>, vector<1x16xf32>,
    }
    %scan3A_6 = arith.constant 128 : i32
    "tpu.region"() ({
      %run_scoped3A = tpu.sem_alloc : memref<!tpu.dma_semaphore, #tpu.memory_space<semaphore_mem>>
      %dma_start3A_91 = arith.constant 0 : i32
      %dma_start3A_92 = arith.constant 0 : i32
      %dma_start3A_93 = tpu.memref_slice %arg4[%add3A, %dma_start3A_91, %dma_start3A_92] : memref<32x80x128xi32, #tpu.memory_space<hbm>> -> memref<1x80x128xi32, #tpu.memory_space<hbm>>
      %dma_start3A_94 = tpu.memref_squeeze %dma_start3A_93 : memref<1x80x128xi32, #tpu.memory_space<hbm>> -> memref<80x128xi32, #tpu.memory_space<hbm>>
      %dma_start3A_95 = arith.constant 0 : i32
      %dma_start3A_96 = arith.constant 0 : i32
      %dma_start3A_97 = tpu.memref_slice %arg4[%add3A, %dma_start3A_95, %dma_start3A_96] : memref<32x80x128xi32, #tpu.memory_space<hbm>> -> memref<1x80x128xi32, #tpu.memory_space<hbm>>
      %dma_start3A_98 = tpu.memref_squeeze %dma_start3A_97 : memref<1x80x128xi32, #tpu.memory_space<hbm>> -> memref<80x128xi32, #tpu.memory_space<hbm>>
      tpu.enqueue_dma source(%dma_start3A_98 : memref<80x128xi32, #tpu.memory_space<hbm>>) target(%arg8 : memref<80x128xi32, #tpu.memory_space<vmem>>) target_semaphore(%run_scoped3A : memref<!tpu.dma_semaphore, #tpu.memory_space<semaphore_mem>>)
      %dma_wait3A = arith.constant 0 : i32
      %dma_wait3A_99 = arith.constant 0 : i32
      %dma_wait3A_100 = tpu.memref_slice %arg4[%add3A, %dma_wait3A, %dma_wait3A_99] : memref<32x80x128xi32, #tpu.memory_space<hbm>> -> memref<1x80x128xi32, #tpu.memory_space<hbm>>
      %dma_wait3A_101 = tpu.memref_squeeze %dma_wait3A_100 : memref<1x80x128xi32, #tpu.memory_space<hbm>> -> memref<80x128xi32, #tpu.memory_space<hbm>>
      %dma_wait3A_102 = arith.constant 0 : i32
      %dma_wait3A_103 = arith.constant 0 : i32
      %dma_wait3A_104 = tpu.memref_slice %arg4[%add3A, %dma_wait3A_102, %dma_wait3A_103] : memref<32x80x128xi32, #tpu.memory_space<hbm>> -> memref<1x80x128xi32, #tpu.memory_space<hbm>>
      %dma_wait3A_105 = tpu.memref_squeeze %dma_wait3A_104 : memref<1x80x128xi32, #tpu.memory_space<hbm>> -> memref<80x128xi32, #tpu.memory_space<hbm>>
      tpu.wait_dma2 semaphore(%run_scoped3A : memref<!tpu.dma_semaphore, #tpu.memory_space<semaphore_mem>>) src(%dma_wait3A_105 : memref<80x128xi32, #tpu.memory_space<hbm>>) dst(%arg8 : memref<80x128xi32, #tpu.memory_space<vmem>>)
      tpu.yield
    }) : () -> ()
    "tpu.region"() ({
      %run_scoped3A = tpu.sem_alloc : memref<!tpu.dma_semaphore, #tpu.memory_space<semaphore_mem>>
      %dma_start3A_91 = arith.constant 0 : i32
      %dma_start3A_92 = arith.constant 0 : i32
      %dma_start3A_93 = tpu.memref_slice %arg5[%add3A, %dma_start3A_91, %dma_start3A_92] : memref<32x80x128xi32, #tpu.memory_space<hbm>> -> memref<1x80x128xi32, #tpu.memory_space<hbm>>
      %dma_start3A_94 = tpu.memref_squeeze %dma_start3A_93 : memref<1x80x128xi32, #tpu.memory_space<hbm>> -> memref<80x128xi32, #tpu.memory_space<hbm>>
      %dma_start3A_95 = arith.constant 0 : i32
      %dma_start3A_96 = arith.constant 0 : i32
      %dma_start3A_97 = tpu.memref_slice %arg5[%add3A, %dma_start3A_95, %dma_start3A_96] : memref<32x80x128xi32, #tpu.memory_space<hbm>> -> memref<1x80x128xi32, #tpu.memory_space<hbm>>
      %dma_start3A_98 = tpu.memref_squeeze %dma_start3A_97 : memref<1x80x128xi32, #tpu.memory_space<hbm>> -> memref<80x128xi32, #tpu.memory_space<hbm>>
      tpu.enqueue_dma source(%dma_start3A_98 : memref<80x128xi32, #tpu.memory_space<hbm>>) target(%arg9 : memref<80x128xi32, #tpu.memory_space<vmem>>) target_semaphore(%run_scoped3A : memref<!tpu.dma_semaphore, #tpu.memory_space<semaphore_mem>>)
      %dma_wait3A = arith.constant 0 : i32
      %dma_wait3A_99 = arith.constant 0 : i32
      %dma_wait3A_100 = tpu.memref_slice %arg5[%add3A, %dma_wait3A, %dma_wait3A_99] : memref<32x80x128xi32, #tpu.memory_space<hbm>> -> memref<1x80x128xi32, #tpu.memory_space<hbm>>
      %dma_wait3A_101 = tpu.memref_squeeze %dma_wait3A_100 : memref<1x80x128xi32, #tpu.memory_space<hbm>> -> memref<80x128xi32, #tpu.memory_space<hbm>>
      %dma_wait3A_102 = arith.constant 0 : i32
      %dma_wait3A_103 = arith.constant 0 : i32
      %dma_wait3A_104 = tpu.memref_slice %arg5[%add3A, %dma_wait3A_102, %dma_wait3A_103] : memref<32x80x128xi32, #tpu.memory_space<hbm>> -> memref<1x80x128xi32, #tpu.memory_space<hbm>>
      %dma_wait3A_105 = tpu.memref_squeeze %dma_wait3A_104 : memref<1x80x128xi32, #tpu.memory_space<hbm>> -> memref<80x128xi32, #tpu.memory_space<hbm>>
      tpu.wait_dma2 semaphore(%run_scoped3A : memref<!tpu.dma_semaphore, #tpu.memory_space<semaphore_mem>>) src(%dma_wait3A_105 : memref<80x128xi32, #tpu.memory_space<hbm>>) dst(%arg9 : memref<80x128xi32, #tpu.memory_space<vmem>>)
      tpu.yield
    }) : () -> ()
    %barrier3A = arith.constant 0 : index
    tpu.barrier barrier_id(%barrier3A)
    %mul3A_7 = arith.constant 640 : i32
    %mul3A_8 = arith.muli %arg1, %mul3A_7 : i32
    %add3A_9 = arith.constant 0 : i32
    %add3A_10 = arith.addi %mul3A_8, %add3A_9 : i32
    "tpu.region"() ({
      %run_scoped3A = tpu.sem_alloc : memref<!tpu.dma_semaphore, #tpu.memory_space<semaphore_mem>>
      %dma_start3A_91 = arith.constant 0 : i32
      %dma_start3A_92 = tpu.memref_slice %arg13[%add3A_10, %dma_start3A_91] : memref<10240x64xf32, #tpu.memory_space<vmem_shared>> -> memref<128x64xf32, #tpu.memory_space<vmem_shared>>
      %dma_start3A_93 = arith.constant 0 : i32
      %dma_start3A_94 = tpu.memref_slice %arg13[%add3A_10, %dma_start3A_93] : memref<10240x64xf32, #tpu.memory_space<vmem_shared>> -> memref<128x64xf32, #tpu.memory_space<vmem_shared>>
      tpu.enqueue_dma source(%arg12 : memref<128x64xf32, #tpu.memory_space<vmem>>) target(%dma_start3A_94 : memref<128x64xf32, #tpu.memory_space<vmem_shared>>) target_semaphore(%run_scoped3A : memref<!tpu.dma_semaphore, #tpu.memory_space<semaphore_mem>>)
      %dma_wait3A = arith.constant 0 : i32
      %dma_wait3A_95 = tpu.memref_slice %arg13[%add3A_10, %dma_wait3A] : memref<10240x64xf32, #tpu.memory_space<vmem_shared>> -> memref<128x64xf32, #tpu.memory_space<vmem_shared>>
      %dma_wait3A_96 = arith.constant 0 : i32
      %dma_wait3A_97 = tpu.memref_slice %arg13[%add3A_10, %dma_wait3A_96] : memref<10240x64xf32, #tpu.memory_space<vmem_shared>> -> memref<128x64xf32, #tpu.memory_space<vmem_shared>>
      tpu.wait_dma2 semaphore(%run_scoped3A : memref<!tpu.dma_semaphore, #tpu.memory_space<semaphore_mem>>) src(%arg12 : memref<128x64xf32, #tpu.memory_space<vmem>>) dst(%dma_wait3A_97 : memref<128x64xf32, #tpu.memory_space<vmem_shared>>)
      tpu.yield
    }) : () -> ()
    %mul3A_11 = arith.constant 640 : i32
    %mul3A_12 = arith.muli %arg1, %mul3A_11 : i32
    %add3A_13 = arith.constant 128 : i32
    %add3A_14 = arith.addi %mul3A_12, %add3A_13 : i32
    "tpu.region"() ({
      %run_scoped3A = tpu.sem_alloc : memref<!tpu.dma_semaphore, #tpu.memory_space<semaphore_mem>>
      %dma_start3A_91 = arith.constant 0 : i32
      %dma_start3A_92 = tpu.memref_slice %arg13[%add3A_14, %dma_start3A_91] : memref<10240x64xf32, #tpu.memory_space<vmem_shared>> -> memref<128x64xf32, #tpu.memory_space<vmem_shared>>
      %dma_start3A_93 = arith.constant 0 : i32
      %dma_start3A_94 = tpu.memref_slice %arg13[%add3A_14, %dma_start3A_93] : memref<10240x64xf32, #tpu.memory_space<vmem_shared>> -> memref<128x64xf32, #tpu.memory_space<vmem_shared>>
      tpu.enqueue_dma source(%arg12 : memref<128x64xf32, #tpu.memory_space<vmem>>) target(%dma_start3A_94 : memref<128x64xf32, #tpu.memory_space<vmem_shared>>) target_semaphore(%run_scoped3A : memref<!tpu.dma_semaphore, #tpu.memory_space<semaphore_mem>>)
      %dma_wait3A = arith.constant 0 : i32
      %dma_wait3A_95 = tpu.memref_slice %arg13[%add3A_14, %dma_wait3A] : memref<10240x64xf32, #tpu.memory_space<vmem_shared>> -> memref<128x64xf32, #tpu.memory_space<vmem_shared>>
      %dma_wait3A_96 = arith.constant 0 : i32
      %dma_wait3A_97 = tpu.memref_slice %arg13[%add3A_14, %dma_wait3A_96] : memref<10240x64xf32, #tpu.memory_space<vmem_shared>> -> memref<128x64xf32, #tpu.memory_space<vmem_shared>>
      tpu.wait_dma2 semaphore(%run_scoped3A : memref<!tpu.dma_semaphore, #tpu.memory_space<semaphore_mem>>) src(%arg12 : memref<128x64xf32, #tpu.memory_space<vmem>>) dst(%dma_wait3A_97 : memref<128x64xf32, #tpu.memory_space<vmem_shared>>)
      tpu.yield
    }) : () -> ()
    %mul3A_15 = arith.constant 640 : i32
    %mul3A_16 = arith.muli %arg1, %mul3A_15 : i32
    %add3A_17 = arith.constant 256 : i32
    %add3A_18 = arith.addi %mul3A_16, %add3A_17 : i32
    "tpu.region"() ({
      %run_scoped3A = tpu.sem_alloc : memref<!tpu.dma_semaphore, #tpu.memory_space<semaphore_mem>>
      %dma_start3A_91 = arith.constant 0 : i32
      %dma_start3A_92 = tpu.memref_slice %arg13[%add3A_18, %dma_start3A_91] : memref<10240x64xf32, #tpu.memory_space<vmem_shared>> -> memref<128x64xf32, #tpu.memory_space<vmem_shared>>
      %dma_start3A_93 = arith.constant 0 : i32
      %dma_start3A_94 = tpu.memref_slice %arg13[%add3A_18, %dma_start3A_93] : memref<10240x64xf32, #tpu.memory_space<vmem_shared>> -> memref<128x64xf32, #tpu.memory_space<vmem_shared>>
      tpu.enqueue_dma source(%arg12 : memref<128x64xf32, #tpu.memory_space<vmem>>) target(%dma_start3A_94 : memref<128x64xf32, #tpu.memory_space<vmem_shared>>) target_semaphore(%run_scoped3A : memref<!tpu.dma_semaphore, #tpu.memory_space<semaphore_mem>>)
      %dma_wait3A = arith.constant 0 : i32
      %dma_wait3A_95 = tpu.memref_slice %arg13[%add3A_18, %dma_wait3A] : memref<10240x64xf32, #tpu.memory_space<vmem_shared>> -> memref<128x64xf32, #tpu.memory_space<vmem_shared>>
      %dma_wait3A_96 = arith.constant 0 : i32
      %dma_wait3A_97 = tpu.memref_slice %arg13[%add3A_18, %dma_wait3A_96] : memref<10240x64xf32, #tpu.memory_space<vmem_shared>> -> memref<128x64xf32, #tpu.memory_space<vmem_shared>>
      tpu.wait_dma2 semaphore(%run_scoped3A : memref<!tpu.dma_semaphore, #tpu.memory_space<semaphore_mem>>) src(%arg12 : memref<128x64xf32, #tpu.memory_space<vmem>>) dst(%dma_wait3A_97 : memref<128x64xf32, #tpu.memory_space<vmem_shared>>)
      tpu.yield
    }) : () -> ()
    %mul3A_19 = arith.constant 640 : i32
    %mul3A_20 = arith.muli %arg1, %mul3A_19 : i32
    %add3A_21 = arith.constant 384 : i32
    %add3A_22 = arith.addi %mul3A_20, %add3A_21 : i32
    "tpu.region"() ({
      %run_scoped3A = tpu.sem_alloc : memref<!tpu.dma_semaphore, #tpu.memory_space<semaphore_mem>>
      %dma_start3A_91 = arith.constant 0 : i32
      %dma_start3A_92 = tpu.memref_slice %arg13[%add3A_22, %dma_start3A_91] : memref<10240x64xf32, #tpu.memory_space<vmem_shared>> -> memref<128x64xf32, #tpu.memory_space<vmem_shared>>
      %dma_start3A_93 = arith.constant 0 : i32
      %dma_start3A_94 = tpu.memref_slice %arg13[%add3A_22, %dma_start3A_93] : memref<10240x64xf32, #tpu.memory_space<vmem_shared>> -> memref<128x64xf32, #tpu.memory_space<vmem_shared>>
      tpu.enqueue_dma source(%arg12 : memref<128x64xf32, #tpu.memory_space<vmem>>) target(%dma_start3A_94 : memref<128x64xf32, #tpu.memory_space<vmem_shared>>) target_semaphore(%run_scoped3A : memref<!tpu.dma_semaphore, #tpu.memory_space<semaphore_mem>>)
      %dma_wait3A = arith.constant 0 : i32
      %dma_wait3A_95 = tpu.memref_slice %arg13[%add3A_22, %dma_wait3A] : memref<10240x64xf32, #tpu.memory_space<vmem_shared>> -> memref<128x64xf32, #tpu.memory_space<vmem_shared>>
      %dma_wait3A_96 = arith.constant 0 : i32
      %dma_wait3A_97 = tpu.memref_slice %arg13[%add3A_22, %dma_wait3A_96] : memref<10240x64xf32, #tpu.memory_space<vmem_shared>> -> memref<128x64xf32, #tpu.memory_space<vmem_shared>>
      tpu.wait_dma2 semaphore(%run_scoped3A : memref<!tpu.dma_semaphore, #tpu.memory_space<semaphore_mem>>) src(%arg12 : memref<128x64xf32, #tpu.memory_space<vmem>>) dst(%dma_wait3A_97 : memref<128x64xf32, #tpu.memory_space<vmem_shared>>)
      tpu.yield
    }) : () -> ()
    %mul3A_23 = arith.constant 640 : i32
    %mul3A_24 = arith.muli %arg1, %mul3A_23 : i32
    %add3A_25 = arith.constant 512 : i32
    %add3A_26 = arith.addi %mul3A_24, %add3A_25 : i32
    "tpu.region"() ({
      %run_scoped3A = tpu.sem_alloc : memref<!tpu.dma_semaphore, #tpu.memory_space<semaphore_mem>>
      %dma_start3A_91 = arith.constant 0 : i32
      %dma_start3A_92 = tpu.memref_slice %arg13[%add3A_26, %dma_start3A_91] : memref<10240x64xf32, #tpu.memory_space<vmem_shared>> -> memref<128x64xf32, #tpu.memory_space<vmem_shared>>
      %dma_start3A_93 = arith.constant 0 : i32
      %dma_start3A_94 = tpu.memref_slice %arg13[%add3A_26, %dma_start3A_93] : memref<10240x64xf32, #tpu.memory_space<vmem_shared>> -> memref<128x64xf32, #tpu.memory_space<vmem_shared>>
      tpu.enqueue_dma source(%arg12 : memref<128x64xf32, #tpu.memory_space<vmem>>) target(%dma_start3A_94 : memref<128x64xf32, #tpu.memory_space<vmem_shared>>) target_semaphore(%run_scoped3A : memref<!tpu.dma_semaphore, #tpu.memory_space<semaphore_mem>>)
      %dma_wait3A = arith.constant 0 : i32
      %dma_wait3A_95 = tpu.memref_slice %arg13[%add3A_26, %dma_wait3A] : memref<10240x64xf32, #tpu.memory_space<vmem_shared>> -> memref<128x64xf32, #tpu.memory_space<vmem_shared>>
      %dma_wait3A_96 = arith.constant 0 : i32
      %dma_wait3A_97 = tpu.memref_slice %arg13[%add3A_26, %dma_wait3A_96] : memref<10240x64xf32, #tpu.memory_space<vmem_shared>> -> memref<128x64xf32, #tpu.memory_space<vmem_shared>>
      tpu.wait_dma2 semaphore(%run_scoped3A : memref<!tpu.dma_semaphore, #tpu.memory_space<semaphore_mem>>) src(%arg12 : memref<128x64xf32, #tpu.memory_space<vmem>>) dst(%dma_wait3A_97 : memref<128x64xf32, #tpu.memory_space<vmem_shared>>)
      tpu.yield
    }) : () -> ()
    %barrier3A_27 = arith.constant 0 : index
    tpu.barrier barrier_id(%barrier3A_27)
    %dma_start3A = arith.constant 0 : i32
    %dma_start3A_28 = arith.constant 0 : i32
    %dma_start3A_29 = tpu.memref_slice %arg8[%dma_start3A, %dma_start3A_28] : memref<80x128xi32, #tpu.memory_space<vmem>> -> memref<1x128xi32, #tpu.memory_space<vmem>>
    %dma_start3A_30 = tpu.memref_squeeze %dma_start3A_29 : memref<1x128xi32, #tpu.memory_space<vmem>> -> memref<128xi32, #tpu.memory_space<vmem>>
    %dma_start3A_31 = arith.constant 0 : i32
    %dma_start3A_32 = arith.constant 0 : i32
    %dma_start3A_33 = tpu.memref_slice %arg2[%dma_start3A_31, %dma_start3A_32] : memref<10240x64xf32, #tpu.memory_space<hbm>> -> memref<10240x64xf32, #tpu.memory_space<hbm>>
    tpu.enqueue_indirect_dma source(%dma_start3A_33 : memref<10240x64xf32, #tpu.memory_space<hbm>>) target(%arg10 : memref<128x64xf32, #tpu.memory_space<vmem>>) offsets(%dma_start3A_30 : memref<128xi32, #tpu.memory_space<vmem>>) semaphore(%arg14 : memref<!tpu.dma_semaphore, #tpu.memory_space<semaphore_mem>>)
    %scan3A_34 = arith.constant 0 : i32
    %scan3A_35 = arith.constant 0 : i32
    %scan3A_36 = arith.constant 40 : i32
    %scan3A_37 = arith.addi %scan3A_35, %scan3A_36 : i32
    %scan3A_38 = arith.constant 1 : i32
    scf.for %scan3A_91 = %scan3A_35 to %scan3A_37 step %scan3A_38  : i32 {
      %mul3A_92 = arith.constant 2 : i32
      %mul3A_93 = arith.muli %scan3A_91, %mul3A_92 : i32
      %add3A_94 = arith.constant 1 : i32
      %add3A_95 = arith.addi %mul3A_93, %add3A_94 : i32
      %dma_start3A_96 = arith.constant 0 : i32
      %dma_start3A_97 = tpu.memref_slice %arg8[%add3A_95, %dma_start3A_96] : memref<80x128xi32, #tpu.memory_space<vmem>> -> memref<1x128xi32, #tpu.memory_space<vmem>>
      %dma_start3A_98 = tpu.memref_squeeze %dma_start3A_97 : memref<1x128xi32, #tpu.memory_space<vmem>> -> memref<128xi32, #tpu.memory_space<vmem>>
      %dma_start3A_99 = arith.constant 0 : i32
      %dma_start3A_100 = arith.constant 0 : i32
      %dma_start3A_101 = tpu.memref_slice %arg2[%dma_start3A_99, %dma_start3A_100] : memref<10240x64xf32, #tpu.memory_space<hbm>> -> memref<10240x64xf32, #tpu.memory_space<hbm>>
      tpu.enqueue_indirect_dma source(%dma_start3A_101 : memref<10240x64xf32, #tpu.memory_space<hbm>>) target(%arg11 : memref<128x64xf32, #tpu.memory_space<vmem>>) offsets(%dma_start3A_98 : memref<128xi32, #tpu.memory_space<vmem>>) semaphore(%arg15 : memref<!tpu.dma_semaphore, #tpu.memory_space<semaphore_mem>>)
      %dma_wait3A = arith.constant 0 : i32
      %dma_wait3A_102 = tpu.memref_slice %arg8[%mul3A_93, %dma_wait3A] : memref<80x128xi32, #tpu.memory_space<vmem>> -> memref<1x128xi32, #tpu.memory_space<vmem>>
      %dma_wait3A_103 = tpu.memref_squeeze %dma_wait3A_102 : memref<1x128xi32, #tpu.memory_space<vmem>> -> memref<128xi32, #tpu.memory_space<vmem>>
      %dma_wait3A_104 = arith.constant 0 : i32
      %dma_wait3A_105 = arith.constant 0 : i32
      %dma_wait3A_106 = tpu.memref_slice %arg2[%dma_wait3A_104, %dma_wait3A_105] : memref<10240x64xf32, #tpu.memory_space<hbm>> -> memref<10240x64xf32, #tpu.memory_space<hbm>>
      tpu.wait_indirect_dma semaphore(%arg14 : memref<!tpu.dma_semaphore, #tpu.memory_space<semaphore_mem>>) src(%dma_wait3A_106 : memref<10240x64xf32, #tpu.memory_space<hbm>>) dst(%arg10 : memref<128x64xf32, #tpu.memory_space<vmem>>)
      "tpu.region"() ({
        %run_scoped3A = tpu.sem_alloc : memref<!tpu.dma_semaphore, #tpu.memory_space<semaphore_mem>>
        %dma_start3A_121 = arith.constant 0 : i32
        %dma_start3A_122 = tpu.memref_slice %arg9[%mul3A_93, %dma_start3A_121] : memref<80x128xi32, #tpu.memory_space<vmem>> -> memref<1x128xi32, #tpu.memory_space<vmem>>
        %dma_start3A_123 = tpu.memref_squeeze %dma_start3A_122 : memref<1x128xi32, #tpu.memory_space<vmem>> -> memref<128xi32, #tpu.memory_space<vmem>>
        %dma_start3A_124 = arith.constant 0 : i32
        %dma_start3A_125 = arith.constant 0 : i32
        %dma_start3A_126 = tpu.memref_slice %arg13[%dma_start3A_124, %dma_start3A_125] : memref<10240x64xf32, #tpu.memory_space<vmem_shared>> -> memref<10240x64xf32, #tpu.memory_space<vmem_shared>>
        tpu.enqueue_indirect_dma source(%arg10 : memref<128x64xf32, #tpu.memory_space<vmem>>) target(%dma_start3A_126 : memref<10240x64xf32, #tpu.memory_space<vmem_shared>>) offsets(%dma_start3A_123 : memref<128xi32, #tpu.memory_space<vmem>>) semaphore(%run_scoped3A : memref<!tpu.dma_semaphore, #tpu.memory_space<semaphore_mem>>) {add = true}
        %dma_wait3A_127 = arith.constant 0 : i32
        %dma_wait3A_128 = tpu.memref_slice %arg9[%mul3A_93, %dma_wait3A_127] : memref<80x128xi32, #tpu.memory_space<vmem>> -> memref<1x128xi32, #tpu.memory_space<vmem>>
        %dma_wait3A_129 = tpu.memref_squeeze %dma_wait3A_128 : memref<1x128xi32, #tpu.memory_space<vmem>> -> memref<128xi32, #tpu.memory_space<vmem>>
        %dma_wait3A_130 = arith.constant 0 : i32
        %dma_wait3A_131 = arith.constant 0 : i32
        %dma_wait3A_132 = tpu.memref_slice %arg13[%dma_wait3A_130, %dma_wait3A_131] : memref<10240x64xf32, #tpu.memory_space<vmem_shared>> -> memref<10240x64xf32, #tpu.memory_space<vmem_shared>>
        tpu.wait_indirect_dma semaphore(%run_scoped3A : memref<!tpu.dma_semaphore, #tpu.memory_space<semaphore_mem>>) src(%arg10 : memref<128x64xf32, #tpu.memory_space<vmem>>) dst(%dma_wait3A_132 : memref<10240x64xf32, #tpu.memory_space<vmem_shared>>)
        tpu.yield
      }) : () -> ()
      %add3A_107 = arith.constant 2 : i32
      %add3A_108 = arith.addi %mul3A_93, %add3A_107 : i32
      %lt3A = arith.constant 80 : i32
      %lt3A_109 = arith.cmpi slt, %add3A_108, %lt3A : i32
      %convert_element_type3A = arith.extui %lt3A_109 : i1 to i32
      %cond3A = arith.constant 0 : i32
      %cond3A_110 = arith.cmpi ne, %convert_element_type3A, %cond3A : i32
      scf.if %cond3A_110 {
        %add3A_121 = arith.constant 2 : i32
        %add3A_122 = arith.addi %mul3A_93, %add3A_121 : i32
        %dma_start3A_123 = arith.constant 0 : i32
        %dma_start3A_124 = tpu.memref_slice %arg8[%add3A_122, %dma_start3A_123] : memref<80x128xi32, #tpu.memory_space<vmem>> -> memref<1x128xi32, #tpu.memory_space<vmem>>
        %dma_start3A_125 = tpu.memref_squeeze %dma_start3A_124 : memref<1x128xi32, #tpu.memory_space<vmem>> -> memref<128xi32, #tpu.memory_space<vmem>>
        %dma_start3A_126 = arith.constant 0 : i32
        %dma_start3A_127 = arith.constant 0 : i32
        %dma_start3A_128 = tpu.memref_slice %arg2[%dma_start3A_126, %dma_start3A_127] : memref<10240x64xf32, #tpu.memory_space<hbm>> -> memref<10240x64xf32, #tpu.memory_space<hbm>>
        tpu.enqueue_indirect_dma source(%dma_start3A_128 : memref<10240x64xf32, #tpu.memory_space<hbm>>) target(%arg10 : memref<128x64xf32, #tpu.memory_space<vmem>>) offsets(%dma_start3A_125 : memref<128xi32, #tpu.memory_space<vmem>>) semaphore(%arg14 : memref<!tpu.dma_semaphore, #tpu.memory_space<semaphore_mem>>)
      } else {
      }
      %add3A_111 = arith.constant 1 : i32
      %add3A_112 = arith.addi %mul3A_93, %add3A_111 : i32
      %dma_wait3A_113 = arith.constant 0 : i32
      %dma_wait3A_114 = tpu.memref_slice %arg8[%add3A_112, %dma_wait3A_113] : memref<80x128xi32, #tpu.memory_space<vmem>> -> memref<1x128xi32, #tpu.memory_space<vmem>>
      %dma_wait3A_115 = tpu.memref_squeeze %dma_wait3A_114 : memref<1x128xi32, #tpu.memory_space<vmem>> -> memref<128xi32, #tpu.memory_space<vmem>>
      %dma_wait3A_116 = arith.constant 0 : i32
      %dma_wait3A_117 = arith.constant 0 : i32
      %dma_wait3A_118 = tpu.memref_slice %arg2[%dma_wait3A_116, %dma_wait3A_117] : memref<10240x64xf32, #tpu.memory_space<hbm>> -> memref<10240x64xf32, #tpu.memory_space<hbm>>
      tpu.wait_indirect_dma semaphore(%arg15 : memref<!tpu.dma_semaphore, #tpu.memory_space<semaphore_mem>>) src(%dma_wait3A_118 : memref<10240x64xf32, #tpu.memory_space<hbm>>) dst(%arg11 : memref<128x64xf32, #tpu.memory_space<vmem>>)
      %add3A_119 = arith.constant 1 : i32
      %add3A_120 = arith.addi %mul3A_93, %add3A_119 : i32
      "tpu.region"() ({
        %run_scoped3A = tpu.sem_alloc : memref<!tpu.dma_semaphore, #tpu.memory_space<semaphore_mem>>
        %dma_start3A_121 = arith.constant 0 : i32
        %dma_start3A_122 = tpu.memref_slice %arg9[%add3A_120, %dma_start3A_121] : memref<80x128xi32, #tpu.memory_space<vmem>> -> memref<1x128xi32, #tpu.memory_space<vmem>>
        %dma_start3A_123 = tpu.memref_squeeze %dma_start3A_122 : memref<1x128xi32, #tpu.memory_space<vmem>> -> memref<128xi32, #tpu.memory_space<vmem>>
        %dma_start3A_124 = arith.constant 0 : i32
        %dma_start3A_125 = arith.constant 0 : i32
        %dma_start3A_126 = tpu.memref_slice %arg13[%dma_start3A_124, %dma_start3A_125] : memref<10240x64xf32, #tpu.memory_space<vmem_shared>> -> memref<10240x64xf32, #tpu.memory_space<vmem_shared>>
        tpu.enqueue_indirect_dma source(%arg11 : memref<128x64xf32, #tpu.memory_space<vmem>>) target(%dma_start3A_126 : memref<10240x64xf32, #tpu.memory_space<vmem_shared>>) offsets(%dma_start3A_123 : memref<128xi32, #tpu.memory_space<vmem>>) semaphore(%run_scoped3A : memref<!tpu.dma_semaphore, #tpu.memory_space<semaphore_mem>>) {add = true}
        %dma_wait3A_127 = arith.constant 0 : i32
        %dma_wait3A_128 = tpu.memref_slice %arg9[%add3A_120, %dma_wait3A_127] : memref<80x128xi32, #tpu.memory_space<vmem>> -> memref<1x128xi32, #tpu.memory_space<vmem>>
        %dma_wait3A_129 = tpu.memref_squeeze %dma_wait3A_128 : memref<1x128xi32, #tpu.memory_space<vmem>> -> memref<128xi32, #tpu.memory_space<vmem>>
        %dma_wait3A_130 = arith.constant 0 : i32
        %dma_wait3A_131 = arith.constant 0 : i32
        %dma_wait3A_132 = tpu.memref_slice %arg13[%dma_wait3A_130, %dma_wait3A_131] : memref<10240x64xf32, #tpu.memory_space<vmem_shared>> -> memref<10240x64xf32, #tpu.memory_space<vmem_shared>>
        tpu.wait_indirect_dma semaphore(%run_scoped3A : memref<!tpu.dma_semaphore, #tpu.memory_space<semaphore_mem>>) src(%arg11 : memref<128x64xf32, #tpu.memory_space<vmem>>) dst(%dma_wait3A_132 : memref<10240x64xf32, #tpu.memory_space<vmem_shared>>)
        tpu.yield
      }) : () -> ()
    }
    %scan3A_39 = arith.constant 40 : i32
    %barrier3A_40 = arith.constant 0 : index
    tpu.barrier barrier_id(%barrier3A_40)
    %mul3A_41 = arith.constant 640 : i32
    %mul3A_42 = arith.muli %arg1, %mul3A_41 : i32
    %mul3A_43 = arith.constant 10240 : i32
    %mul3A_44 = arith.muli %arg0, %mul3A_43 : i32
    %mul3A_45 = arith.constant 640 : i32
    %mul3A_46 = arith.muli %arg1, %mul3A_45 : i32
    %add3A_47 = arith.addi %mul3A_44, %mul3A_46 : i32
    "tpu.region"() ({
      %run_scoped3A = tpu.sem_alloc : memref<!tpu.dma_semaphore, #tpu.memory_space<semaphore_mem>>
      %dma_start3A_91 = arith.constant 0 : i32
      %dma_start3A_92 = tpu.memref_slice %arg6[%add3A_47, %dma_start3A_91] : memref<20480x64xf32, #tpu.memory_space<hbm>> -> memref<640x64xf32, #tpu.memory_space<hbm>>
      %dma_start3A_93 = arith.constant 0 : i32
      %dma_start3A_94 = tpu.memref_slice %arg13[%mul3A_42, %dma_start3A_93] : memref<10240x64xf32, #tpu.memory_space<vmem_shared>> -> memref<640x64xf32, #tpu.memory_space<vmem_shared>>
      tpu.enqueue_dma source(%dma_start3A_94 : memref<640x64xf32, #tpu.memory_space<vmem_shared>>) target(%dma_start3A_92 : memref<640x64xf32, #tpu.memory_space<hbm>>) target_semaphore(%run_scoped3A : memref<!tpu.dma_semaphore, #tpu.memory_space<semaphore_mem>>)
      %dma_wait3A = arith.constant 0 : i32
      %dma_wait3A_95 = tpu.memref_slice %arg6[%add3A_47, %dma_wait3A] : memref<20480x64xf32, #tpu.memory_space<hbm>> -> memref<640x64xf32, #tpu.memory_space<hbm>>
      %dma_wait3A_96 = arith.constant 0 : i32
      %dma_wait3A_97 = tpu.memref_slice %arg13[%mul3A_42, %dma_wait3A_96] : memref<10240x64xf32, #tpu.memory_space<vmem_shared>> -> memref<640x64xf32, #tpu.memory_space<vmem_shared>>
      tpu.wait_dma2 semaphore(%run_scoped3A : memref<!tpu.dma_semaphore, #tpu.memory_space<semaphore_mem>>) src(%dma_wait3A_97 : memref<640x64xf32, #tpu.memory_space<vmem_shared>>) dst(%dma_wait3A_95 : memref<640x64xf32, #tpu.memory_space<hbm>>)
      tpu.yield
    }) : () -> ()
    %barrier3A_48 = arith.constant 0 : index
    tpu.barrier barrier_id(%barrier3A_48)
    %mul3A_49 = arith.constant 640 : i32
    %mul3A_50 = arith.muli %arg1, %mul3A_49 : i32
    %add3A_51 = arith.constant 0 : i32
    %add3A_52 = arith.addi %mul3A_50, %add3A_51 : i32
    "tpu.region"() ({
      %run_scoped3A = tpu.sem_alloc : memref<!tpu.dma_semaphore, #tpu.memory_space<semaphore_mem>>
      %dma_start3A_91 = arith.constant 0 : i32
      %dma_start3A_92 = tpu.memref_slice %arg13[%add3A_52, %dma_start3A_91] : memref<10240x64xf32, #tpu.memory_space<vmem_shared>> -> memref<128x64xf32, #tpu.memory_space<vmem_shared>>
      %dma_start3A_93 = arith.constant 0 : i32
      %dma_start3A_94 = tpu.memref_slice %arg13[%add3A_52, %dma_start3A_93] : memref<10240x64xf32, #tpu.memory_space<vmem_shared>> -> memref<128x64xf32, #tpu.memory_space<vmem_shared>>
      tpu.enqueue_dma source(%arg12 : memref<128x64xf32, #tpu.memory_space<vmem>>) target(%dma_start3A_94 : memref<128x64xf32, #tpu.memory_space<vmem_shared>>) target_semaphore(%run_scoped3A : memref<!tpu.dma_semaphore, #tpu.memory_space<semaphore_mem>>)
      %dma_wait3A = arith.constant 0 : i32
      %dma_wait3A_95 = tpu.memref_slice %arg13[%add3A_52, %dma_wait3A] : memref<10240x64xf32, #tpu.memory_space<vmem_shared>> -> memref<128x64xf32, #tpu.memory_space<vmem_shared>>
      %dma_wait3A_96 = arith.constant 0 : i32
      %dma_wait3A_97 = tpu.memref_slice %arg13[%add3A_52, %dma_wait3A_96] : memref<10240x64xf32, #tpu.memory_space<vmem_shared>> -> memref<128x64xf32, #tpu.memory_space<vmem_shared>>
      tpu.wait_dma2 semaphore(%run_scoped3A : memref<!tpu.dma_semaphore, #tpu.memory_space<semaphore_mem>>) src(%arg12 : memref<128x64xf32, #tpu.memory_space<vmem>>) dst(%dma_wait3A_97 : memref<128x64xf32, #tpu.memory_space<vmem_shared>>)
      tpu.yield
    }) : () -> ()
    %mul3A_53 = arith.constant 640 : i32
    %mul3A_54 = arith.muli %arg1, %mul3A_53 : i32
    %add3A_55 = arith.constant 128 : i32
    %add3A_56 = arith.addi %mul3A_54, %add3A_55 : i32
    "tpu.region"() ({
      %run_scoped3A = tpu.sem_alloc : memref<!tpu.dma_semaphore, #tpu.memory_space<semaphore_mem>>
      %dma_start3A_91 = arith.constant 0 : i32
      %dma_start3A_92 = tpu.memref_slice %arg13[%add3A_56, %dma_start3A_91] : memref<10240x64xf32, #tpu.memory_space<vmem_shared>> -> memref<128x64xf32, #tpu.memory_space<vmem_shared>>
      %dma_start3A_93 = arith.constant 0 : i32
      %dma_start3A_94 = tpu.memref_slice %arg13[%add3A_56, %dma_start3A_93] : memref<10240x64xf32, #tpu.memory_space<vmem_shared>> -> memref<128x64xf32, #tpu.memory_space<vmem_shared>>
      tpu.enqueue_dma source(%arg12 : memref<128x64xf32, #tpu.memory_space<vmem>>) target(%dma_start3A_94 : memref<128x64xf32, #tpu.memory_space<vmem_shared>>) target_semaphore(%run_scoped3A : memref<!tpu.dma_semaphore, #tpu.memory_space<semaphore_mem>>)
      %dma_wait3A = arith.constant 0 : i32
      %dma_wait3A_95 = tpu.memref_slice %arg13[%add3A_56, %dma_wait3A] : memref<10240x64xf32, #tpu.memory_space<vmem_shared>> -> memref<128x64xf32, #tpu.memory_space<vmem_shared>>
      %dma_wait3A_96 = arith.constant 0 : i32
      %dma_wait3A_97 = tpu.memref_slice %arg13[%add3A_56, %dma_wait3A_96] : memref<10240x64xf32, #tpu.memory_space<vmem_shared>> -> memref<128x64xf32, #tpu.memory_space<vmem_shared>>
      tpu.wait_dma2 semaphore(%run_scoped3A : memref<!tpu.dma_semaphore, #tpu.memory_space<semaphore_mem>>) src(%arg12 : memref<128x64xf32, #tpu.memory_space<vmem>>) dst(%dma_wait3A_97 : memref<128x64xf32, #tpu.memory_space<vmem_shared>>)
      tpu.yield
    }) : () -> ()
    %mul3A_57 = arith.constant 640 : i32
    %mul3A_58 = arith.muli %arg1, %mul3A_57 : i32
    %add3A_59 = arith.constant 256 : i32
    %add3A_60 = arith.addi %mul3A_58, %add3A_59 : i32
    "tpu.region"() ({
      %run_scoped3A = tpu.sem_alloc : memref<!tpu.dma_semaphore, #tpu.memory_space<semaphore_mem>>
      %dma_start3A_91 = arith.constant 0 : i32
      %dma_start3A_92 = tpu.memref_slice %arg13[%add3A_60, %dma_start3A_91] : memref<10240x64xf32, #tpu.memory_space<vmem_shared>> -> memref<128x64xf32, #tpu.memory_space<vmem_shared>>
      %dma_start3A_93 = arith.constant 0 : i32
      %dma_start3A_94 = tpu.memref_slice %arg13[%add3A_60, %dma_start3A_93] : memref<10240x64xf32, #tpu.memory_space<vmem_shared>> -> memref<128x64xf32, #tpu.memory_space<vmem_shared>>
      tpu.enqueue_dma source(%arg12 : memref<128x64xf32, #tpu.memory_space<vmem>>) target(%dma_start3A_94 : memref<128x64xf32, #tpu.memory_space<vmem_shared>>) target_semaphore(%run_scoped3A : memref<!tpu.dma_semaphore, #tpu.memory_space<semaphore_mem>>)
      %dma_wait3A = arith.constant 0 : i32
      %dma_wait3A_95 = tpu.memref_slice %arg13[%add3A_60, %dma_wait3A] : memref<10240x64xf32, #tpu.memory_space<vmem_shared>> -> memref<128x64xf32, #tpu.memory_space<vmem_shared>>
      %dma_wait3A_96 = arith.constant 0 : i32
      %dma_wait3A_97 = tpu.memref_slice %arg13[%add3A_60, %dma_wait3A_96] : memref<10240x64xf32, #tpu.memory_space<vmem_shared>> -> memref<128x64xf32, #tpu.memory_space<vmem_shared>>
      tpu.wait_dma2 semaphore(%run_scoped3A : memref<!tpu.dma_semaphore, #tpu.memory_space<semaphore_mem>>) src(%arg12 : memref<128x64xf32, #tpu.memory_space<vmem>>) dst(%dma_wait3A_97 : memref<128x64xf32, #tpu.memory_space<vmem_shared>>)
      tpu.yield
    }) : () -> ()
    %mul3A_61 = arith.constant 640 : i32
    %mul3A_62 = arith.muli %arg1, %mul3A_61 : i32
    %add3A_63 = arith.constant 384 : i32
    %add3A_64 = arith.addi %mul3A_62, %add3A_63 : i32
    "tpu.region"() ({
      %run_scoped3A = tpu.sem_alloc : memref<!tpu.dma_semaphore, #tpu.memory_space<semaphore_mem>>
      %dma_start3A_91 = arith.constant 0 : i32
      %dma_start3A_92 = tpu.memref_slice %arg13[%add3A_64, %dma_start3A_91] : memref<10240x64xf32, #tpu.memory_space<vmem_shared>> -> memref<128x64xf32, #tpu.memory_space<vmem_shared>>
      %dma_start3A_93 = arith.constant 0 : i32
      %dma_start3A_94 = tpu.memref_slice %arg13[%add3A_64, %dma_start3A_93] : memref<10240x64xf32, #tpu.memory_space<vmem_shared>> -> memref<128x64xf32, #tpu.memory_space<vmem_shared>>
      tpu.enqueue_dma source(%arg12 : memref<128x64xf32, #tpu.memory_space<vmem>>) target(%dma_start3A_94 : memref<128x64xf32, #tpu.memory_space<vmem_shared>>) target_semaphore(%run_scoped3A : memref<!tpu.dma_semaphore, #tpu.memory_space<semaphore_mem>>)
      %dma_wait3A = arith.constant 0 : i32
      %dma_wait3A_95 = tpu.memref_slice %arg13[%add3A_64, %dma_wait3A] : memref<10240x64xf32, #tpu.memory_space<vmem_shared>> -> memref<128x64xf32, #tpu.memory_space<vmem_shared>>
      %dma_wait3A_96 = arith.constant 0 : i32
      %dma_wait3A_97 = tpu.memref_slice %arg13[%add3A_64, %dma_wait3A_96] : memref<10240x64xf32, #tpu.memory_space<vmem_shared>> -> memref<128x64xf32, #tpu.memory_space<vmem_shared>>
      tpu.wait_dma2 semaphore(%run_scoped3A : memref<!tpu.dma_semaphore, #tpu.memory_space<semaphore_mem>>) src(%arg12 : memref<128x64xf32, #tpu.memory_space<vmem>>) dst(%dma_wait3A_97 : memref<128x64xf32, #tpu.memory_space<vmem_shared>>)
      tpu.yield
    }) : () -> ()
    %mul3A_65 = arith.constant 640 : i32
    %mul3A_66 = arith.muli %arg1, %mul3A_65 : i32
    %add3A_67 = arith.constant 512 : i32
    %add3A_68 = arith.addi %mul3A_66, %add3A_67 : i32
    "tpu.region"() ({
      %run_scoped3A = tpu.sem_alloc : memref<!tpu.dma_semaphore, #tpu.memory_space<semaphore_mem>>
      %dma_start3A_91 = arith.constant 0 : i32
      %dma_start3A_92 = tpu.memref_slice %arg13[%add3A_68, %dma_start3A_91] : memref<10240x64xf32, #tpu.memory_space<vmem_shared>> -> memref<128x64xf32, #tpu.memory_space<vmem_shared>>
      %dma_start3A_93 = arith.constant 0 : i32
      %dma_start3A_94 = tpu.memref_slice %arg13[%add3A_68, %dma_start3A_93] : memref<10240x64xf32, #tpu.memory_space<vmem_shared>> -> memref<128x64xf32, #tpu.memory_space<vmem_shared>>
      tpu.enqueue_dma source(%arg12 : memref<128x64xf32, #tpu.memory_space<vmem>>) target(%dma_start3A_94 : memref<128x64xf32, #tpu.memory_space<vmem_shared>>) target_semaphore(%run_scoped3A : memref<!tpu.dma_semaphore, #tpu.memory_space<semaphore_mem>>)
      %dma_wait3A = arith.constant 0 : i32
      %dma_wait3A_95 = tpu.memref_slice %arg13[%add3A_68, %dma_wait3A] : memref<10240x64xf32, #tpu.memory_space<vmem_shared>> -> memref<128x64xf32, #tpu.memory_space<vmem_shared>>
      %dma_wait3A_96 = arith.constant 0 : i32
      %dma_wait3A_97 = tpu.memref_slice %arg13[%add3A_68, %dma_wait3A_96] : memref<10240x64xf32, #tpu.memory_space<vmem_shared>> -> memref<128x64xf32, #tpu.memory_space<vmem_shared>>
      tpu.wait_dma2 semaphore(%run_scoped3A : memref<!tpu.dma_semaphore, #tpu.memory_space<semaphore_mem>>) src(%arg12 : memref<128x64xf32, #tpu.memory_space<vmem>>) dst(%dma_wait3A_97 : memref<128x64xf32, #tpu.memory_space<vmem_shared>>)
      tpu.yield
    }) : () -> ()
    %barrier3A_69 = arith.constant 0 : index
    tpu.barrier barrier_id(%barrier3A_69)
    %dma_start3A_70 = arith.constant 0 : i32
    %dma_start3A_71 = arith.constant 0 : i32
    %dma_start3A_72 = tpu.memref_slice %arg8[%dma_start3A_70, %dma_start3A_71] : memref<80x128xi32, #tpu.memory_space<vmem>> -> memref<1x128xi32, #tpu.memory_space<vmem>>
    %dma_start3A_73 = tpu.memref_squeeze %dma_start3A_72 : memref<1x128xi32, #tpu.memory_space<vmem>> -> memref<128xi32, #tpu.memory_space<vmem>>
    %dma_start3A_74 = arith.constant 0 : i32
    %dma_start3A_75 = arith.constant 0 : i32
    %dma_start3A_76 = tpu.memref_slice %arg3[%dma_start3A_74, %dma_start3A_75] : memref<10240x64xf32, #tpu.memory_space<hbm>> -> memref<10240x64xf32, #tpu.memory_space<hbm>>
    tpu.enqueue_indirect_dma source(%dma_start3A_76 : memref<10240x64xf32, #tpu.memory_space<hbm>>) target(%arg10 : memref<128x64xf32, #tpu.memory_space<vmem>>) offsets(%dma_start3A_73 : memref<128xi32, #tpu.memory_space<vmem>>) semaphore(%arg14 : memref<!tpu.dma_semaphore, #tpu.memory_space<semaphore_mem>>)
    %scan3A_77 = arith.constant 0 : i32
    %scan3A_78 = arith.constant 0 : i32
    %scan3A_79 = arith.constant 40 : i32
    %scan3A_80 = arith.addi %scan3A_78, %scan3A_79 : i32
    %scan3A_81 = arith.constant 1 : i32
    scf.for %scan3A_91 = %scan3A_78 to %scan3A_80 step %scan3A_81  : i32 {
      %mul3A_92 = arith.constant 2 : i32
      %mul3A_93 = arith.muli %scan3A_91, %mul3A_92 : i32
      %add3A_94 = arith.constant 1 : i32
      %add3A_95 = arith.addi %mul3A_93, %add3A_94 : i32
      %dma_start3A_96 = arith.constant 0 : i32
      %dma_start3A_97 = tpu.memref_slice %arg8[%add3A_95, %dma_start3A_96] : memref<80x128xi32, #tpu.memory_space<vmem>> -> memref<1x128xi32, #tpu.memory_space<vmem>>
      %dma_start3A_98 = tpu.memref_squeeze %dma_start3A_97 : memref<1x128xi32, #tpu.memory_space<vmem>> -> memref<128xi32, #tpu.memory_space<vmem>>
      %dma_start3A_99 = arith.constant 0 : i32
      %dma_start3A_100 = arith.constant 0 : i32
      %dma_start3A_101 = tpu.memref_slice %arg3[%dma_start3A_99, %dma_start3A_100] : memref<10240x64xf32, #tpu.memory_space<hbm>> -> memref<10240x64xf32, #tpu.memory_space<hbm>>
      tpu.enqueue_indirect_dma source(%dma_start3A_101 : memref<10240x64xf32, #tpu.memory_space<hbm>>) target(%arg11 : memref<128x64xf32, #tpu.memory_space<vmem>>) offsets(%dma_start3A_98 : memref<128xi32, #tpu.memory_space<vmem>>) semaphore(%arg15 : memref<!tpu.dma_semaphore, #tpu.memory_space<semaphore_mem>>)
      %dma_wait3A = arith.constant 0 : i32
      %dma_wait3A_102 = tpu.memref_slice %arg8[%mul3A_93, %dma_wait3A] : memref<80x128xi32, #tpu.memory_space<vmem>> -> memref<1x128xi32, #tpu.memory_space<vmem>>
      %dma_wait3A_103 = tpu.memref_squeeze %dma_wait3A_102 : memref<1x128xi32, #tpu.memory_space<vmem>> -> memref<128xi32, #tpu.memory_space<vmem>>
      %dma_wait3A_104 = arith.constant 0 : i32
      %dma_wait3A_105 = arith.constant 0 : i32
      %dma_wait3A_106 = tpu.memref_slice %arg3[%dma_wait3A_104, %dma_wait3A_105] : memref<10240x64xf32, #tpu.memory_space<hbm>> -> memref<10240x64xf32, #tpu.memory_space<hbm>>
      tpu.wait_indirect_dma semaphore(%arg14 : memref<!tpu.dma_semaphore, #tpu.memory_space<semaphore_mem>>) src(%dma_wait3A_106 : memref<10240x64xf32, #tpu.memory_space<hbm>>) dst(%arg10 : memref<128x64xf32, #tpu.memory_space<vmem>>)
      "tpu.region"() ({
        %run_scoped3A = tpu.sem_alloc : memref<!tpu.dma_semaphore, #tpu.memory_space<semaphore_mem>>
        %dma_start3A_121 = arith.constant 0 : i32
        %dma_start3A_122 = tpu.memref_slice %arg9[%mul3A_93, %dma_start3A_121] : memref<80x128xi32, #tpu.memory_space<vmem>> -> memref<1x128xi32, #tpu.memory_space<vmem>>
        %dma_start3A_123 = tpu.memref_squeeze %dma_start3A_122 : memref<1x128xi32, #tpu.memory_space<vmem>> -> memref<128xi32, #tpu.memory_space<vmem>>
        %dma_start3A_124 = arith.constant 0 : i32
        %dma_start3A_125 = arith.constant 0 : i32
        %dma_start3A_126 = tpu.memref_slice %arg13[%dma_start3A_124, %dma_start3A_125] : memref<10240x64xf32, #tpu.memory_space<vmem_shared>> -> memref<10240x64xf32, #tpu.memory_space<vmem_shared>>
        tpu.enqueue_indirect_dma source(%arg10 : memref<128x64xf32, #tpu.memory_space<vmem>>) target(%dma_start3A_126 : memref<10240x64xf32, #tpu.memory_space<vmem_shared>>) offsets(%dma_start3A_123 : memref<128xi32, #tpu.memory_space<vmem>>) semaphore(%run_scoped3A : memref<!tpu.dma_semaphore, #tpu.memory_space<semaphore_mem>>) {add = true}
        %dma_wait3A_127 = arith.constant 0 : i32
        %dma_wait3A_128 = tpu.memref_slice %arg9[%mul3A_93, %dma_wait3A_127] : memref<80x128xi32, #tpu.memory_space<vmem>> -> memref<1x128xi32, #tpu.memory_space<vmem>>
        %dma_wait3A_129 = tpu.memref_squeeze %dma_wait3A_128 : memref<1x128xi32, #tpu.memory_space<vmem>> -> memref<128xi32, #tpu.memory_space<vmem>>
        %dma_wait3A_130 = arith.constant 0 : i32
        %dma_wait3A_131 = arith.constant 0 : i32
        %dma_wait3A_132 = tpu.memref_slice %arg13[%dma_wait3A_130, %dma_wait3A_131] : memref<10240x64xf32, #tpu.memory_space<vmem_shared>> -> memref<10240x64xf32, #tpu.memory_space<vmem_shared>>
        tpu.wait_indirect_dma semaphore(%run_scoped3A : memref<!tpu.dma_semaphore, #tpu.memory_space<semaphore_mem>>) src(%arg10 : memref<128x64xf32, #tpu.memory_space<vmem>>) dst(%dma_wait3A_132 : memref<10240x64xf32, #tpu.memory_space<vmem_shared>>)
        tpu.yield
      }) : () -> ()
      %add3A_107 = arith.constant 2 : i32
      %add3A_108 = arith.addi %mul3A_93, %add3A_107 : i32
      %lt3A = arith.constant 80 : i32
      %lt3A_109 = arith.cmpi slt, %add3A_108, %lt3A : i32
      %convert_element_type3A = arith.extui %lt3A_109 : i1 to i32
      %cond3A = arith.constant 0 : i32
      %cond3A_110 = arith.cmpi ne, %convert_element_type3A, %cond3A : i32
      scf.if %cond3A_110 {
        %add3A_121 = arith.constant 2 : i32
        %add3A_122 = arith.addi %mul3A_93, %add3A_121 : i32
        %dma_start3A_123 = arith.constant 0 : i32
        %dma_start3A_124 = tpu.memref_slice %arg8[%add3A_122, %dma_start3A_123] : memref<80x128xi32, #tpu.memory_space<vmem>> -> memref<1x128xi32, #tpu.memory_space<vmem>>
        %dma_start3A_125 = tpu.memref_squeeze %dma_start3A_124 : memref<1x128xi32, #tpu.memory_space<vmem>> -> memref<128xi32, #tpu.memory_space<vmem>>
        %dma_start3A_126 = arith.constant 0 : i32
        %dma_start3A_127 = arith.constant 0 : i32
        %dma_start3A_128 = tpu.memref_slice %arg3[%dma_start3A_126, %dma_start3A_127] : memref<10240x64xf32, #tpu.memory_space<hbm>> -> memref<10240x64xf32, #tpu.memory_space<hbm>>
        tpu.enqueue_indirect_dma source(%dma_start3A_128 : memref<10240x64xf32, #tpu.memory_space<hbm>>) target(%arg10 : memref<128x64xf32, #tpu.memory_space<vmem>>) offsets(%dma_start3A_125 : memref<128xi32, #tpu.memory_space<vmem>>) semaphore(%arg14 : memref<!tpu.dma_semaphore, #tpu.memory_space<semaphore_mem>>)
      } else {
      }
      %add3A_111 = arith.constant 1 : i32
      %add3A_112 = arith.addi %mul3A_93, %add3A_111 : i32
      %dma_wait3A_113 = arith.constant 0 : i32
      %dma_wait3A_114 = tpu.memref_slice %arg8[%add3A_112, %dma_wait3A_113] : memref<80x128xi32, #tpu.memory_space<vmem>> -> memref<1x128xi32, #tpu.memory_space<vmem>>
      %dma_wait3A_115 = tpu.memref_squeeze %dma_wait3A_114 : memref<1x128xi32, #tpu.memory_space<vmem>> -> memref<128xi32, #tpu.memory_space<vmem>>
      %dma_wait3A_116 = arith.constant 0 : i32
      %dma_wait3A_117 = arith.constant 0 : i32
      %dma_wait3A_118 = tpu.memref_slice %arg3[%dma_wait3A_116, %dma_wait3A_117] : memref<10240x64xf32, #tpu.memory_space<hbm>> -> memref<10240x64xf32, #tpu.memory_space<hbm>>
      tpu.wait_indirect_dma semaphore(%arg15 : memref<!tpu.dma_semaphore, #tpu.memory_space<semaphore_mem>>) src(%dma_wait3A_118 : memref<10240x64xf32, #tpu.memory_space<hbm>>) dst(%arg11 : memref<128x64xf32, #tpu.memory_space<vmem>>)
      %add3A_119 = arith.constant 1 : i32
      %add3A_120 = arith.addi %mul3A_93, %add3A_119 : i32
      "tpu.region"() ({
        %run_scoped3A = tpu.sem_alloc : memref<!tpu.dma_semaphore, #tpu.memory_space<semaphore_mem>>
        %dma_start3A_121 = arith.constant 0 : i32
        %dma_start3A_122 = tpu.memref_slice %arg9[%add3A_120, %dma_start3A_121] : memref<80x128xi32, #tpu.memory_space<vmem>> -> memref<1x128xi32, #tpu.memory_space<vmem>>
        %dma_start3A_123 = tpu.memref_squeeze %dma_start3A_122 : memref<1x128xi32, #tpu.memory_space<vmem>> -> memref<128xi32, #tpu.memory_space<vmem>>
        %dma_start3A_124 = arith.constant 0 : i32
        %dma_start3A_125 = arith.constant 0 : i32
        %dma_start3A_126 = tpu.memref_slice %arg13[%dma_start3A_124, %dma_start3A_125] : memref<10240x64xf32, #tpu.memory_space<vmem_shared>> -> memref<10240x64xf32, #tpu.memory_space<vmem_shared>>
        tpu.enqueue_indirect_dma source(%arg11 : memref<128x64xf32, #tpu.memory_space<vmem>>) target(%dma_start3A_126 : memref<10240x64xf32, #tpu.memory_space<vmem_shared>>) offsets(%dma_start3A_123 : memref<128xi32, #tpu.memory_space<vmem>>) semaphore(%run_scoped3A : memref<!tpu.dma_semaphore, #tpu.memory_space<semaphore_mem>>) {add = true}
        %dma_wait3A_127 = arith.constant 0 : i32
        %dma_wait3A_128 = tpu.memref_slice %arg9[%add3A_120, %dma_wait3A_127] : memref<80x128xi32, #tpu.memory_space<vmem>> -> memref<1x128xi32, #tpu.memory_space<vmem>>
        %dma_wait3A_129 = tpu.memref_squeeze %dma_wait3A_128 : memref<1x128xi32, #tpu.memory_space<vmem>> -> memref<128xi32, #tpu.memory_space<vmem>>
        %dma_wait3A_130 = arith.constant 0 : i32
        %dma_wait3A_131 = arith.constant 0 : i32
        %dma_wait3A_132 = tpu.memref_slice %arg13[%dma_wait3A_130, %dma_wait3A_131] : memref<10240x64xf32, #tpu.memory_space<vmem_shared>> -> memref<10240x64xf32, #tpu.memory_space<vmem_shared>>
        tpu.wait_indirect_dma semaphore(%run_scoped3A : memref<!tpu.dma_semaphore, #tpu.memory_space<semaphore_mem>>) src(%arg11 : memref<128x64xf32, #tpu.memory_space<vmem>>) dst(%dma_wait3A_132 : memref<10240x64xf32, #tpu.memory_space<vmem_shared>>)
        tpu.yield
      }) : () -> ()
    }
    %scan3A_82 = arith.constant 40 : i32
    %barrier3A_83 = arith.constant 0 : index
    tpu.barrier barrier_id(%barrier3A_83)
    %mul3A_84 = arith.constant 640 : i32
    %mul3A_85 = arith.muli %arg1, %mul3A_84 : i32
    %mul3A_86 = arith.constant 10240 : i32
    %mul3A_87 = arith.muli %arg0, %mul3A_86 : i32
    %mul3A_88 = arith.constant 640 : i32
    %mul3A_89 = arith.muli %arg1, %mul3A_88 : i32
    %add3A_90 = arith.addi %mul3A_87, %mul3A_89 : i32
    "tpu.region"() ({
      %run_scoped3A = tpu.sem_alloc : memref<!tpu.dma_semaphore, #tpu.memory_space<semaphore_mem>>
      %dma_start3A_91 = arith.constant 0 : i32
      %dma_start3A_92 = tpu.memref_slice %arg7[%add3A_90, %dma_start3A_91] : memref<20480x64xf32, #tpu.memory_space<hbm>> -> memref<640x64xf32, #tpu.memory_space<hbm>>
      %dma_start3A_93 = arith.constant 0 : i32
      %dma_start3A_94 = tpu.memref_slice %arg13[%mul3A_85, %dma_start3A_93] : memref<10240x64xf32, #tpu.memory_space<vmem_shared>> -> memref<640x64xf32, #tpu.memory_space<vmem_shared>>
      tpu.enqueue_dma source(%dma_start3A_94 : memref<640x64xf32, #tpu.memory_space<vmem_shared>>) target(%dma_start3A_92 : memref<640x64xf32, #tpu.memory_space<hbm>>) target_semaphore(%run_scoped3A : memref<!tpu.dma_semaphore, #tpu.memory_space<semaphore_mem>>)
      %dma_wait3A = arith.constant 0 : i32
      %dma_wait3A_95 = tpu.memref_slice %arg7[%add3A_90, %dma_wait3A] : memref<20480x64xf32, #tpu.memory_space<hbm>> -> memref<640x64xf32, #tpu.memory_space<hbm>>
      %dma_wait3A_96 = arith.constant 0 : i32
      %dma_wait3A_97 = tpu.memref_slice %arg13[%mul3A_85, %dma_wait3A_96] : memref<10240x64xf32, #tpu.memory_space<vmem_shared>> -> memref<640x64xf32, #tpu.memory_space<vmem_shared>>
      tpu.wait_dma2 semaphore(%run_scoped3A : memref<!tpu.dma_semaphore, #tpu.memory_space<semaphore_mem>>) src(%dma_wait3A_97 : memref<640x64xf32, #tpu.memory_space<vmem_shared>>) dst(%dma_wait3A_95 : memref<640x64xf32, #tpu.memory_space<hbm>>)
      tpu.yield
    }) : () -> ()
    return
  }
}

#map = affine_map<(d0, d1) -> (0, 0)>
#map1 = affine_map<(d0, d1) -> (0, 0, 0)>
module attributes {stable_mosaic.version = 14 : i64} {
  func.func @_scatter_body(%arg0: i32, %arg1: i32, %arg2: memref<10240x64xf32, #tpu.memory_space<hbm>>, %arg3: memref<10240x64xf32, #tpu.memory_space<hbm>>, %arg4: memref<32x80x128xi32, #tpu.memory_space<hbm>>, %arg5: memref<32x80x128xi32, #tpu.memory_space<hbm>>, %arg6: memref<20480x64xf32, #tpu.memory_space<hbm>>, %arg7: memref<20480x64xf32, #tpu.memory_space<hbm>>, %arg8: memref<80x128xi32, #tpu.memory_space<vmem>>, %arg9: memref<80x128xi32, #tpu.memory_space<vmem>>, %arg10: memref<128x64xf32, #tpu.memory_space<vmem>>, %arg11: memref<128x64xf32, #tpu.memory_space<vmem>>, %arg12: memref<128x64xf32, #tpu.memory_space<vmem>>, %arg13: memref<10240x64xf32, #tpu.memory_space<vmem_shared>>, %arg14: memref<!tpu.dma_semaphore, #tpu.memory_space<semaphore_mem>>, %arg15: memref<!tpu.dma_semaphore, #tpu.memory_space<semaphore_mem>>) attributes {dimension_semantics = [#tpu.dimension_semantics<core_parallel>, #tpu.dimension_semantics<subcore_parallel>], iteration_bounds = array<i64: 2, 16>, scalar_prefetch = 0 : i64, scratch_operands = 8 : i64, tpu.core_type = #tpu.core_type<sc_vector_subcore>, window_params = [{transform_indices = #map}, {transform_indices = #map}, {transform_indices = #map1}, {transform_indices = #map1}, {transform_indices = #map}, {transform_indices = #map}]} {
    %mul3A = arith.constant 16 : i32
    %mul3A_0 = arith.muli %arg0, %mul3A : i32
    %add3A = arith.addi %mul3A_0, %arg1 : i32
    %broadcast_in_dim3A = arith.constant 0.000000e+00 : f32
    %broadcast_in_dim3A_1 = vector.broadcast %broadcast_in_dim3A : f32 to vector<16xf32>
    %scan3A = arith.constant 0 : i32
    %scan3A_2 = arith.constant 0 : i32
    %scan3A_3 = arith.constant 128 : i32
    %scan3A_4 = arith.addi %scan3A_2, %scan3A_3 : i32
    %scan3A_5 = arith.constant 1 : i32
    scf.for %scan3A_91 = %scan3A_2 to %scan3A_4 step %scan3A_5  : i32 {
      %swap3A = arith.index_cast %scan3A_91 : i32 to index
      %swap3A_92 = arith.constant 0 : index
      %swap3A_93 = tpu.vector_load %arg12[%swap3A, %swap3A_92] {strides = array<i32>} : memref<128x64xf32, #tpu.memory_space<vmem>>, vector<1x16xf32>,
      %swap3A_94 = vector.shape_cast %swap3A_93 : vector<1x16xf32> to vector<16xf32>
      %swap3A_95 = vector.shape_cast %broadcast_in_dim3A_1 : vector<16xf32> to vector<1x16xf32>
      tpu.vector_store %arg12[%swap3A, %swap3A_92], %swap3A_95 {strides = array<i32>} : memref<128x64xf32, #tpu.memory_space<vmem>>, vector<1x16xf32>,
      %swap3A_96 = arith.index_cast %scan3A_91 : i32 to index
      %swap3A_97 = arith.constant 16 : index
      %swap3A_98 = tpu.vector_load %arg12[%swap3A_96, %swap3A_97] {strides = array<i32>} : memref<128x64xf32, #tpu.memory_space<vmem>>, vector<1x16xf32>,
      %swap3A_99 = vector.shape_cast %swap3A_98 : vector<1x16xf32> to vector<16xf32>
      %swap3A_100 = vector.shape_cast %broadcast_in_dim3A_1 : vector<16xf32> to vector<1x16xf32>
      tpu.vector_store %arg12[%swap3A_96, %swap3A_97], %swap3A_100 {strides = array<i32>} : memref<128x64xf32, #tpu.memory_space<vmem>>, vector<1x16xf32>,
      %swap3A_101 = arith.index_cast %scan3A_91 : i32 to index
      %swap3A_102 = arith.constant 32 : index
      %swap3A_103 = tpu.vector_load %arg12[%swap3A_101, %swap3A_102] {strides = array<i32>} : memref<128x64xf32, #tpu.memory_space<vmem>>, vector<1x16xf32>,
      %swap3A_104 = vector.shape_cast %swap3A_103 : vector<1x16xf32> to vector<16xf32>
      %swap3A_105 = vector.shape_cast %broadcast_in_dim3A_1 : vector<16xf32> to vector<1x16xf32>
      tpu.vector_store %arg12[%swap3A_101, %swap3A_102], %swap3A_105 {strides = array<i32>} : memref<128x64xf32, #tpu.memory_space<vmem>>, vector<1x16xf32>,
      %swap3A_106 = arith.index_cast %scan3A_91 : i32 to index
      %swap3A_107 = arith.constant 48 : index
      %swap3A_108 = tpu.vector_load %arg12[%swap3A_106, %swap3A_107] {strides = array<i32>} : memref<128x64xf32, #tpu.memory_space<vmem>>, vector<1x16xf32>,
      %swap3A_109 = vector.shape_cast %swap3A_108 : vector<1x16xf32> to vector<16xf32>
      %swap3A_110 = vector.shape_cast %broadcast_in_dim3A_1 : vector<16xf32> to vector<1x16xf32>
      tpu.vector_store %arg12[%swap3A_106, %swap3A_107], %swap3A_110 {strides = array<i32>} : memref<128x64xf32, #tpu.memory_space<vmem>>, vector<1x16xf32>,
    }
    %scan3A_6 = arith.constant 128 : i32
    "tpu.region"() ({
      %run_scoped3A = tpu.sem_alloc : memref<!tpu.dma_semaphore, #tpu.memory_space<semaphore_mem>>
      %dma_start3A_91 = arith.constant 0 : i32
      %dma_start3A_92 = arith.constant 0 : i32
      %dma_start3A_93 = tpu.memref_slice %arg4[%add3A, %dma_start3A_91, %dma_start3A_92] : memref<32x80x128xi32, #tpu.memory_space<hbm>> -> memref<1x80x128xi32, #tpu.memory_space<hbm>>
      %dma_start3A_94 = tpu.memref_squeeze %dma_start3A_93 : memref<1x80x128xi32, #tpu.memory_space<hbm>> -> memref<80x128xi32, #tpu.memory_space<hbm>>
      %dma_start3A_95 = arith.constant 0 : i32
      %dma_start3A_96 = arith.constant 0 : i32
      %dma_start3A_97 = tpu.memref_slice %arg4[%add3A, %dma_start3A_95, %dma_start3A_96] : memref<32x80x128xi32, #tpu.memory_space<hbm>> -> memref<1x80x128xi32, #tpu.memory_space<hbm>>
      %dma_start3A_98 = tpu.memref_squeeze %dma_start3A_97 : memref<1x80x128xi32, #tpu.memory_space<hbm>> -> memref<80x128xi32, #tpu.memory_space<hbm>>
      tpu.enqueue_dma source(%dma_start3A_98 : memref<80x128xi32, #tpu.memory_space<hbm>>) target(%arg8 : memref<80x128xi32, #tpu.memory_space<vmem>>) target_semaphore(%run_scoped3A : memref<!tpu.dma_semaphore, #tpu.memory_space<semaphore_mem>>)
      %dma_wait3A = arith.constant 0 : i32
      %dma_wait3A_99 = arith.constant 0 : i32
      %dma_wait3A_100 = tpu.memref_slice %arg4[%add3A, %dma_wait3A, %dma_wait3A_99] : memref<32x80x128xi32, #tpu.memory_space<hbm>> -> memref<1x80x128xi32, #tpu.memory_space<hbm>>
      %dma_wait3A_101 = tpu.memref_squeeze %dma_wait3A_100 : memref<1x80x128xi32, #tpu.memory_space<hbm>> -> memref<80x128xi32, #tpu.memory_space<hbm>>
      %dma_wait3A_102 = arith.constant 0 : i32
      %dma_wait3A_103 = arith.constant 0 : i32
      %dma_wait3A_104 = tpu.memref_slice %arg4[%add3A, %dma_wait3A_102, %dma_wait3A_103] : memref<32x80x128xi32, #tpu.memory_space<hbm>> -> memref<1x80x128xi32, #tpu.memory_space<hbm>>
      %dma_wait3A_105 = tpu.memref_squeeze %dma_wait3A_104 : memref<1x80x128xi32, #tpu.memory_space<hbm>> -> memref<80x128xi32, #tpu.memory_space<hbm>>
      tpu.wait_dma2 semaphore(%run_scoped3A : memref<!tpu.dma_semaphore, #tpu.memory_space<semaphore_mem>>) src(%dma_wait3A_105 : memref<80x128xi32, #tpu.memory_space<hbm>>) dst(%arg8 : memref<80x128xi32, #tpu.memory_space<vmem>>)
      tpu.yield
    }) : () -> ()
    "tpu.region"() ({
      %run_scoped3A = tpu.sem_alloc : memref<!tpu.dma_semaphore, #tpu.memory_space<semaphore_mem>>
      %dma_start3A_91 = arith.constant 0 : i32
      %dma_start3A_92 = arith.constant 0 : i32
      %dma_start3A_93 = tpu.memref_slice %arg5[%add3A, %dma_start3A_91, %dma_start3A_92] : memref<32x80x128xi32, #tpu.memory_space<hbm>> -> memref<1x80x128xi32, #tpu.memory_space<hbm>>
      %dma_start3A_94 = tpu.memref_squeeze %dma_start3A_93 : memref<1x80x128xi32, #tpu.memory_space<hbm>> -> memref<80x128xi32, #tpu.memory_space<hbm>>
      %dma_start3A_95 = arith.constant 0 : i32
      %dma_start3A_96 = arith.constant 0 : i32
      %dma_start3A_97 = tpu.memref_slice %arg5[%add3A, %dma_start3A_95, %dma_start3A_96] : memref<32x80x128xi32, #tpu.memory_space<hbm>> -> memref<1x80x128xi32, #tpu.memory_space<hbm>>
      %dma_start3A_98 = tpu.memref_squeeze %dma_start3A_97 : memref<1x80x128xi32, #tpu.memory_space<hbm>> -> memref<80x128xi32, #tpu.memory_space<hbm>>
      tpu.enqueue_dma source(%dma_start3A_98 : memref<80x128xi32, #tpu.memory_space<hbm>>) target(%arg9 : memref<80x128xi32, #tpu.memory_space<vmem>>) target_semaphore(%run_scoped3A : memref<!tpu.dma_semaphore, #tpu.memory_space<semaphore_mem>>)
      %dma_wait3A = arith.constant 0 : i32
      %dma_wait3A_99 = arith.constant 0 : i32
      %dma_wait3A_100 = tpu.memref_slice %arg5[%add3A, %dma_wait3A, %dma_wait3A_99] : memref<32x80x128xi32, #tpu.memory_space<hbm>> -> memref<1x80x128xi32, #tpu.memory_space<hbm>>
      %dma_wait3A_101 = tpu.memref_squeeze %dma_wait3A_100 : memref<1x80x128xi32, #tpu.memory_space<hbm>> -> memref<80x128xi32, #tpu.memory_space<hbm>>
      %dma_wait3A_102 = arith.constant 0 : i32
      %dma_wait3A_103 = arith.constant 0 : i32
      %dma_wait3A_104 = tpu.memref_slice %arg5[%add3A, %dma_wait3A_102, %dma_wait3A_103] : memref<32x80x128xi32, #tpu.memory_space<hbm>> -> memref<1x80x128xi32, #tpu.memory_space<hbm>>
      %dma_wait3A_105 = tpu.memref_squeeze %dma_wait3A_104 : memref<1x80x128xi32, #tpu.memory_space<hbm>> -> memref<80x128xi32, #tpu.memory_space<hbm>>
      tpu.wait_dma2 semaphore(%run_scoped3A : memref<!tpu.dma_semaphore, #tpu.memory_space<semaphore_mem>>) src(%dma_wait3A_105 : memref<80x128xi32, #tpu.memory_space<hbm>>) dst(%arg9 : memref<80x128xi32, #tpu.memory_space<vmem>>)
      tpu.yield
    }) : () -> ()
    %barrier3A = arith.constant 0 : index
    tpu.barrier barrier_id(%barrier3A)
    %mul3A_7 = arith.constant 640 : i32
    %mul3A_8 = arith.muli %arg1, %mul3A_7 : i32
    %add3A_9 = arith.constant 0 : i32
    %add3A_10 = arith.addi %mul3A_8, %add3A_9 : i32
    "tpu.region"() ({
      %run_scoped3A = tpu.sem_alloc : memref<!tpu.dma_semaphore, #tpu.memory_space<semaphore_mem>>
      %dma_start3A_91 = arith.constant 0 : i32
      %dma_start3A_92 = tpu.memref_slice %arg13[%add3A_10, %dma_start3A_91] : memref<10240x64xf32, #tpu.memory_space<vmem_shared>> -> memref<128x64xf32, #tpu.memory_space<vmem_shared>>
      %dma_start3A_93 = arith.constant 0 : i32
      %dma_start3A_94 = tpu.memref_slice %arg13[%add3A_10, %dma_start3A_93] : memref<10240x64xf32, #tpu.memory_space<vmem_shared>> -> memref<128x64xf32, #tpu.memory_space<vmem_shared>>
      tpu.enqueue_dma source(%arg12 : memref<128x64xf32, #tpu.memory_space<vmem>>) target(%dma_start3A_94 : memref<128x64xf32, #tpu.memory_space<vmem_shared>>) target_semaphore(%run_scoped3A : memref<!tpu.dma_semaphore, #tpu.memory_space<semaphore_mem>>)
      %dma_wait3A = arith.constant 0 : i32
      %dma_wait3A_95 = tpu.memref_slice %arg13[%add3A_10, %dma_wait3A] : memref<10240x64xf32, #tpu.memory_space<vmem_shared>> -> memref<128x64xf32, #tpu.memory_space<vmem_shared>>
      %dma_wait3A_96 = arith.constant 0 : i32
      %dma_wait3A_97 = tpu.memref_slice %arg13[%add3A_10, %dma_wait3A_96] : memref<10240x64xf32, #tpu.memory_space<vmem_shared>> -> memref<128x64xf32, #tpu.memory_space<vmem_shared>>
      tpu.wait_dma2 semaphore(%run_scoped3A : memref<!tpu.dma_semaphore, #tpu.memory_space<semaphore_mem>>) src(%arg12 : memref<128x64xf32, #tpu.memory_space<vmem>>) dst(%dma_wait3A_97 : memref<128x64xf32, #tpu.memory_space<vmem_shared>>)
      tpu.yield
    }) : () -> ()
    %mul3A_11 = arith.constant 640 : i32
    %mul3A_12 = arith.muli %arg1, %mul3A_11 : i32
    %add3A_13 = arith.constant 128 : i32
    %add3A_14 = arith.addi %mul3A_12, %add3A_13 : i32
    "tpu.region"() ({
      %run_scoped3A = tpu.sem_alloc : memref<!tpu.dma_semaphore, #tpu.memory_space<semaphore_mem>>
      %dma_start3A_91 = arith.constant 0 : i32
      %dma_start3A_92 = tpu.memref_slice %arg13[%add3A_14, %dma_start3A_91] : memref<10240x64xf32, #tpu.memory_space<vmem_shared>> -> memref<128x64xf32, #tpu.memory_space<vmem_shared>>
      %dma_start3A_93 = arith.constant 0 : i32
      %dma_start3A_94 = tpu.memref_slice %arg13[%add3A_14, %dma_start3A_93] : memref<10240x64xf32, #tpu.memory_space<vmem_shared>> -> memref<128x64xf32, #tpu.memory_space<vmem_shared>>
      tpu.enqueue_dma source(%arg12 : memref<128x64xf32, #tpu.memory_space<vmem>>) target(%dma_start3A_94 : memref<128x64xf32, #tpu.memory_space<vmem_shared>>) target_semaphore(%run_scoped3A : memref<!tpu.dma_semaphore, #tpu.memory_space<semaphore_mem>>)
      %dma_wait3A = arith.constant 0 : i32
      %dma_wait3A_95 = tpu.memref_slice %arg13[%add3A_14, %dma_wait3A] : memref<10240x64xf32, #tpu.memory_space<vmem_shared>> -> memref<128x64xf32, #tpu.memory_space<vmem_shared>>
      %dma_wait3A_96 = arith.constant 0 : i32
      %dma_wait3A_97 = tpu.memref_slice %arg13[%add3A_14, %dma_wait3A_96] : memref<10240x64xf32, #tpu.memory_space<vmem_shared>> -> memref<128x64xf32, #tpu.memory_space<vmem_shared>>
      tpu.wait_dma2 semaphore(%run_scoped3A : memref<!tpu.dma_semaphore, #tpu.memory_space<semaphore_mem>>) src(%arg12 : memref<128x64xf32, #tpu.memory_space<vmem>>) dst(%dma_wait3A_97 : memref<128x64xf32, #tpu.memory_space<vmem_shared>>)
      tpu.yield
    }) : () -> ()
    %mul3A_15 = arith.constant 640 : i32
    %mul3A_16 = arith.muli %arg1, %mul3A_15 : i32
    %add3A_17 = arith.constant 256 : i32
    %add3A_18 = arith.addi %mul3A_16, %add3A_17 : i32
    "tpu.region"() ({
      %run_scoped3A = tpu.sem_alloc : memref<!tpu.dma_semaphore, #tpu.memory_space<semaphore_mem>>
      %dma_start3A_91 = arith.constant 0 : i32
      %dma_start3A_92 = tpu.memref_slice %arg13[%add3A_18, %dma_start3A_91] : memref<10240x64xf32, #tpu.memory_space<vmem_shared>> -> memref<128x64xf32, #tpu.memory_space<vmem_shared>>
      %dma_start3A_93 = arith.constant 0 : i32
      %dma_start3A_94 = tpu.memref_slice %arg13[%add3A_18, %dma_start3A_93] : memref<10240x64xf32, #tpu.memory_space<vmem_shared>> -> memref<128x64xf32, #tpu.memory_space<vmem_shared>>
      tpu.enqueue_dma source(%arg12 : memref<128x64xf32, #tpu.memory_space<vmem>>) target(%dma_start3A_94 : memref<128x64xf32, #tpu.memory_space<vmem_shared>>) target_semaphore(%run_scoped3A : memref<!tpu.dma_semaphore, #tpu.memory_space<semaphore_mem>>)
      %dma_wait3A = arith.constant 0 : i32
      %dma_wait3A_95 = tpu.memref_slice %arg13[%add3A_18, %dma_wait3A] : memref<10240x64xf32, #tpu.memory_space<vmem_shared>> -> memref<128x64xf32, #tpu.memory_space<vmem_shared>>
      %dma_wait3A_96 = arith.constant 0 : i32
      %dma_wait3A_97 = tpu.memref_slice %arg13[%add3A_18, %dma_wait3A_96] : memref<10240x64xf32, #tpu.memory_space<vmem_shared>> -> memref<128x64xf32, #tpu.memory_space<vmem_shared>>
      tpu.wait_dma2 semaphore(%run_scoped3A : memref<!tpu.dma_semaphore, #tpu.memory_space<semaphore_mem>>) src(%arg12 : memref<128x64xf32, #tpu.memory_space<vmem>>) dst(%dma_wait3A_97 : memref<128x64xf32, #tpu.memory_space<vmem_shared>>)
      tpu.yield
    }) : () -> ()
    %mul3A_19 = arith.constant 640 : i32
    %mul3A_20 = arith.muli %arg1, %mul3A_19 : i32
    %add3A_21 = arith.constant 384 : i32
    %add3A_22 = arith.addi %mul3A_20, %add3A_21 : i32
    "tpu.region"() ({
      %run_scoped3A = tpu.sem_alloc : memref<!tpu.dma_semaphore, #tpu.memory_space<semaphore_mem>>
      %dma_start3A_91 = arith.constant 0 : i32
      %dma_start3A_92 = tpu.memref_slice %arg13[%add3A_22, %dma_start3A_91] : memref<10240x64xf32, #tpu.memory_space<vmem_shared>> -> memref<128x64xf32, #tpu.memory_space<vmem_shared>>
      %dma_start3A_93 = arith.constant 0 : i32
      %dma_start3A_94 = tpu.memref_slice %arg13[%add3A_22, %dma_start3A_93] : memref<10240x64xf32, #tpu.memory_space<vmem_shared>> -> memref<128x64xf32, #tpu.memory_space<vmem_shared>>
      tpu.enqueue_dma source(%arg12 : memref<128x64xf32, #tpu.memory_space<vmem>>) target(%dma_start3A_94 : memref<128x64xf32, #tpu.memory_space<vmem_shared>>) target_semaphore(%run_scoped3A : memref<!tpu.dma_semaphore, #tpu.memory_space<semaphore_mem>>)
      %dma_wait3A = arith.constant 0 : i32
      %dma_wait3A_95 = tpu.memref_slice %arg13[%add3A_22, %dma_wait3A] : memref<10240x64xf32, #tpu.memory_space<vmem_shared>> -> memref<128x64xf32, #tpu.memory_space<vmem_shared>>
      %dma_wait3A_96 = arith.constant 0 : i32
      %dma_wait3A_97 = tpu.memref_slice %arg13[%add3A_22, %dma_wait3A_96] : memref<10240x64xf32, #tpu.memory_space<vmem_shared>> -> memref<128x64xf32, #tpu.memory_space<vmem_shared>>
      tpu.wait_dma2 semaphore(%run_scoped3A : memref<!tpu.dma_semaphore, #tpu.memory_space<semaphore_mem>>) src(%arg12 : memref<128x64xf32, #tpu.memory_space<vmem>>) dst(%dma_wait3A_97 : memref<128x64xf32, #tpu.memory_space<vmem_shared>>)
      tpu.yield
    }) : () -> ()
    %mul3A_23 = arith.constant 640 : i32
    %mul3A_24 = arith.muli %arg1, %mul3A_23 : i32
    %add3A_25 = arith.constant 512 : i32
    %add3A_26 = arith.addi %mul3A_24, %add3A_25 : i32
    "tpu.region"() ({
      %run_scoped3A = tpu.sem_alloc : memref<!tpu.dma_semaphore, #tpu.memory_space<semaphore_mem>>
      %dma_start3A_91 = arith.constant 0 : i32
      %dma_start3A_92 = tpu.memref_slice %arg13[%add3A_26, %dma_start3A_91] : memref<10240x64xf32, #tpu.memory_space<vmem_shared>> -> memref<128x64xf32, #tpu.memory_space<vmem_shared>>
      %dma_start3A_93 = arith.constant 0 : i32
      %dma_start3A_94 = tpu.memref_slice %arg13[%add3A_26, %dma_start3A_93] : memref<10240x64xf32, #tpu.memory_space<vmem_shared>> -> memref<128x64xf32, #tpu.memory_space<vmem_shared>>
      tpu.enqueue_dma source(%arg12 : memref<128x64xf32, #tpu.memory_space<vmem>>) target(%dma_start3A_94 : memref<128x64xf32, #tpu.memory_space<vmem_shared>>) target_semaphore(%run_scoped3A : memref<!tpu.dma_semaphore, #tpu.memory_space<semaphore_mem>>)
      %dma_wait3A = arith.constant 0 : i32
      %dma_wait3A_95 = tpu.memref_slice %arg13[%add3A_26, %dma_wait3A] : memref<10240x64xf32, #tpu.memory_space<vmem_shared>> -> memref<128x64xf32, #tpu.memory_space<vmem_shared>>
      %dma_wait3A_96 = arith.constant 0 : i32
      %dma_wait3A_97 = tpu.memref_slice %arg13[%add3A_26, %dma_wait3A_96] : memref<10240x64xf32, #tpu.memory_space<vmem_shared>> -> memref<128x64xf32, #tpu.memory_space<vmem_shared>>
      tpu.wait_dma2 semaphore(%run_scoped3A : memref<!tpu.dma_semaphore, #tpu.memory_space<semaphore_mem>>) src(%arg12 : memref<128x64xf32, #tpu.memory_space<vmem>>) dst(%dma_wait3A_97 : memref<128x64xf32, #tpu.memory_space<vmem_shared>>)
      tpu.yield
    }) : () -> ()
    %barrier3A_27 = arith.constant 0 : index
    tpu.barrier barrier_id(%barrier3A_27)
    %dma_start3A = arith.constant 0 : i32
    %dma_start3A_28 = arith.constant 0 : i32
    %dma_start3A_29 = tpu.memref_slice %arg8[%dma_start3A, %dma_start3A_28] : memref<80x128xi32, #tpu.memory_space<vmem>> -> memref<1x128xi32, #tpu.memory_space<vmem>>
    %dma_start3A_30 = tpu.memref_squeeze %dma_start3A_29 : memref<1x128xi32, #tpu.memory_space<vmem>> -> memref<128xi32, #tpu.memory_space<vmem>>
    %dma_start3A_31 = arith.constant 0 : i32
    %dma_start3A_32 = arith.constant 0 : i32
    %dma_start3A_33 = tpu.memref_slice %arg2[%dma_start3A_31, %dma_start3A_32] : memref<10240x64xf32, #tpu.memory_space<hbm>> -> memref<10240x64xf32, #tpu.memory_space<hbm>>
    tpu.enqueue_indirect_dma source(%dma_start3A_33 : memref<10240x64xf32, #tpu.memory_space<hbm>>) target(%arg10 : memref<128x64xf32, #tpu.memory_space<vmem>>) offsets(%dma_start3A_30 : memref<128xi32, #tpu.memory_space<vmem>>) semaphore(%arg14 : memref<!tpu.dma_semaphore, #tpu.memory_space<semaphore_mem>>)
    %scan3A_34 = arith.constant 0 : i32
    %scan3A_35 = arith.constant 0 : i32
    %scan3A_36 = arith.constant 40 : i32
    %scan3A_37 = arith.addi %scan3A_35, %scan3A_36 : i32
    %scan3A_38 = arith.constant 1 : i32
    scf.for %scan3A_91 = %scan3A_35 to %scan3A_37 step %scan3A_38  : i32 {
      %mul3A_92 = arith.constant 2 : i32
      %mul3A_93 = arith.muli %scan3A_91, %mul3A_92 : i32
      %add3A_94 = arith.constant 1 : i32
      %add3A_95 = arith.addi %mul3A_93, %add3A_94 : i32
      %dma_start3A_96 = arith.constant 0 : i32
      %dma_start3A_97 = tpu.memref_slice %arg8[%add3A_95, %dma_start3A_96] : memref<80x128xi32, #tpu.memory_space<vmem>> -> memref<1x128xi32, #tpu.memory_space<vmem>>
      %dma_start3A_98 = tpu.memref_squeeze %dma_start3A_97 : memref<1x128xi32, #tpu.memory_space<vmem>> -> memref<128xi32, #tpu.memory_space<vmem>>
      %dma_start3A_99 = arith.constant 0 : i32
      %dma_start3A_100 = arith.constant 0 : i32
      %dma_start3A_101 = tpu.memref_slice %arg2[%dma_start3A_99, %dma_start3A_100] : memref<10240x64xf32, #tpu.memory_space<hbm>> -> memref<10240x64xf32, #tpu.memory_space<hbm>>
      tpu.enqueue_indirect_dma source(%dma_start3A_101 : memref<10240x64xf32, #tpu.memory_space<hbm>>) target(%arg11 : memref<128x64xf32, #tpu.memory_space<vmem>>) offsets(%dma_start3A_98 : memref<128xi32, #tpu.memory_space<vmem>>) semaphore(%arg15 : memref<!tpu.dma_semaphore, #tpu.memory_space<semaphore_mem>>)
      %dma_wait3A = arith.constant 0 : i32
      %dma_wait3A_102 = tpu.memref_slice %arg8[%mul3A_93, %dma_wait3A] : memref<80x128xi32, #tpu.memory_space<vmem>> -> memref<1x128xi32, #tpu.memory_space<vmem>>
      %dma_wait3A_103 = tpu.memref_squeeze %dma_wait3A_102 : memref<1x128xi32, #tpu.memory_space<vmem>> -> memref<128xi32, #tpu.memory_space<vmem>>
      %dma_wait3A_104 = arith.constant 0 : i32
      %dma_wait3A_105 = arith.constant 0 : i32
      %dma_wait3A_106 = tpu.memref_slice %arg2[%dma_wait3A_104, %dma_wait3A_105] : memref<10240x64xf32, #tpu.memory_space<hbm>> -> memref<10240x64xf32, #tpu.memory_space<hbm>>
      tpu.wait_indirect_dma semaphore(%arg14 : memref<!tpu.dma_semaphore, #tpu.memory_space<semaphore_mem>>) src(%dma_wait3A_106 : memref<10240x64xf32, #tpu.memory_space<hbm>>) dst(%arg10 : memref<128x64xf32, #tpu.memory_space<vmem>>)
      "tpu.region"() ({
        %run_scoped3A = tpu.sem_alloc : memref<!tpu.dma_semaphore, #tpu.memory_space<semaphore_mem>>
        %dma_start3A_121 = arith.constant 0 : i32
        %dma_start3A_122 = tpu.memref_slice %arg9[%mul3A_93, %dma_start3A_121] : memref<80x128xi32, #tpu.memory_space<vmem>> -> memref<1x128xi32, #tpu.memory_space<vmem>>
        %dma_start3A_123 = tpu.memref_squeeze %dma_start3A_122 : memref<1x128xi32, #tpu.memory_space<vmem>> -> memref<128xi32, #tpu.memory_space<vmem>>
        %dma_start3A_124 = arith.constant 0 : i32
        %dma_start3A_125 = arith.constant 0 : i32
        %dma_start3A_126 = tpu.memref_slice %arg13[%dma_start3A_124, %dma_start3A_125] : memref<10240x64xf32, #tpu.memory_space<vmem_shared>> -> memref<10240x64xf32, #tpu.memory_space<vmem_shared>>
        tpu.enqueue_indirect_dma source(%arg10 : memref<128x64xf32, #tpu.memory_space<vmem>>) target(%dma_start3A_126 : memref<10240x64xf32, #tpu.memory_space<vmem_shared>>) offsets(%dma_start3A_123 : memref<128xi32, #tpu.memory_space<vmem>>) semaphore(%run_scoped3A : memref<!tpu.dma_semaphore, #tpu.memory_space<semaphore_mem>>) {add = true}
        %dma_wait3A_127 = arith.constant 0 : i32
        %dma_wait3A_128 = tpu.memref_slice %arg9[%mul3A_93, %dma_wait3A_127] : memref<80x128xi32, #tpu.memory_space<vmem>> -> memref<1x128xi32, #tpu.memory_space<vmem>>
        %dma_wait3A_129 = tpu.memref_squeeze %dma_wait3A_128 : memref<1x128xi32, #tpu.memory_space<vmem>> -> memref<128xi32, #tpu.memory_space<vmem>>
        %dma_wait3A_130 = arith.constant 0 : i32
        %dma_wait3A_131 = arith.constant 0 : i32
        %dma_wait3A_132 = tpu.memref_slice %arg13[%dma_wait3A_130, %dma_wait3A_131] : memref<10240x64xf32, #tpu.memory_space<vmem_shared>> -> memref<10240x64xf32, #tpu.memory_space<vmem_shared>>
        tpu.wait_indirect_dma semaphore(%run_scoped3A : memref<!tpu.dma_semaphore, #tpu.memory_space<semaphore_mem>>) src(%arg10 : memref<128x64xf32, #tpu.memory_space<vmem>>) dst(%dma_wait3A_132 : memref<10240x64xf32, #tpu.memory_space<vmem_shared>>)
        tpu.yield
      }) : () -> ()
      %add3A_107 = arith.constant 2 : i32
      %add3A_108 = arith.addi %mul3A_93, %add3A_107 : i32
      %lt3A = arith.constant 80 : i32
      %lt3A_109 = arith.cmpi slt, %add3A_108, %lt3A : i32
      %convert_element_type3A = arith.extui %lt3A_109 : i1 to i32
      %cond3A = arith.constant 0 : i32
      %cond3A_110 = arith.cmpi ne, %convert_element_type3A, %cond3A : i32
      scf.if %cond3A_110 {
        %add3A_121 = arith.constant 2 : i32
        %add3A_122 = arith.addi %mul3A_93, %add3A_121 : i32
        %dma_start3A_123 = arith.constant 0 : i32
        %dma_start3A_124 = tpu.memref_slice %arg8[%add3A_122, %dma_start3A_123] : memref<80x128xi32, #tpu.memory_space<vmem>> -> memref<1x128xi32, #tpu.memory_space<vmem>>
        %dma_start3A_125 = tpu.memref_squeeze %dma_start3A_124 : memref<1x128xi32, #tpu.memory_space<vmem>> -> memref<128xi32, #tpu.memory_space<vmem>>
        %dma_start3A_126 = arith.constant 0 : i32
        %dma_start3A_127 = arith.constant 0 : i32
        %dma_start3A_128 = tpu.memref_slice %arg2[%dma_start3A_126, %dma_start3A_127] : memref<10240x64xf32, #tpu.memory_space<hbm>> -> memref<10240x64xf32, #tpu.memory_space<hbm>>
        tpu.enqueue_indirect_dma source(%dma_start3A_128 : memref<10240x64xf32, #tpu.memory_space<hbm>>) target(%arg10 : memref<128x64xf32, #tpu.memory_space<vmem>>) offsets(%dma_start3A_125 : memref<128xi32, #tpu.memory_space<vmem>>) semaphore(%arg14 : memref<!tpu.dma_semaphore, #tpu.memory_space<semaphore_mem>>)
      } else {
      }
      %add3A_111 = arith.constant 1 : i32
      %add3A_112 = arith.addi %mul3A_93, %add3A_111 : i32
      %dma_wait3A_113 = arith.constant 0 : i32
      %dma_wait3A_114 = tpu.memref_slice %arg8[%add3A_112, %dma_wait3A_113] : memref<80x128xi32, #tpu.memory_space<vmem>> -> memref<1x128xi32, #tpu.memory_space<vmem>>
      %dma_wait3A_115 = tpu.memref_squeeze %dma_wait3A_114 : memref<1x128xi32, #tpu.memory_space<vmem>> -> memref<128xi32, #tpu.memory_space<vmem>>
      %dma_wait3A_116 = arith.constant 0 : i32
      %dma_wait3A_117 = arith.constant 0 : i32
      %dma_wait3A_118 = tpu.memref_slice %arg2[%dma_wait3A_116, %dma_wait3A_117] : memref<10240x64xf32, #tpu.memory_space<hbm>> -> memref<10240x64xf32, #tpu.memory_space<hbm>>
      tpu.wait_indirect_dma semaphore(%arg15 : memref<!tpu.dma_semaphore, #tpu.memory_space<semaphore_mem>>) src(%dma_wait3A_118 : memref<10240x64xf32, #tpu.memory_space<hbm>>) dst(%arg11 : memref<128x64xf32, #tpu.memory_space<vmem>>)
      %add3A_119 = arith.constant 1 : i32
      %add3A_120 = arith.addi %mul3A_93, %add3A_119 : i32
      "tpu.region"() ({
        %run_scoped3A = tpu.sem_alloc : memref<!tpu.dma_semaphore, #tpu.memory_space<semaphore_mem>>
        %dma_start3A_121 = arith.constant 0 : i32
        %dma_start3A_122 = tpu.memref_slice %arg9[%add3A_120, %dma_start3A_121] : memref<80x128xi32, #tpu.memory_space<vmem>> -> memref<1x128xi32, #tpu.memory_space<vmem>>
        %dma_start3A_123 = tpu.memref_squeeze %dma_start3A_122 : memref<1x128xi32, #tpu.memory_space<vmem>> -> memref<128xi32, #tpu.memory_space<vmem>>
        %dma_start3A_124 = arith.constant 0 : i32
        %dma_start3A_125 = arith.constant 0 : i32
        %dma_start3A_126 = tpu.memref_slice %arg13[%dma_start3A_124, %dma_start3A_125] : memref<10240x64xf32, #tpu.memory_space<vmem_shared>> -> memref<10240x64xf32, #tpu.memory_space<vmem_shared>>
        tpu.enqueue_indirect_dma source(%arg11 : memref<128x64xf32, #tpu.memory_space<vmem>>) target(%dma_start3A_126 : memref<10240x64xf32, #tpu.memory_space<vmem_shared>>) offsets(%dma_start3A_123 : memref<128xi32, #tpu.memory_space<vmem>>) semaphore(%run_scoped3A : memref<!tpu.dma_semaphore, #tpu.memory_space<semaphore_mem>>) {add = true}
        %dma_wait3A_127 = arith.constant 0 : i32
        %dma_wait3A_128 = tpu.memref_slice %arg9[%add3A_120, %dma_wait3A_127] : memref<80x128xi32, #tpu.memory_space<vmem>> -> memref<1x128xi32, #tpu.memory_space<vmem>>
        %dma_wait3A_129 = tpu.memref_squeeze %dma_wait3A_128 : memref<1x128xi32, #tpu.memory_space<vmem>> -> memref<128xi32, #tpu.memory_space<vmem>>
        %dma_wait3A_130 = arith.constant 0 : i32
        %dma_wait3A_131 = arith.constant 0 : i32
        %dma_wait3A_132 = tpu.memref_slice %arg13[%dma_wait3A_130, %dma_wait3A_131] : memref<10240x64xf32, #tpu.memory_space<vmem_shared>> -> memref<10240x64xf32, #tpu.memory_space<vmem_shared>>
        tpu.wait_indirect_dma semaphore(%run_scoped3A : memref<!tpu.dma_semaphore, #tpu.memory_space<semaphore_mem>>) src(%arg11 : memref<128x64xf32, #tpu.memory_space<vmem>>) dst(%dma_wait3A_132 : memref<10240x64xf32, #tpu.memory_space<vmem_shared>>)
        tpu.yield
      }) : () -> ()
    }
    %scan3A_39 = arith.constant 40 : i32
    %barrier3A_40 = arith.constant 0 : index
    tpu.barrier barrier_id(%barrier3A_40)
    %mul3A_41 = arith.constant 640 : i32
    %mul3A_42 = arith.muli %arg1, %mul3A_41 : i32
    %mul3A_43 = arith.constant 10240 : i32
    %mul3A_44 = arith.muli %arg0, %mul3A_43 : i32
    %mul3A_45 = arith.constant 640 : i32
    %mul3A_46 = arith.muli %arg1, %mul3A_45 : i32
    %add3A_47 = arith.addi %mul3A_44, %mul3A_46 : i32
    "tpu.region"() ({
      %run_scoped3A = tpu.sem_alloc : memref<!tpu.dma_semaphore, #tpu.memory_space<semaphore_mem>>
      %dma_start3A_91 = arith.constant 0 : i32
      %dma_start3A_92 = tpu.memref_slice %arg6[%add3A_47, %dma_start3A_91] : memref<20480x64xf32, #tpu.memory_space<hbm>> -> memref<640x64xf32, #tpu.memory_space<hbm>>
      %dma_start3A_93 = arith.constant 0 : i32
      %dma_start3A_94 = tpu.memref_slice %arg13[%mul3A_42, %dma_start3A_93] : memref<10240x64xf32, #tpu.memory_space<vmem_shared>> -> memref<640x64xf32, #tpu.memory_space<vmem_shared>>
      tpu.enqueue_dma source(%dma_start3A_94 : memref<640x64xf32, #tpu.memory_space<vmem_shared>>) target(%dma_start3A_92 : memref<640x64xf32, #tpu.memory_space<hbm>>) target_semaphore(%run_scoped3A : memref<!tpu.dma_semaphore, #tpu.memory_space<semaphore_mem>>)
      %dma_wait3A = arith.constant 0 : i32
      %dma_wait3A_95 = tpu.memref_slice %arg6[%add3A_47, %dma_wait3A] : memref<20480x64xf32, #tpu.memory_space<hbm>> -> memref<640x64xf32, #tpu.memory_space<hbm>>
      %dma_wait3A_96 = arith.constant 0 : i32
      %dma_wait3A_97 = tpu.memref_slice %arg13[%mul3A_42, %dma_wait3A_96] : memref<10240x64xf32, #tpu.memory_space<vmem_shared>> -> memref<640x64xf32, #tpu.memory_space<vmem_shared>>
      tpu.wait_dma2 semaphore(%run_scoped3A : memref<!tpu.dma_semaphore, #tpu.memory_space<semaphore_mem>>) src(%dma_wait3A_97 : memref<640x64xf32, #tpu.memory_space<vmem_shared>>) dst(%dma_wait3A_95 : memref<640x64xf32, #tpu.memory_space<hbm>>)
      tpu.yield
    }) : () -> ()
    %barrier3A_48 = arith.constant 0 : index
    tpu.barrier barrier_id(%barrier3A_48)
    %mul3A_49 = arith.constant 640 : i32
    %mul3A_50 = arith.muli %arg1, %mul3A_49 : i32
    %add3A_51 = arith.constant 0 : i32
    %add3A_52 = arith.addi %mul3A_50, %add3A_51 : i32
    "tpu.region"() ({
      %run_scoped3A = tpu.sem_alloc : memref<!tpu.dma_semaphore, #tpu.memory_space<semaphore_mem>>
      %dma_start3A_91 = arith.constant 0 : i32
      %dma_start3A_92 = tpu.memref_slice %arg13[%add3A_52, %dma_start3A_91] : memref<10240x64xf32, #tpu.memory_space<vmem_shared>> -> memref<128x64xf32, #tpu.memory_space<vmem_shared>>
      %dma_start3A_93 = arith.constant 0 : i32
      %dma_start3A_94 = tpu.memref_slice %arg13[%add3A_52, %dma_start3A_93] : memref<10240x64xf32, #tpu.memory_space<vmem_shared>> -> memref<128x64xf32, #tpu.memory_space<vmem_shared>>
      tpu.enqueue_dma source(%arg12 : memref<128x64xf32, #tpu.memory_space<vmem>>) target(%dma_start3A_94 : memref<128x64xf32, #tpu.memory_space<vmem_shared>>) target_semaphore(%run_scoped3A : memref<!tpu.dma_semaphore, #tpu.memory_space<semaphore_mem>>)
      %dma_wait3A = arith.constant 0 : i32
      %dma_wait3A_95 = tpu.memref_slice %arg13[%add3A_52, %dma_wait3A] : memref<10240x64xf32, #tpu.memory_space<vmem_shared>> -> memref<128x64xf32, #tpu.memory_space<vmem_shared>>
      %dma_wait3A_96 = arith.constant 0 : i32
      %dma_wait3A_97 = tpu.memref_slice %arg13[%add3A_52, %dma_wait3A_96] : memref<10240x64xf32, #tpu.memory_space<vmem_shared>> -> memref<128x64xf32, #tpu.memory_space<vmem_shared>>
      tpu.wait_dma2 semaphore(%run_scoped3A : memref<!tpu.dma_semaphore, #tpu.memory_space<semaphore_mem>>) src(%arg12 : memref<128x64xf32, #tpu.memory_space<vmem>>) dst(%dma_wait3A_97 : memref<128x64xf32, #tpu.memory_space<vmem_shared>>)
      tpu.yield
    }) : () -> ()
    %mul3A_53 = arith.constant 640 : i32
    %mul3A_54 = arith.muli %arg1, %mul3A_53 : i32
    %add3A_55 = arith.constant 128 : i32
    %add3A_56 = arith.addi %mul3A_54, %add3A_55 : i32
    "tpu.region"() ({
      %run_scoped3A = tpu.sem_alloc : memref<!tpu.dma_semaphore, #tpu.memory_space<semaphore_mem>>
      %dma_start3A_91 = arith.constant 0 : i32
      %dma_start3A_92 = tpu.memref_slice %arg13[%add3A_56, %dma_start3A_91] : memref<10240x64xf32, #tpu.memory_space<vmem_shared>> -> memref<128x64xf32, #tpu.memory_space<vmem_shared>>
      %dma_start3A_93 = arith.constant 0 : i32
      %dma_start3A_94 = tpu.memref_slice %arg13[%add3A_56, %dma_start3A_93] : memref<10240x64xf32, #tpu.memory_space<vmem_shared>> -> memref<128x64xf32, #tpu.memory_space<vmem_shared>>
      tpu.enqueue_dma source(%arg12 : memref<128x64xf32, #tpu.memory_space<vmem>>) target(%dma_start3A_94 : memref<128x64xf32, #tpu.memory_space<vmem_shared>>) target_semaphore(%run_scoped3A : memref<!tpu.dma_semaphore, #tpu.memory_space<semaphore_mem>>)
      %dma_wait3A = arith.constant 0 : i32
      %dma_wait3A_95 = tpu.memref_slice %arg13[%add3A_56, %dma_wait3A] : memref<10240x64xf32, #tpu.memory_space<vmem_shared>> -> memref<128x64xf32, #tpu.memory_space<vmem_shared>>
      %dma_wait3A_96 = arith.constant 0 : i32
      %dma_wait3A_97 = tpu.memref_slice %arg13[%add3A_56, %dma_wait3A_96] : memref<10240x64xf32, #tpu.memory_space<vmem_shared>> -> memref<128x64xf32, #tpu.memory_space<vmem_shared>>
      tpu.wait_dma2 semaphore(%run_scoped3A : memref<!tpu.dma_semaphore, #tpu.memory_space<semaphore_mem>>) src(%arg12 : memref<128x64xf32, #tpu.memory_space<vmem>>) dst(%dma_wait3A_97 : memref<128x64xf32, #tpu.memory_space<vmem_shared>>)
      tpu.yield
    }) : () -> ()
    %mul3A_57 = arith.constant 640 : i32
    %mul3A_58 = arith.muli %arg1, %mul3A_57 : i32
    %add3A_59 = arith.constant 256 : i32
    %add3A_60 = arith.addi %mul3A_58, %add3A_59 : i32
    "tpu.region"() ({
      %run_scoped3A = tpu.sem_alloc : memref<!tpu.dma_semaphore, #tpu.memory_space<semaphore_mem>>
      %dma_start3A_91 = arith.constant 0 : i32
      %dma_start3A_92 = tpu.memref_slice %arg13[%add3A_60, %dma_start3A_91] : memref<10240x64xf32, #tpu.memory_space<vmem_shared>> -> memref<128x64xf32, #tpu.memory_space<vmem_shared>>
      %dma_start3A_93 = arith.constant 0 : i32
      %dma_start3A_94 = tpu.memref_slice %arg13[%add3A_60, %dma_start3A_93] : memref<10240x64xf32, #tpu.memory_space<vmem_shared>> -> memref<128x64xf32, #tpu.memory_space<vmem_shared>>
      tpu.enqueue_dma source(%arg12 : memref<128x64xf32, #tpu.memory_space<vmem>>) target(%dma_start3A_94 : memref<128x64xf32, #tpu.memory_space<vmem_shared>>) target_semaphore(%run_scoped3A : memref<!tpu.dma_semaphore, #tpu.memory_space<semaphore_mem>>)
      %dma_wait3A = arith.constant 0 : i32
      %dma_wait3A_95 = tpu.memref_slice %arg13[%add3A_60, %dma_wait3A] : memref<10240x64xf32, #tpu.memory_space<vmem_shared>> -> memref<128x64xf32, #tpu.memory_space<vmem_shared>>
      %dma_wait3A_96 = arith.constant 0 : i32
      %dma_wait3A_97 = tpu.memref_slice %arg13[%add3A_60, %dma_wait3A_96] : memref<10240x64xf32, #tpu.memory_space<vmem_shared>> -> memref<128x64xf32, #tpu.memory_space<vmem_shared>>
      tpu.wait_dma2 semaphore(%run_scoped3A : memref<!tpu.dma_semaphore, #tpu.memory_space<semaphore_mem>>) src(%arg12 : memref<128x64xf32, #tpu.memory_space<vmem>>) dst(%dma_wait3A_97 : memref<128x64xf32, #tpu.memory_space<vmem_shared>>)
      tpu.yield
    }) : () -> ()
    %mul3A_61 = arith.constant 640 : i32
    %mul3A_62 = arith.muli %arg1, %mul3A_61 : i32
    %add3A_63 = arith.constant 384 : i32
    %add3A_64 = arith.addi %mul3A_62, %add3A_63 : i32
    "tpu.region"() ({
      %run_scoped3A = tpu.sem_alloc : memref<!tpu.dma_semaphore, #tpu.memory_space<semaphore_mem>>
      %dma_start3A_91 = arith.constant 0 : i32
      %dma_start3A_92 = tpu.memref_slice %arg13[%add3A_64, %dma_start3A_91] : memref<10240x64xf32, #tpu.memory_space<vmem_shared>> -> memref<128x64xf32, #tpu.memory_space<vmem_shared>>
      %dma_start3A_93 = arith.constant 0 : i32
      %dma_start3A_94 = tpu.memref_slice %arg13[%add3A_64, %dma_start3A_93] : memref<10240x64xf32, #tpu.memory_space<vmem_shared>> -> memref<128x64xf32, #tpu.memory_space<vmem_shared>>
      tpu.enqueue_dma source(%arg12 : memref<128x64xf32, #tpu.memory_space<vmem>>) target(%dma_start3A_94 : memref<128x64xf32, #tpu.memory_space<vmem_shared>>) target_semaphore(%run_scoped3A : memref<!tpu.dma_semaphore, #tpu.memory_space<semaphore_mem>>)
      %dma_wait3A = arith.constant 0 : i32
      %dma_wait3A_95 = tpu.memref_slice %arg13[%add3A_64, %dma_wait3A] : memref<10240x64xf32, #tpu.memory_space<vmem_shared>> -> memref<128x64xf32, #tpu.memory_space<vmem_shared>>
      %dma_wait3A_96 = arith.constant 0 : i32
      %dma_wait3A_97 = tpu.memref_slice %arg13[%add3A_64, %dma_wait3A_96] : memref<10240x64xf32, #tpu.memory_space<vmem_shared>> -> memref<128x64xf32, #tpu.memory_space<vmem_shared>>
      tpu.wait_dma2 semaphore(%run_scoped3A : memref<!tpu.dma_semaphore, #tpu.memory_space<semaphore_mem>>) src(%arg12 : memref<128x64xf32, #tpu.memory_space<vmem>>) dst(%dma_wait3A_97 : memref<128x64xf32, #tpu.memory_space<vmem_shared>>)
      tpu.yield
    }) : () -> ()
    %mul3A_65 = arith.constant 640 : i32
    %mul3A_66 = arith.muli %arg1, %mul3A_65 : i32
    %add3A_67 = arith.constant 512 : i32
    %add3A_68 = arith.addi %mul3A_66, %add3A_67 : i32
    "tpu.region"() ({
      %run_scoped3A = tpu.sem_alloc : memref<!tpu.dma_semaphore, #tpu.memory_space<semaphore_mem>>
      %dma_start3A_91 = arith.constant 0 : i32
      %dma_start3A_92 = tpu.memref_slice %arg13[%add3A_68, %dma_start3A_91] : memref<10240x64xf32, #tpu.memory_space<vmem_shared>> -> memref<128x64xf32, #tpu.memory_space<vmem_shared>>
      %dma_start3A_93 = arith.constant 0 : i32
      %dma_start3A_94 = tpu.memref_slice %arg13[%add3A_68, %dma_start3A_93] : memref<10240x64xf32, #tpu.memory_space<vmem_shared>> -> memref<128x64xf32, #tpu.memory_space<vmem_shared>>
      tpu.enqueue_dma source(%arg12 : memref<128x64xf32, #tpu.memory_space<vmem>>) target(%dma_start3A_94 : memref<128x64xf32, #tpu.memory_space<vmem_shared>>) target_semaphore(%run_scoped3A : memref<!tpu.dma_semaphore, #tpu.memory_space<semaphore_mem>>)
      %dma_wait3A = arith.constant 0 : i32
      %dma_wait3A_95 = tpu.memref_slice %arg13[%add3A_68, %dma_wait3A] : memref<10240x64xf32, #tpu.memory_space<vmem_shared>> -> memref<128x64xf32, #tpu.memory_space<vmem_shared>>
      %dma_wait3A_96 = arith.constant 0 : i32
      %dma_wait3A_97 = tpu.memref_slice %arg13[%add3A_68, %dma_wait3A_96] : memref<10240x64xf32, #tpu.memory_space<vmem_shared>> -> memref<128x64xf32, #tpu.memory_space<vmem_shared>>
      tpu.wait_dma2 semaphore(%run_scoped3A : memref<!tpu.dma_semaphore, #tpu.memory_space<semaphore_mem>>) src(%arg12 : memref<128x64xf32, #tpu.memory_space<vmem>>) dst(%dma_wait3A_97 : memref<128x64xf32, #tpu.memory_space<vmem_shared>>)
      tpu.yield
    }) : () -> ()
    %barrier3A_69 = arith.constant 0 : index
    tpu.barrier barrier_id(%barrier3A_69)
    %dma_start3A_70 = arith.constant 0 : i32
    %dma_start3A_71 = arith.constant 0 : i32
    %dma_start3A_72 = tpu.memref_slice %arg8[%dma_start3A_70, %dma_start3A_71] : memref<80x128xi32, #tpu.memory_space<vmem>> -> memref<1x128xi32, #tpu.memory_space<vmem>>
    %dma_start3A_73 = tpu.memref_squeeze %dma_start3A_72 : memref<1x128xi32, #tpu.memory_space<vmem>> -> memref<128xi32, #tpu.memory_space<vmem>>
    %dma_start3A_74 = arith.constant 0 : i32
    %dma_start3A_75 = arith.constant 0 : i32
    %dma_start3A_76 = tpu.memref_slice %arg3[%dma_start3A_74, %dma_start3A_75] : memref<10240x64xf32, #tpu.memory_space<hbm>> -> memref<10240x64xf32, #tpu.memory_space<hbm>>
    tpu.enqueue_indirect_dma source(%dma_start3A_76 : memref<10240x64xf32, #tpu.memory_space<hbm>>) target(%arg10 : memref<128x64xf32, #tpu.memory_space<vmem>>) offsets(%dma_start3A_73 : memref<128xi32, #tpu.memory_space<vmem>>) semaphore(%arg14 : memref<!tpu.dma_semaphore, #tpu.memory_space<semaphore_mem>>)
    %scan3A_77 = arith.constant 0 : i32
    %scan3A_78 = arith.constant 0 : i32
    %scan3A_79 = arith.constant 40 : i32
    %scan3A_80 = arith.addi %scan3A_78, %scan3A_79 : i32
    %scan3A_81 = arith.constant 1 : i32
    scf.for %scan3A_91 = %scan3A_78 to %scan3A_80 step %scan3A_81  : i32 {
      %mul3A_92 = arith.constant 2 : i32
      %mul3A_93 = arith.muli %scan3A_91, %mul3A_92 : i32
      %add3A_94 = arith.constant 1 : i32
      %add3A_95 = arith.addi %mul3A_93, %add3A_94 : i32
      %dma_start3A_96 = arith.constant 0 : i32
      %dma_start3A_97 = tpu.memref_slice %arg8[%add3A_95, %dma_start3A_96] : memref<80x128xi32, #tpu.memory_space<vmem>> -> memref<1x128xi32, #tpu.memory_space<vmem>>
      %dma_start3A_98 = tpu.memref_squeeze %dma_start3A_97 : memref<1x128xi32, #tpu.memory_space<vmem>> -> memref<128xi32, #tpu.memory_space<vmem>>
      %dma_start3A_99 = arith.constant 0 : i32
      %dma_start3A_100 = arith.constant 0 : i32
      %dma_start3A_101 = tpu.memref_slice %arg3[%dma_start3A_99, %dma_start3A_100] : memref<10240x64xf32, #tpu.memory_space<hbm>> -> memref<10240x64xf32, #tpu.memory_space<hbm>>
      tpu.enqueue_indirect_dma source(%dma_start3A_101 : memref<10240x64xf32, #tpu.memory_space<hbm>>) target(%arg11 : memref<128x64xf32, #tpu.memory_space<vmem>>) offsets(%dma_start3A_98 : memref<128xi32, #tpu.memory_space<vmem>>) semaphore(%arg15 : memref<!tpu.dma_semaphore, #tpu.memory_space<semaphore_mem>>)
      %dma_wait3A = arith.constant 0 : i32
      %dma_wait3A_102 = tpu.memref_slice %arg8[%mul3A_93, %dma_wait3A] : memref<80x128xi32, #tpu.memory_space<vmem>> -> memref<1x128xi32, #tpu.memory_space<vmem>>
      %dma_wait3A_103 = tpu.memref_squeeze %dma_wait3A_102 : memref<1x128xi32, #tpu.memory_space<vmem>> -> memref<128xi32, #tpu.memory_space<vmem>>
      %dma_wait3A_104 = arith.constant 0 : i32
      %dma_wait3A_105 = arith.constant 0 : i32
      %dma_wait3A_106 = tpu.memref_slice %arg3[%dma_wait3A_104, %dma_wait3A_105] : memref<10240x64xf32, #tpu.memory_space<hbm>> -> memref<10240x64xf32, #tpu.memory_space<hbm>>
      tpu.wait_indirect_dma semaphore(%arg14 : memref<!tpu.dma_semaphore, #tpu.memory_space<semaphore_mem>>) src(%dma_wait3A_106 : memref<10240x64xf32, #tpu.memory_space<hbm>>) dst(%arg10 : memref<128x64xf32, #tpu.memory_space<vmem>>)
      "tpu.region"() ({
        %run_scoped3A = tpu.sem_alloc : memref<!tpu.dma_semaphore, #tpu.memory_space<semaphore_mem>>
        %dma_start3A_121 = arith.constant 0 : i32
        %dma_start3A_122 = tpu.memref_slice %arg9[%mul3A_93, %dma_start3A_121] : memref<80x128xi32, #tpu.memory_space<vmem>> -> memref<1x128xi32, #tpu.memory_space<vmem>>
        %dma_start3A_123 = tpu.memref_squeeze %dma_start3A_122 : memref<1x128xi32, #tpu.memory_space<vmem>> -> memref<128xi32, #tpu.memory_space<vmem>>
        %dma_start3A_124 = arith.constant 0 : i32
        %dma_start3A_125 = arith.constant 0 : i32
        %dma_start3A_126 = tpu.memref_slice %arg13[%dma_start3A_124, %dma_start3A_125] : memref<10240x64xf32, #tpu.memory_space<vmem_shared>> -> memref<10240x64xf32, #tpu.memory_space<vmem_shared>>
        tpu.enqueue_indirect_dma source(%arg10 : memref<128x64xf32, #tpu.memory_space<vmem>>) target(%dma_start3A_126 : memref<10240x64xf32, #tpu.memory_space<vmem_shared>>) offsets(%dma_start3A_123 : memref<128xi32, #tpu.memory_space<vmem>>) semaphore(%run_scoped3A : memref<!tpu.dma_semaphore, #tpu.memory_space<semaphore_mem>>) {add = true}
        %dma_wait3A_127 = arith.constant 0 : i32
        %dma_wait3A_128 = tpu.memref_slice %arg9[%mul3A_93, %dma_wait3A_127] : memref<80x128xi32, #tpu.memory_space<vmem>> -> memref<1x128xi32, #tpu.memory_space<vmem>>
        %dma_wait3A_129 = tpu.memref_squeeze %dma_wait3A_128 : memref<1x128xi32, #tpu.memory_space<vmem>> -> memref<128xi32, #tpu.memory_space<vmem>>
        %dma_wait3A_130 = arith.constant 0 : i32
        %dma_wait3A_131 = arith.constant 0 : i32
        %dma_wait3A_132 = tpu.memref_slice %arg13[%dma_wait3A_130, %dma_wait3A_131] : memref<10240x64xf32, #tpu.memory_space<vmem_shared>> -> memref<10240x64xf32, #tpu.memory_space<vmem_shared>>
        tpu.wait_indirect_dma semaphore(%run_scoped3A : memref<!tpu.dma_semaphore, #tpu.memory_space<semaphore_mem>>) src(%arg10 : memref<128x64xf32, #tpu.memory_space<vmem>>) dst(%dma_wait3A_132 : memref<10240x64xf32, #tpu.memory_space<vmem_shared>>)
        tpu.yield
      }) : () -> ()
      %add3A_107 = arith.constant 2 : i32
      %add3A_108 = arith.addi %mul3A_93, %add3A_107 : i32
      %lt3A = arith.constant 80 : i32
      %lt3A_109 = arith.cmpi slt, %add3A_108, %lt3A : i32
      %convert_element_type3A = arith.extui %lt3A_109 : i1 to i32
      %cond3A = arith.constant 0 : i32
      %cond3A_110 = arith.cmpi ne, %convert_element_type3A, %cond3A : i32
      scf.if %cond3A_110 {
        %add3A_121 = arith.constant 2 : i32
        %add3A_122 = arith.addi %mul3A_93, %add3A_121 : i32
        %dma_start3A_123 = arith.constant 0 : i32
        %dma_start3A_124 = tpu.memref_slice %arg8[%add3A_122, %dma_start3A_123] : memref<80x128xi32, #tpu.memory_space<vmem>> -> memref<1x128xi32, #tpu.memory_space<vmem>>
        %dma_start3A_125 = tpu.memref_squeeze %dma_start3A_124 : memref<1x128xi32, #tpu.memory_space<vmem>> -> memref<128xi32, #tpu.memory_space<vmem>>
        %dma_start3A_126 = arith.constant 0 : i32
        %dma_start3A_127 = arith.constant 0 : i32
        %dma_start3A_128 = tpu.memref_slice %arg3[%dma_start3A_126, %dma_start3A_127] : memref<10240x64xf32, #tpu.memory_space<hbm>> -> memref<10240x64xf32, #tpu.memory_space<hbm>>
        tpu.enqueue_indirect_dma source(%dma_start3A_128 : memref<10240x64xf32, #tpu.memory_space<hbm>>) target(%arg10 : memref<128x64xf32, #tpu.memory_space<vmem>>) offsets(%dma_start3A_125 : memref<128xi32, #tpu.memory_space<vmem>>) semaphore(%arg14 : memref<!tpu.dma_semaphore, #tpu.memory_space<semaphore_mem>>)
      } else {
      }
      %add3A_111 = arith.constant 1 : i32
      %add3A_112 = arith.addi %mul3A_93, %add3A_111 : i32
      %dma_wait3A_113 = arith.constant 0 : i32
      %dma_wait3A_114 = tpu.memref_slice %arg8[%add3A_112, %dma_wait3A_113] : memref<80x128xi32, #tpu.memory_space<vmem>> -> memref<1x128xi32, #tpu.memory_space<vmem>>
      %dma_wait3A_115 = tpu.memref_squeeze %dma_wait3A_114 : memref<1x128xi32, #tpu.memory_space<vmem>> -> memref<128xi32, #tpu.memory_space<vmem>>
      %dma_wait3A_116 = arith.constant 0 : i32
      %dma_wait3A_117 = arith.constant 0 : i32
      %dma_wait3A_118 = tpu.memref_slice %arg3[%dma_wait3A_116, %dma_wait3A_117] : memref<10240x64xf32, #tpu.memory_space<hbm>> -> memref<10240x64xf32, #tpu.memory_space<hbm>>
      tpu.wait_indirect_dma semaphore(%arg15 : memref<!tpu.dma_semaphore, #tpu.memory_space<semaphore_mem>>) src(%dma_wait3A_118 : memref<10240x64xf32, #tpu.memory_space<hbm>>) dst(%arg11 : memref<128x64xf32, #tpu.memory_space<vmem>>)
      %add3A_119 = arith.constant 1 : i32
      %add3A_120 = arith.addi %mul3A_93, %add3A_119 : i32
      "tpu.region"() ({
        %run_scoped3A = tpu.sem_alloc : memref<!tpu.dma_semaphore, #tpu.memory_space<semaphore_mem>>
        %dma_start3A_121 = arith.constant 0 : i32
        %dma_start3A_122 = tpu.memref_slice %arg9[%add3A_120, %dma_start3A_121] : memref<80x128xi32, #tpu.memory_space<vmem>> -> memref<1x128xi32, #tpu.memory_space<vmem>>
        %dma_start3A_123 = tpu.memref_squeeze %dma_start3A_122 : memref<1x128xi32, #tpu.memory_space<vmem>> -> memref<128xi32, #tpu.memory_space<vmem>>
        %dma_start3A_124 = arith.constant 0 : i32
        %dma_start3A_125 = arith.constant 0 : i32
        %dma_start3A_126 = tpu.memref_slice %arg13[%dma_start3A_124, %dma_start3A_125] : memref<10240x64xf32, #tpu.memory_space<vmem_shared>> -> memref<10240x64xf32, #tpu.memory_space<vmem_shared>>
        tpu.enqueue_indirect_dma source(%arg11 : memref<128x64xf32, #tpu.memory_space<vmem>>) target(%dma_start3A_126 : memref<10240x64xf32, #tpu.memory_space<vmem_shared>>) offsets(%dma_start3A_123 : memref<128xi32, #tpu.memory_space<vmem>>) semaphore(%run_scoped3A : memref<!tpu.dma_semaphore, #tpu.memory_space<semaphore_mem>>) {add = true}
        %dma_wait3A_127 = arith.constant 0 : i32
        %dma_wait3A_128 = tpu.memref_slice %arg9[%add3A_120, %dma_wait3A_127] : memref<80x128xi32, #tpu.memory_space<vmem>> -> memref<1x128xi32, #tpu.memory_space<vmem>>
        %dma_wait3A_129 = tpu.memref_squeeze %dma_wait3A_128 : memref<1x128xi32, #tpu.memory_space<vmem>> -> memref<128xi32, #tpu.memory_space<vmem>>
        %dma_wait3A_130 = arith.constant 0 : i32
        %dma_wait3A_131 = arith.constant 0 : i32
        %dma_wait3A_132 = tpu.memref_slice %arg13[%dma_wait3A_130, %dma_wait3A_131] : memref<10240x64xf32, #tpu.memory_space<vmem_shared>> -> memref<10240x64xf32, #tpu.memory_space<vmem_shared>>
        tpu.wait_indirect_dma semaphore(%run_scoped3A : memref<!tpu.dma_semaphore, #tpu.memory_space<semaphore_mem>>) src(%arg11 : memref<128x64xf32, #tpu.memory_space<vmem>>) dst(%dma_wait3A_132 : memref<10240x64xf32, #tpu.memory_space<vmem_shared>>)
        tpu.yield
      }) : () -> ()
    }
    %scan3A_82 = arith.constant 40 : i32
    %barrier3A_83 = arith.constant 0 : index
    tpu.barrier barrier_id(%barrier3A_83)
    %mul3A_84 = arith.constant 640 : i32
    %mul3A_85 = arith.muli %arg1, %mul3A_84 : i32
    %mul3A_86 = arith.constant 10240 : i32
    %mul3A_87 = arith.muli %arg0, %mul3A_86 : i32
    %mul3A_88 = arith.constant 640 : i32
    %mul3A_89 = arith.muli %arg1, %mul3A_88 : i32
    %add3A_90 = arith.addi %mul3A_87, %mul3A_89 : i32
    "tpu.region"() ({
      %run_scoped3A = tpu.sem_alloc : memref<!tpu.dma_semaphore, #tpu.memory_space<semaphore_mem>>
      %dma_start3A_91 = arith.constant 0 : i32
      %dma_start3A_92 = tpu.memref_slice %arg7[%add3A_90, %dma_start3A_91] : memref<20480x64xf32, #tpu.memory_space<hbm>> -> memref<640x64xf32, #tpu.memory_space<hbm>>
      %dma_start3A_93 = arith.constant 0 : i32
      %dma_start3A_94 = tpu.memref_slice %arg13[%mul3A_85, %dma_start3A_93] : memref<10240x64xf32, #tpu.memory_space<vmem_shared>> -> memref<640x64xf32, #tpu.memory_space<vmem_shared>>
      tpu.enqueue_dma source(%dma_start3A_94 : memref<640x64xf32, #tpu.memory_space<vmem_shared>>) target(%dma_start3A_92 : memref<640x64xf32, #tpu.memory_space<hbm>>) target_semaphore(%run_scoped3A : memref<!tpu.dma_semaphore, #tpu.memory_space<semaphore_mem>>)
      %dma_wait3A = arith.constant 0 : i32
      %dma_wait3A_95 = tpu.memref_slice %arg7[%add3A_90, %dma_wait3A] : memref<20480x64xf32, #tpu.memory_space<hbm>> -> memref<640x64xf32, #tpu.memory_space<hbm>>
      %dma_wait3A_96 = arith.constant 0 : i32
      %dma_wait3A_97 = tpu.memref_slice %arg13[%mul3A_85, %dma_wait3A_96] : memref<10240x64xf32, #tpu.memory_space<vmem_shared>> -> memref<640x64xf32, #tpu.memory_space<vmem_shared>>
      tpu.wait_dma2 semaphore(%run_scoped3A : memref<!tpu.dma_semaphore, #tpu.memory_space<semaphore_mem>>) src(%dma_wait3A_97 : memref<640x64xf32, #tpu.memory_space<vmem_shared>>) dst(%dma_wait3A_95 : memref<640x64xf32, #tpu.memory_space<hbm>>)
      tpu.yield
    }) : () -> ()
    return
  }
}

module attributes {stable_mosaic.version = 14 : i64} {
  func.func @_mm1_body(%arg0: i32, %arg1: memref<1024x128xf32, #tpu.memory_space<vmem>>, %arg2: memref<128x128xf32, #tpu.memory_space<vmem>>, %arg3: memref<1024x16xf32, #tpu.memory_space<vmem>>, %arg4: memref<1024x16xf32, #tpu.memory_space<vmem>>, %arg5: memref<1024x64xf32, #tpu.memory_space<vmem>>, %arg6: memref<1024x64xf32, #tpu.memory_space<vmem>>, %arg7: memref<1024x1xf32, #tpu.memory_space<vmem>>) attributes {dimension_semantics = [#tpu.dimension_semantics<arbitrary>], iteration_bounds = array<i64: 10>, scalar_prefetch = 0 : i64, scratch_operands = 0 : i64, tpu.core_type = #tpu.core_type<tc>, window_params = [{transform_indices = @transform_0, window_bounds = array<i64: 1024, 128>}, {pipeline_mode = #tpu.pipeline_mode<synchronous>, transform_indices = @transform_1, window_bounds = array<i64: 128, 128>}, {transform_indices = @transform_2, window_bounds = array<i64: 1024, 16>}, {transform_indices = @transform_3, window_bounds = array<i64: 1024, 16>}, {transform_indices = @transform_4, window_bounds = array<i64: 1024, 64>}, {transform_indices = @transform_5, window_bounds = array<i64: 1024, 64>}, {transform_indices = @transform_6, window_bounds = array<i64: 1024, 1>}]} {
    %get3A = arith.constant 0 : index
    %get3A_0 = arith.constant 0 : index
    %get3A_1 = vector.load %arg3[%get3A, %get3A_0] : memref<1024x16xf32, #tpu.memory_space<vmem>>, vector<1024x1xf32>
    %get3A_2 = arith.constant 0 : index
    %get3A_3 = arith.constant 0 : index
    %get3A_4 = vector.load %arg4[%get3A_2, %get3A_3] : memref<1024x16xf32, #tpu.memory_space<vmem>>, vector<1024x1xf32>
    %add3A = arith.addf %get3A_1, %get3A_4 : vector<1024x1xf32>
    %add3A_5 = arith.constant 1.000000e+00 : f32
    %add3A_6 = vector.broadcast %add3A_5 : f32 to vector<1024x1xf32>
    %add3A_7 = arith.addf %add3A, %add3A_6 : vector<1024x1xf32>
    %mul3A = arith.constant 1024 : i32
    %mul3A_8 = arith.muli %arg0, %mul3A : i32
    %iota3A = tpu.iota {dimensions = array<i32: 0>} : vector<1024x1xi32>
    %add3A_9 = vector.broadcast %mul3A_8 : i32 to vector<1024x1xi32>
    %add3A_10 = arith.addi %add3A_9, %iota3A : vector<1024x1xi32>
    %lt3A = arith.constant 10000 : i32
    %lt3A_11 = vector.broadcast %lt3A : i32 to vector<1024x1xi32>
    %lt3A_12 = arith.cmpi slt, %add3A_10, %lt3A_11 : vector<1024x1xi32>
    %rsqrt3A = math.rsqrt %add3A_7 : vector<1024x1xf32>
    %jit3A = arith.constant 0.000000e+00 : f32
    %broadcast_in_dim3A = vector.broadcast %jit3A : f32 to vector<1024x1xf32>
    %select_n3A = arith.select %lt3A_12, %rsqrt3A, %broadcast_in_dim3A : vector<1024x1xi1>, vector<1024x1xf32>
    %get3A_13 = arith.constant 0 : index
    %get3A_14 = arith.constant 0 : index
    %get3A_15 = vector.load %arg1[%get3A_13, %get3A_14] : memref<1024x128xf32, #tpu.memory_space<vmem>>, vector<1024x128xf32>
    %get3A_16 = arith.constant 0 : index
    %get3A_17 = arith.constant 0 : index
    %get3A_18 = vector.load %arg2[%get3A_16, %get3A_17] : memref<128x128xf32, #tpu.memory_space<vmem>>, vector<128x128xf32>
    %dot_general3A = arith.constant dense<0.000000e+00> : vector<1024x128xf32>
    %dot_general3A_19 = tpu.matmul %get3A_15, %get3A_18, %dot_general3A {dimension_numbers = #tpu.dot_dimension_numbers<[1], [0], [0], [1], [0, 0, 1, 1], [], []>, transpose_lhs_hint = false} : vector<1024x128xf32>, vector<128x128xf32>, vector<1024x128xf32> -> vector<1024x128xf32>
    %mul3A_20 = vector.broadcast %select_n3A : vector<1024x1xf32> to vector<1024x128xf32>
    %mul3A_21 = arith.mulf %mul3A_20, %dot_general3A_19 : vector<1024x128xf32>
    %slice3A = vector.extract_strided_slice %mul3A_21 {offsets = [0, 0], sizes = [1024, 64], strides = [1, 1]} : vector<1024x128xf32> to vector<1024x64xf32>
    %swap3A = arith.constant 0 : index
    %swap3A_22 = arith.constant 0 : index
    %swap3A_23 = vector.load %arg5[%swap3A, %swap3A_22] : memref<1024x64xf32, #tpu.memory_space<vmem>>, vector<1024x64xf32>
    tpu.vector_store %arg5[%swap3A, %swap3A_22], %slice3A {strides = array<i32>} : memref<1024x64xf32, #tpu.memory_space<vmem>>, vector<1024x64xf32>,
    %slice3A_24 = vector.extract_strided_slice %mul3A_21 {offsets = [0, 64], sizes = [1024, 64], strides = [1, 1]} : vector<1024x128xf32> to vector<1024x64xf32>
    %swap3A_25 = arith.constant 0 : index
    %swap3A_26 = arith.constant 0 : index
    %swap3A_27 = vector.load %arg6[%swap3A_25, %swap3A_26] : memref<1024x64xf32, #tpu.memory_space<vmem>>, vector<1024x64xf32>
    tpu.vector_store %arg6[%swap3A_25, %swap3A_26], %slice3A_24 {strides = array<i32>} : memref<1024x64xf32, #tpu.memory_space<vmem>>, vector<1024x64xf32>,
    %swap3A_28 = arith.constant 0 : index
    %swap3A_29 = arith.constant 0 : index
    %swap3A_30 = vector.load %arg7[%swap3A_28, %swap3A_29] : memref<1024x1xf32, #tpu.memory_space<vmem>>, vector<1024x1xf32>
    tpu.vector_store %arg7[%swap3A_28, %swap3A_29], %select_n3A {strides = array<i32>} : memref<1024x1xf32, #tpu.memory_space<vmem>>, vector<1024x1xf32>,
    return
  }
  func.func @transform_0(%arg0: i32) -> (i32, i32) {
    %c0_i32 = arith.constant 0 : i32
    %c0_i32_0 = arith.constant 0 : i32
    return %arg0, %c0_i32 : i32, i32
  }
  func.func @transform_1(%arg0: i32) -> (i32, i32) {
    %c0_i32 = arith.constant 0 : i32
    %c0_i32_0 = arith.constant 0 : i32
    %c0_i32_1 = arith.constant 0 : i32
    return %c0_i32, %c0_i32_0 : i32, i32
  }
  func.func @transform_2(%arg0: i32) -> (i32, i32) {
    %c0_i32 = arith.constant 0 : i32
    %c0_i32_0 = arith.constant 0 : i32
    return %arg0, %c0_i32 : i32, i32
  }
  func.func @transform_3(%arg0: i32) -> (i32, i32) {
    %add3A = arith.constant 10 : i32
    %add3A_0 = arith.addi %add3A, %arg0 : i32
    %c0_i32 = arith.constant 0 : i32
    %c0_i32_1 = arith.constant 0 : i32
    return %add3A_0, %c0_i32 : i32, i32
  }
  func.func @transform_4(%arg0: i32) -> (i32, i32) {
    %c0_i32 = arith.constant 0 : i32
    %c0_i32_0 = arith.constant 0 : i32
    return %arg0, %c0_i32 : i32, i32
  }
  func.func @transform_5(%arg0: i32) -> (i32, i32) {
    %c0_i32 = arith.constant 0 : i32
    %c0_i32_0 = arith.constant 0 : i32
    return %arg0, %c0_i32 : i32, i32
  }
  func.func @transform_6(%arg0: i32) -> (i32, i32) {
    %c0_i32 = arith.constant 0 : i32
    %c0_i32_0 = arith.constant 0 : i32
    return %arg0, %c0_i32 : i32, i32
  }
}

module attributes {stable_mosaic.version = 14 : i64} {
  func.func @_mm2_body(%arg0: i32, %arg1: memref<1024x64xf32, #tpu.memory_space<vmem>>, %arg2: memref<1024x64xf32, #tpu.memory_space<vmem>>, %arg3: memref<1024x64xf32, #tpu.memory_space<vmem>>, %arg4: memref<1024x64xf32, #tpu.memory_space<vmem>>, %arg5: memref<1024x64xf32, #tpu.memory_space<vmem>>, %arg6: memref<1024x64xf32, #tpu.memory_space<vmem>>, %arg7: memref<1024x1xf32, #tpu.memory_space<vmem>>, %arg8: memref<1x128xf32, #tpu.memory_space<vmem>>, %arg9: memref<128x128xf32, #tpu.memory_space<vmem>>, %arg10: memref<1024x64xf32, #tpu.memory_space<vmem>>, %arg11: memref<1024x64xf32, #tpu.memory_space<vmem>>) attributes {dimension_semantics = [#tpu.dimension_semantics<arbitrary>], iteration_bounds = array<i64: 10>, scalar_prefetch = 0 : i64, scratch_operands = 0 : i64, tpu.core_type = #tpu.core_type<tc>, window_params = [{transform_indices = @transform_0, window_bounds = array<i64: 1024, 64>}, {transform_indices = @transform_1, window_bounds = array<i64: 1024, 64>}, {transform_indices = @transform_2, window_bounds = array<i64: 1024, 64>}, {transform_indices = @transform_3, window_bounds = array<i64: 1024, 64>}, {transform_indices = @transform_4, window_bounds = array<i64: 1024, 64>}, {transform_indices = @transform_5, window_bounds = array<i64: 1024, 64>}, {transform_indices = @transform_6, window_bounds = array<i64: 1024, 1>}, {pipeline_mode = #tpu.pipeline_mode<synchronous>, transform_indices = @transform_7, window_bounds = array<i64: 1, 128>}, {pipeline_mode = #tpu.pipeline_mode<synchronous>, transform_indices = @transform_8, window_bounds = array<i64: 128, 128>}, {transform_indices = @transform_9, window_bounds = array<i64: 1024, 64>}, {transform_indices = @transform_10, window_bounds = array<i64: 1024, 64>}]} {
    %get3A = arith.constant 0 : index
    %get3A_0 = arith.constant 0 : index
    %get3A_1 = vector.load %arg7[%get3A, %get3A_0] : memref<1024x1xf32, #tpu.memory_space<vmem>>, vector<1024x1xf32>
    %get3A_2 = arith.constant 0 : index
    %get3A_3 = arith.constant 0 : index
    %get3A_4 = vector.load %arg1[%get3A_2, %get3A_3] : memref<1024x64xf32, #tpu.memory_space<vmem>>, vector<1024x64xf32>
    %get3A_5 = arith.constant 0 : index
    %get3A_6 = arith.constant 0 : index
    %get3A_7 = vector.load %arg2[%get3A_5, %get3A_6] : memref<1024x64xf32, #tpu.memory_space<vmem>>, vector<1024x64xf32>
    %get3A_8 = arith.constant 0 : index
    %get3A_9 = arith.constant 0 : index
    %get3A_10 = vector.load %arg3[%get3A_8, %get3A_9] : memref<1024x64xf32, #tpu.memory_space<vmem>>, vector<1024x64xf32>
    %get3A_11 = arith.constant 0 : index
    %get3A_12 = arith.constant 0 : index
    %get3A_13 = vector.load %arg4[%get3A_11, %get3A_12] : memref<1024x64xf32, #tpu.memory_space<vmem>>, vector<1024x64xf32>
    %get3A_14 = arith.constant 0 : index
    %get3A_15 = arith.constant 0 : index
    %get3A_16 = vector.load %arg5[%get3A_14, %get3A_15] : memref<1024x64xf32, #tpu.memory_space<vmem>>, vector<1024x64xf32>
    %get3A_17 = arith.constant 0 : index
    %get3A_18 = arith.constant 0 : index
    %get3A_19 = vector.load %arg6[%get3A_17, %get3A_18] : memref<1024x64xf32, #tpu.memory_space<vmem>>, vector<1024x64xf32>
    %add3A = arith.addf %get3A_4, %get3A_7 : vector<1024x64xf32>
    %add3A_20 = arith.addf %add3A, %get3A_16 : vector<1024x64xf32>
    %add3A_21 = arith.addf %get3A_10, %get3A_13 : vector<1024x64xf32>
    %add3A_22 = arith.addf %add3A_21, %get3A_19 : vector<1024x64xf32>
    %concatenate3A = tpu.concatenate %add3A_20, %add3A_22 in 1 : vector<1024x64xf32>, vector<1024x64xf32> -> vector<1024x128xf32>
    %mul3A = vector.broadcast %get3A_1 : vector<1024x1xf32> to vector<1024x128xf32>
    %mul3A_23 = arith.mulf %mul3A, %concatenate3A : vector<1024x128xf32>
    %get3A_24 = arith.constant 0 : index
    %get3A_25 = arith.constant 0 : index
    %get3A_26 = vector.load %arg8[%get3A_24, %get3A_25] : memref<1x128xf32, #tpu.memory_space<vmem>>, vector<1x128xf32>
    %add3A_27 = vector.broadcast %get3A_26 : vector<1x128xf32> to vector<1024x128xf32>
    %add3A_28 = arith.addf %mul3A_23, %add3A_27 : vector<1024x128xf32>
    %max3A = arith.constant 0.000000e+00 : f32
    %max3A_29 = vector.broadcast %max3A : f32 to vector<1024x128xf32>
    %max3A_30 = arith.maximumf %add3A_28, %max3A_29 : vector<1024x128xf32>
    %get3A_31 = arith.constant 0 : index
    %get3A_32 = arith.constant 0 : index
    %get3A_33 = vector.load %arg9[%get3A_31, %get3A_32] : memref<128x128xf32, #tpu.memory_space<vmem>>, vector<128x128xf32>
    %dot_general3A = arith.constant dense<0.000000e+00> : vector<1024x128xf32>
    %dot_general3A_34 = tpu.matmul %max3A_30, %get3A_33, %dot_general3A {dimension_numbers = #tpu.dot_dimension_numbers<[1], [0], [0], [1], [0, 0, 1, 1], [], []>, transpose_lhs_hint = false} : vector<1024x128xf32>, vector<128x128xf32>, vector<1024x128xf32> -> vector<1024x128xf32>
    %mul3A_35 = vector.broadcast %get3A_1 : vector<1024x1xf32> to vector<1024x128xf32>
    %mul3A_36 = arith.mulf %mul3A_35, %dot_general3A_34 : vector<1024x128xf32>
    %slice3A = vector.extract_strided_slice %mul3A_36 {offsets = [0, 0], sizes = [1024, 64], strides = [1, 1]} : vector<1024x128xf32> to vector<1024x64xf32>
    %swap3A = arith.constant 0 : index
    %swap3A_37 = arith.constant 0 : index
    %swap3A_38 = vector.load %arg10[%swap3A, %swap3A_37] : memref<1024x64xf32, #tpu.memory_space<vmem>>, vector<1024x64xf32>
    tpu.vector_store %arg10[%swap3A, %swap3A_37], %slice3A {strides = array<i32>} : memref<1024x64xf32, #tpu.memory_space<vmem>>, vector<1024x64xf32>,
    %slice3A_39 = vector.extract_strided_slice %mul3A_36 {offsets = [0, 64], sizes = [1024, 64], strides = [1, 1]} : vector<1024x128xf32> to vector<1024x64xf32>
    %swap3A_40 = arith.constant 0 : index
    %swap3A_41 = arith.constant 0 : index
    %swap3A_42 = vector.load %arg11[%swap3A_40, %swap3A_41] : memref<1024x64xf32, #tpu.memory_space<vmem>>, vector<1024x64xf32>
    tpu.vector_store %arg11[%swap3A_40, %swap3A_41], %slice3A_39 {strides = array<i32>} : memref<1024x64xf32, #tpu.memory_space<vmem>>, vector<1024x64xf32>,
    return
  }
  func.func @transform_0(%arg0: i32) -> (i32, i32) {
    %c0_i32 = arith.constant 0 : i32
    %c0_i32_0 = arith.constant 0 : i32
    return %arg0, %c0_i32 : i32, i32
  }
  func.func @transform_1(%arg0: i32) -> (i32, i32) {
    %add3A = arith.constant 10 : i32
    %add3A_0 = arith.addi %add3A, %arg0 : i32
    %c0_i32 = arith.constant 0 : i32
    %c0_i32_1 = arith.constant 0 : i32
    return %add3A_0, %c0_i32 : i32, i32
  }
  func.func @transform_2(%arg0: i32) -> (i32, i32) {
    %c0_i32 = arith.constant 0 : i32
    %c0_i32_0 = arith.constant 0 : i32
    return %arg0, %c0_i32 : i32, i32
  }
  func.func @transform_3(%arg0: i32) -> (i32, i32) {
    %add3A = arith.constant 10 : i32
    %add3A_0 = arith.addi %add3A, %arg0 : i32
    %c0_i32 = arith.constant 0 : i32
    %c0_i32_1 = arith.constant 0 : i32
    return %add3A_0, %c0_i32 : i32, i32
  }
  func.func @transform_4(%arg0: i32) -> (i32, i32) {
    %c0_i32 = arith.constant 0 : i32
    %c0_i32_0 = arith.constant 0 : i32
    return %arg0, %c0_i32 : i32, i32
  }
  func.func @transform_5(%arg0: i32) -> (i32, i32) {
    %c0_i32 = arith.constant 0 : i32
    %c0_i32_0 = arith.constant 0 : i32
    return %arg0, %c0_i32 : i32, i32
  }
  func.func @transform_6(%arg0: i32) -> (i32, i32) {
    %c0_i32 = arith.constant 0 : i32
    %c0_i32_0 = arith.constant 0 : i32
    return %arg0, %c0_i32 : i32, i32
  }
  func.func @transform_7(%arg0: i32) -> (i32, i32) {
    %c0_i32 = arith.constant 0 : i32
    %c0_i32_0 = arith.constant 0 : i32
    %c0_i32_1 = arith.constant 0 : i32
    return %c0_i32, %c0_i32_0 : i32, i32
  }
  func.func @transform_8(%arg0: i32) -> (i32, i32) {
    %c0_i32 = arith.constant 0 : i32
    %c0_i32_0 = arith.constant 0 : i32
    %c0_i32_1 = arith.constant 0 : i32
    return %c0_i32, %c0_i32_0 : i32, i32
  }
  func.func @transform_9(%arg0: i32) -> (i32, i32) {
    %c0_i32 = arith.constant 0 : i32
    %c0_i32_0 = arith.constant 0 : i32
    return %arg0, %c0_i32 : i32, i32
  }
  func.func @transform_10(%arg0: i32) -> (i32, i32) {
    %c0_i32 = arith.constant 0 : i32
    %c0_i32_0 = arith.constant 0 : i32
    return %arg0, %c0_i32 : i32, i32
  }
}

module attributes {stable_mosaic.version = 14 : i64} {
  func.func @_pool_body(%arg0: i32, %arg1: memref<1024x64xf32, #tpu.memory_space<vmem>>, %arg2: memref<1024x64xf32, #tpu.memory_space<vmem>>, %arg3: memref<1024x64xf32, #tpu.memory_space<vmem>>, %arg4: memref<1024x64xf32, #tpu.memory_space<vmem>>, %arg5: memref<1024x64xf32, #tpu.memory_space<vmem>>, %arg6: memref<1024x64xf32, #tpu.memory_space<vmem>>, %arg7: memref<1024x1xf32, #tpu.memory_space<vmem>>, %arg8: memref<1x128xf32, #tpu.memory_space<vmem>>, %arg9: memref<1x1024xi32, #tpu.memory_space<vmem>>, %arg10: memref<128x64xf32, #tpu.memory_space<vmem>>, %arg11: memref<1x64xf32, #tpu.memory_space<vmem>>, %arg12: memref<64x1xf32, #tpu.memory_space<vmem>>, %arg13: memref<1x1xf32, #tpu.memory_space<vmem>>, %arg14: memref<256x1xf32, #tpu.memory_space<vmem>>, %arg15: memref<256x128xf32, #tpu.memory_space<vmem>>, %arg16: memref<256x1xf32, #tpu.memory_space<vmem>>) attributes {dimension_semantics = [#tpu.dimension_semantics<arbitrary>], iteration_bounds = array<i64: 10>, scalar_prefetch = 0 : i64, scratch_operands = 2 : i64, tpu.core_type = #tpu.core_type<tc>, window_params = [{transform_indices = @transform_0, window_bounds = array<i64: 1024, 64>}, {transform_indices = @transform_1, window_bounds = array<i64: 1024, 64>}, {transform_indices = @transform_2, window_bounds = array<i64: 1024, 64>}, {transform_indices = @transform_3, window_bounds = array<i64: 1024, 64>}, {transform_indices = @transform_4, window_bounds = array<i64: 1024, 64>}, {transform_indices = @transform_5, window_bounds = array<i64: 1024, 64>}, {transform_indices = @transform_6, window_bounds = array<i64: 1024, 1>}, {pipeline_mode = #tpu.pipeline_mode<synchronous>, transform_indices = @transform_7, window_bounds = array<i64: 1, 128>}, {transform_indices = @transform_8, window_bounds = array<i64: 1, 1024>}, {pipeline_mode = #tpu.pipeline_mode<synchronous>, transform_indices = @transform_9, window_bounds = array<i64: 128, 64>}, {pipeline_mode = #tpu.pipeline_mode<synchronous>, transform_indices = @transform_10, window_bounds = array<i64: 1, 64>}, {pipeline_mode = #tpu.pipeline_mode<synchronous>, transform_indices = @transform_11, window_bounds = array<i64: 64, 1>}, {pipeline_mode = #tpu.pipeline_mode<synchronous>, transform_indices = @transform_12, window_bounds = array<i64: 1, 1>}, {pipeline_mode = #tpu.pipeline_mode<synchronous>, transform_indices = @transform_13, window_bounds = array<i64: 256, 1>}]} {
    %eq3A = arith.constant 0 : i32
    %eq3A_0 = arith.cmpi eq, %arg0, %eq3A : i32
    %convert_element_type3A = arith.extui %eq3A_0 : i1 to i32
    %cond3A = arith.constant 0 : i32
    %cond3A_1 = arith.cmpi ne, %convert_element_type3A, %cond3A : i32
    scf.if %cond3A_1 {
      %broadcast_in_dim3A_61 = arith.constant 0.000000e+00 : f32
      %broadcast_in_dim3A_62 = vector.broadcast %broadcast_in_dim3A_61 : f32 to vector<256x128xf32>
      %swap3A_63 = arith.constant 0 : index
      %swap3A_64 = arith.constant 0 : index
      %swap3A_65 = vector.load %arg15[%swap3A_63, %swap3A_64] : memref<256x128xf32, #tpu.memory_space<vmem>>, vector<256x128xf32>
      tpu.vector_store %arg15[%swap3A_63, %swap3A_64], %broadcast_in_dim3A_62 {strides = array<i32>} : memref<256x128xf32, #tpu.memory_space<vmem>>, vector<256x128xf32>,
      %broadcast_in_dim3A_66 = arith.constant 0.000000e+00 : f32
      %broadcast_in_dim3A_67 = vector.broadcast %broadcast_in_dim3A_66 : f32 to vector<256x1xf32>
      %swap3A_68 = arith.constant 0 : index
      %swap3A_69 = arith.constant 0 : index
      %swap3A_70 = vector.load %arg16[%swap3A_68, %swap3A_69] : memref<256x1xf32, #tpu.memory_space<vmem>>, vector<256x1xf32>
      tpu.vector_store %arg16[%swap3A_68, %swap3A_69], %broadcast_in_dim3A_67 {strides = array<i32>} : memref<256x1xf32, #tpu.memory_space<vmem>>, vector<256x1xf32>,
    } else {
    }
    %get3A = arith.constant 0 : index
    %get3A_2 = arith.constant 0 : index
    %get3A_3 = vector.load %arg7[%get3A, %get3A_2] : memref<1024x1xf32, #tpu.memory_space<vmem>>, vector<1024x1xf32>
    %get3A_4 = arith.constant 0 : index
    %get3A_5 = arith.constant 0 : index
    %get3A_6 = vector.load %arg1[%get3A_4, %get3A_5] : memref<1024x64xf32, #tpu.memory_space<vmem>>, vector<1024x64xf32>
    %get3A_7 = arith.constant 0 : index
    %get3A_8 = arith.constant 0 : index
    %get3A_9 = vector.load %arg2[%get3A_7, %get3A_8] : memref<1024x64xf32, #tpu.memory_space<vmem>>, vector<1024x64xf32>
    %get3A_10 = arith.constant 0 : index
    %get3A_11 = arith.constant 0 : index
    %get3A_12 = vector.load %arg3[%get3A_10, %get3A_11] : memref<1024x64xf32, #tpu.memory_space<vmem>>, vector<1024x64xf32>
    %get3A_13 = arith.constant 0 : index
    %get3A_14 = arith.constant 0 : index
    %get3A_15 = vector.load %arg4[%get3A_13, %get3A_14] : memref<1024x64xf32, #tpu.memory_space<vmem>>, vector<1024x64xf32>
    %get3A_16 = arith.constant 0 : index
    %get3A_17 = arith.constant 0 : index
    %get3A_18 = vector.load %arg5[%get3A_16, %get3A_17] : memref<1024x64xf32, #tpu.memory_space<vmem>>, vector<1024x64xf32>
    %get3A_19 = arith.constant 0 : index
    %get3A_20 = arith.constant 0 : index
    %get3A_21 = vector.load %arg6[%get3A_19, %get3A_20] : memref<1024x64xf32, #tpu.memory_space<vmem>>, vector<1024x64xf32>
    %add3A = arith.addf %get3A_6, %get3A_9 : vector<1024x64xf32>
    %add3A_22 = arith.addf %add3A, %get3A_18 : vector<1024x64xf32>
    %add3A_23 = arith.addf %get3A_12, %get3A_15 : vector<1024x64xf32>
    %add3A_24 = arith.addf %add3A_23, %get3A_21 : vector<1024x64xf32>
    %concatenate3A = tpu.concatenate %add3A_22, %add3A_24 in 1 : vector<1024x64xf32>, vector<1024x64xf32> -> vector<1024x128xf32>
    %mul3A = vector.broadcast %get3A_3 : vector<1024x1xf32> to vector<1024x128xf32>
    %mul3A_25 = arith.mulf %mul3A, %concatenate3A : vector<1024x128xf32>
    %get3A_26 = arith.constant 0 : index
    %get3A_27 = arith.constant 0 : index
    %get3A_28 = vector.load %arg8[%get3A_26, %get3A_27] : memref<1x128xf32, #tpu.memory_space<vmem>>, vector<1x128xf32>
    %add3A_29 = vector.broadcast %get3A_28 : vector<1x128xf32> to vector<1024x128xf32>
    %add3A_30 = arith.addf %mul3A_25, %add3A_29 : vector<1024x128xf32>
    %max3A = arith.constant 0.000000e+00 : f32
    %max3A_31 = vector.broadcast %max3A : f32 to vector<1024x128xf32>
    %max3A_32 = arith.maximumf %add3A_30, %max3A_31 : vector<1024x128xf32>
    %get3A_33 = arith.constant 0 : index
    %get3A_34 = arith.constant 0 : index
    %get3A_35 = vector.load %arg9[%get3A_33, %get3A_34] : memref<1x1024xi32, #tpu.memory_space<vmem>>, vector<1x1024xi32>
    %iota3A = tpu.iota {dimensions = array<i32: 0>} : vector<256x1024xi32>
    %broadcast_in_dim3A = vector.shape_cast %get3A_35 : vector<1x1024xi32> to vector<1x1024xi32>
    %broadcast_in_dim3A_36 = vector.broadcast %broadcast_in_dim3A : vector<1x1024xi32> to vector<256x1024xi32>
    %eq3A_37 = arith.cmpi eq, %iota3A, %broadcast_in_dim3A_36 : vector<256x1024xi32>
    %convert_element_type3A_38 = arith.extui %eq3A_37 : vector<256x1024xi1> to vector<256x1024xi32>
    %convert_element_type3A_39 = arith.sitofp %convert_element_type3A_38 : vector<256x1024xi32> to vector<256x1024xf32>
    %get3A_40 = arith.constant 0 : index
    %get3A_41 = arith.constant 0 : index
    %get3A_42 = vector.load %arg15[%get3A_40, %get3A_41] : memref<256x128xf32, #tpu.memory_space<vmem>>, vector<256x128xf32>
    %dot_general3A = arith.constant dense<0.000000e+00> : vector<256x128xf32>
    %dot_general3A_43 = tpu.matmul %convert_element_type3A_39, %max3A_32, %dot_general3A {dimension_numbers = #tpu.dot_dimension_numbers<[1], [0], [0], [1], [0, 0, 1, 1], [], []>, precision = #tpu.contract_precision<fp32>, transpose_lhs_hint = false} : vector<256x1024xf32>, vector<1024x128xf32>, vector<256x128xf32> -> vector<256x128xf32>
    %add3A_44 = arith.addf %get3A_42, %dot_general3A_43 : vector<256x128xf32>
    %swap3A = arith.constant 0 : index
    %swap3A_45 = arith.constant 0 : index
    %swap3A_46 = vector.load %arg15[%swap3A, %swap3A_45] : memref<256x128xf32, #tpu.memory_space<vmem>>, vector<256x128xf32>
    tpu.vector_store %arg15[%swap3A, %swap3A_45], %add3A_44 {strides = array<i32>} : memref<256x128xf32, #tpu.memory_space<vmem>>, vector<256x128xf32>,
    %get3A_47 = arith.constant 0 : index
    %get3A_48 = arith.constant 0 : index
    %get3A_49 = vector.load %arg16[%get3A_47, %get3A_48] : memref<256x1xf32, #tpu.memory_space<vmem>>, vector<256x1xf32>
    %reduce_sum3A = arith.constant dense<0.000000e+00> : vector<256xf32>
    %reduce_sum3A_50 = vector.multi_reduction <add>, %convert_element_type3A_39, %reduce_sum3A [1] : vector<256x1024xf32> to vector<256xf32>
    %broadcast_in_dim3A_51 = vector.shape_cast %reduce_sum3A_50 : vector<256xf32> to vector<256x1xf32>
    %add3A_52 = arith.addf %get3A_49, %broadcast_in_dim3A_51 : vector<256x1xf32>
    %swap3A_53 = arith.constant 0 : index
    %swap3A_54 = arith.constant 0 : index
    %swap3A_55 = vector.load %arg16[%swap3A_53, %swap3A_54] : memref<256x1xf32, #tpu.memory_space<vmem>>, vector<256x1xf32>
    tpu.vector_store %arg16[%swap3A_53, %swap3A_54], %add3A_52 {strides = array<i32>} : memref<256x1xf32, #tpu.memory_space<vmem>>, vector<256x1xf32>,
    %eq3A_56 = arith.constant 9 : i32
    %eq3A_57 = arith.cmpi eq, %arg0, %eq3A_56 : i32
    %convert_element_type3A_58 = arith.extui %eq3A_57 : i1 to i32
    %cond3A_59 = arith.constant 0 : i32
    %cond3A_60 = arith.cmpi ne, %convert_element_type3A_58, %cond3A_59 : i32
    scf.if %cond3A_60 {
      %get3A_61 = arith.constant 0 : index
      %get3A_62 = arith.constant 0 : index
      %get3A_63 = vector.load %arg15[%get3A_61, %get3A_62] : memref<256x128xf32, #tpu.memory_space<vmem>>, vector<256x128xf32>
      %get3A_64 = arith.constant 0 : index
      %get3A_65 = arith.constant 0 : index
      %get3A_66 = vector.load %arg16[%get3A_64, %get3A_65] : memref<256x1xf32, #tpu.memory_space<vmem>>, vector<256x1xf32>
      %max3A_67 = arith.constant 1.000000e+00 : f32
      %max3A_68 = vector.broadcast %max3A_67 : f32 to vector<256x1xf32>
      %max3A_69 = arith.maximumf %get3A_66, %max3A_68 : vector<256x1xf32>
      %div3A = vector.broadcast %max3A_69 : vector<256x1xf32> to vector<256x128xf32>
      %div3A_70 = arith.divf %get3A_63, %div3A : vector<256x128xf32>
      %get3A_71 = arith.constant 0 : index
      %get3A_72 = arith.constant 0 : index
      %get3A_73 = vector.load %arg10[%get3A_71, %get3A_72] : memref<128x64xf32, #tpu.memory_space<vmem>>, vector<128x64xf32>
      %dot_general3A_74 = arith.constant dense<0.000000e+00> : vector<256x64xf32>
      %dot_general3A_75 = tpu.matmul %div3A_70, %get3A_73, %dot_general3A_74 {dimension_numbers = #tpu.dot_dimension_numbers<[1], [0], [0], [1], [0, 0, 1, 1], [], []>, transpose_lhs_hint = false} : vector<256x128xf32>, vector<128x64xf32>, vector<256x64xf32> -> vector<256x64xf32>
      %get3A_76 = arith.constant 0 : index
      %get3A_77 = arith.constant 0 : index
      %get3A_78 = vector.load %arg11[%get3A_76, %get3A_77] : memref<1x64xf32, #tpu.memory_space<vmem>>, vector<1x64xf32>
      %add3A_79 = vector.broadcast %get3A_78 : vector<1x64xf32> to vector<256x64xf32>
      %add3A_80 = arith.addf %dot_general3A_75, %add3A_79 : vector<256x64xf32>
      %max3A_81 = arith.constant 0.000000e+00 : f32
      %max3A_82 = vector.broadcast %max3A_81 : f32 to vector<256x64xf32>
      %max3A_83 = arith.maximumf %add3A_80, %max3A_82 : vector<256x64xf32>
      %get3A_84 = arith.constant 0 : index
      %get3A_85 = arith.constant 0 : index
      %get3A_86 = vector.load %arg12[%get3A_84, %get3A_85] : memref<64x1xf32, #tpu.memory_space<vmem>>, vector<64x1xf32>
      %dot_general3A_87 = arith.constant dense<0.000000e+00> : vector<256x1xf32>
      %dot_general3A_88 = tpu.matmul %max3A_83, %get3A_86, %dot_general3A_87 {dimension_numbers = #tpu.dot_dimension_numbers<[1], [0], [0], [1], [0, 0, 1, 1], [], []>, transpose_lhs_hint = false} : vector<256x64xf32>, vector<64x1xf32>, vector<256x1xf32> -> vector<256x1xf32>
      %get3A_89 = arith.constant 0 : index
      %get3A_90 = arith.constant 0 : index
      %get3A_91 = vector.load %arg13[%get3A_89, %get3A_90] : memref<1x1xf32, #tpu.memory_space<vmem>>, vector<1x1xf32>
      %add3A_92 = vector.broadcast %get3A_91 : vector<1x1xf32> to vector<256x1xf32>
      %add3A_93 = arith.addf %dot_general3A_88, %add3A_92 : vector<256x1xf32>
      %swap3A_94 = arith.constant 0 : index
      %swap3A_95 = arith.constant 0 : index
      %swap3A_96 = vector.load %arg14[%swap3A_94, %swap3A_95] : memref<256x1xf32, #tpu.memory_space<vmem>>, vector<256x1xf32>
      tpu.vector_store %arg14[%swap3A_94, %swap3A_95], %add3A_93 {strides = array<i32>} : memref<256x1xf32, #tpu.memory_space<vmem>>, vector<256x1xf32>,
    } else {
    }
    return
  }
  func.func @transform_0(%arg0: i32) -> (i32, i32) {
    %c0_i32 = arith.constant 0 : i32
    %c0_i32_0 = arith.constant 0 : i32
    return %arg0, %c0_i32 : i32, i32
  }
  func.func @transform_1(%arg0: i32) -> (i32, i32) {
    %add3A = arith.constant 10 : i32
    %add3A_0 = arith.addi %add3A, %arg0 : i32
    %c0_i32 = arith.constant 0 : i32
    %c0_i32_1 = arith.constant 0 : i32
    return %add3A_0, %c0_i32 : i32, i32
  }
  func.func @transform_2(%arg0: i32) -> (i32, i32) {
    %c0_i32 = arith.constant 0 : i32
    %c0_i32_0 = arith.constant 0 : i32
    return %arg0, %c0_i32 : i32, i32
  }
  func.func @transform_3(%arg0: i32) -> (i32, i32) {
    %add3A = arith.constant 10 : i32
    %add3A_0 = arith.addi %add3A, %arg0 : i32
    %c0_i32 = arith.constant 0 : i32
    %c0_i32_1 = arith.constant 0 : i32
    return %add3A_0, %c0_i32 : i32, i32
  }
  func.func @transform_4(%arg0: i32) -> (i32, i32) {
    %c0_i32 = arith.constant 0 : i32
    %c0_i32_0 = arith.constant 0 : i32
    return %arg0, %c0_i32 : i32, i32
  }
  func.func @transform_5(%arg0: i32) -> (i32, i32) {
    %c0_i32 = arith.constant 0 : i32
    %c0_i32_0 = arith.constant 0 : i32
    return %arg0, %c0_i32 : i32, i32
  }
  func.func @transform_6(%arg0: i32) -> (i32, i32) {
    %c0_i32 = arith.constant 0 : i32
    %c0_i32_0 = arith.constant 0 : i32
    return %arg0, %c0_i32 : i32, i32
  }
  func.func @transform_7(%arg0: i32) -> (i32, i32) {
    %c0_i32 = arith.constant 0 : i32
    %c0_i32_0 = arith.constant 0 : i32
    %c0_i32_1 = arith.constant 0 : i32
    return %c0_i32, %c0_i32_0 : i32, i32
  }
  func.func @transform_8(%arg0: i32) -> (i32, i32) {
    %c0_i32 = arith.constant 0 : i32
    %c0_i32_0 = arith.constant 0 : i32
    return %c0_i32, %arg0 : i32, i32
  }
  func.func @transform_9(%arg0: i32) -> (i32, i32) {
    %c0_i32 = arith.constant 0 : i32
    %c0_i32_0 = arith.constant 0 : i32
    %c0_i32_1 = arith.constant 0 : i32
    return %c0_i32, %c0_i32_0 : i32, i32
  }
  func.func @transform_10(%arg0: i32) -> (i32, i32) {
    %c0_i32 = arith.constant 0 : i32
    %c0_i32_0 = arith.constant 0 : i32
    %c0_i32_1 = arith.constant 0 : i32
    return %c0_i32, %c0_i32_0 : i32, i32
  }
  func.func @transform_11(%arg0: i32) -> (i32, i32) {
    %c0_i32 = arith.constant 0 : i32
    %c0_i32_0 = arith.constant 0 : i32
    %c0_i32_1 = arith.constant 0 : i32
    return %c0_i32, %c0_i32_0 : i32, i32
  }
  func.func @transform_12(%arg0: i32) -> (i32, i32) {
    %c0_i32 = arith.constant 0 : i32
    %c0_i32_0 = arith.constant 0 : i32
    %c0_i32_1 = arith.constant 0 : i32
    return %c0_i32, %c0_i32_0 : i32, i32
  }
  func.func @transform_13(%arg0: i32) -> (i32, i32) {
    %c0_i32 = arith.constant 0 : i32
    %c0_i32_0 = arith.constant 0 : i32
    %c0_i32_1 = arith.constant 0 : i32
    return %c0_i32, %c0_i32_0 : i32, i32
  }
}

</mosaic_0001>

<sc_bundles>
// kernel: kernel.11.cloned.1.call-start
scs
__scs_entry_jumppad:
0x0: {  	(pc) =	sbr.rel $0x88, $3  }
0x1: {  	(tag) =	ssettag $0x0;
	lr =	simm.s32 $0x1  }
0x2: {  	[smem:$0x3F96] =	sst lr;
	_ =	strace $0xD0000000  }
0x3: {  	_ = 	snop  }
0x4: {  	_ = 	snop  }
0x5: {  	_ = 	snop  }
0x6: {  	_ = 	snop  }
0x7: {  	_ = 	snop  }
__scs_overlays_trampoline_lowered:
0x8: {  	[smem:$0x3FA5] =	sst s0  }
0x9: {  	[smem:$0x3FA6] =	sst s1  }
0xa: {  	[smem:$0x3FA7] =	sst s2  }
0xb: {  	[smem:$0x3FA8] =	sst s3  }
0xc: {  	[smem:$0x3FA9] =	sst s4  }
0xd: {  	[smem:$0x3FAA] =	sst s5  }
0xe: {  	[smem:$0x3FAB] =	sst s6  }
0xf: {  	[smem:$0x3FAC] =	sst s7  }
0x10: {  	[smem:$0x3FAD] =	sst s8  }
0x11: {  	[smem:$0x3FAE] =	sst s9;
	s0 =	simm.s32 @!p0 $0x0  }
0x12: {  	s1 =	sld [smem:$0x3F94];
	s0 =	simm.s32 @p0 $0x1  }
0x13: {  	[smem:$0x3FAF] =	sst s0;
	s0 =	simm.s32 @!p1 $0x0  }
0x14: {  	s2 =	sld [smem:$0x3F93];
	s0 =	simm.s32 @p1 $0x1  }
0x15: {  	[smem:$0x3FB0] =	sst s0;
	s0 =	simm.s32 @!p2 $0x0  }
0x16: {  	s3 =	sld [smem:$0x3FDB];
	s0 =	simm.s32 @p2 $0x1  }
0x17: {  	s4 =	simm.s32 $0x1BF5;
	[smem:$0x3FB2] =	sst s0  }
0x18: {  	s0 =	sld [smem:$0x3F95];
	_ =	swait.ge [sflag:s4], $0x0  }
0x19: {  	s7 =	sld [smem:$0x3F96]  }
0x1a: {  	s8 =	sadd.s32 $0xFFFFE003, lr  }
0x1b: {  	s9 =	sadd.s32 $0xFFFFFEF7, lr;
	s5 =	simm.s32 $0xFFFFFFFF;
	p2 =	slt.u32 s8, $0xFFFFF086  }
0x1c: {  	p1 =	slt.u32 s9, $0xF7A;
	s5 =	simm.s32 @!p2 $0x0  }
0x1d: {  	s5 =	simm.s32 @p1 $0x1;
	p0 =	seq.s32 s7, s2  }
0x1e: {  	s7 =	smul.u32 @!p0 $0xF7A, s2;
	p2 =	seq.s32 @!p0 s5, $0x0  }
0x1f: {  	s9 =	smul.u32 $0xF7A, s1;
	s8 =	simm.s32 @!p0 $0x1BF5;
	p2 =	por !p2, p0  }
0x20: {  	[sflag:s8] =	ssyncset.s32 @!p0 $0xFFFFF086;
	s6 =	sadd.s32 @!p0 s3, s7;
	s7 =	simm.s32 @!p0 $0x108  }
0x21: {  	s3 =	sadd.s32 s3, s9;
	s6 =	sadd.s32 @!p0 $0x88, s6;
	s7 =	simm.s32 @p2 $0x1082  }
0x22: {  	[simem:s7], [sflag:s8] =	dma.local @!p0 [hbm:s6], $0xF7A  }
0x23: {  	s9 =	sor.u32 $0xD0000000, s2;
	s6 =	simm.s32 $0x108;
	_ =	swait.ge @!p0 [sflag:s8], $0x0  }
0x24: {  	s3 =	sadd.s32 $0x88, s3;
	s6 =	simm.s32 @!p1 $0x1082;
	[sflag:s4] =	ssyncset.s32 $0xFFFFF086  }
0x25: {  	[simem:s6], [sflag:s4] =	dma.local [hbm:s3], $0xF7A  }
0x26: {  	[smem:$0x3F96] =	sst s1;
	(tag) =	ssettag s2;
	_ =	strace s9  }
0x27: {  	s1 =	sld [smem:$0x3FA6]  }
0x28: {  	s2 =	sld [smem:$0x3FA7]  }
0x29: {  	s4 =	sld [smem:$0x3FA9]  }
0x2a: {  	p0 =	seq.s32 s5, $0x0;
	s5 =	sld [smem:$0x3FAA]  }
0x2b: {  	s6 =	sld [smem:$0x3FAB]  }
0x2c: {  	s7 =	sld [smem:$0x3FAC]  }
0x2d: {  	s3 =	simm.s32 $0x108;
	s8 =	sld [smem:$0x3FAD]  }
0x2e: {  	s3 =	simm.s32 @!p0 $0x1082;
	s9 =	sld [smem:$0x3FAE]  }
0x2f: {  	lr =	sadd.s32 s0, s3;
	s0 =	sld [smem:$0x3FA5]  }
0x30: {  	s3 =	sld [smem:$0x3FA8]  }
0x31: {  	[smem:$0x3FB1] =	sst s10  }
0x32: {  	s10 =	sld [smem:$0x3FAF];
	_ =	sdelay $0x3  }
0x33: {  	p0 =	seq.s32 s10, $0x1;
	s10 =	sld [smem:$0x3FB1];
	_ =	sdelay $0x3  }
0x34: {  	[smem:$0x3FB1] =	sst s10  }
0x35: {  	s10 =	sld [smem:$0x3FB0];
	_ =	sdelay $0x3  }
0x36: {  	p1 =	seq.s32 s10, $0x1;
	s10 =	sld [smem:$0x3FB1];
	_ =	sdelay $0x3  }
0x37: {  	[smem:$0x3FB1] =	sst s10  }
0x38: {  	s10 =	sld [smem:$0x3FB2]  }
0x39: {  	_ = 	snop;
	(pc) =	sbr.ind lr, $3  }
0x3a: {  	_ = 	snop  }
0x3b: {  	_ = 	snop  }
0x3c: {  	p2 =	seq.s32 s10, $0x1;
	s10 =	sld [smem:$0x3FB1]  }
0x3d: {  	_ =	shalt  }
0x3e: {  	_ =	shalt  }
0x3f: {  	_ =	shalt  }
0x40: {  	_ =	shalt  }
0x41: {  	_ =	shalt  }
0x42: {  	_ =	shalt  }
0x43: {  	_ =	shalt  }
0x44: {  	_ =	shalt  }
0x45: {  	_ =	shalt  }
0x46: {  	_ =	shalt  }
0x47: {  	_ =	shalt  }
0x48: {  	_ =	shalt  }
0x49: {  	_ =	shalt  }
0x4a: {  	_ =	shalt  }
0x4b: {  	_ =	shalt  }
0x4c: {  	_ =	shalt  }
0x4d: {  	_ =	shalt  }
0x4e: {  	_ =	shalt  }
0x4f: {  	_ =	shalt  }
0x50: {  	_ =	shalt  }
0x51: {  	_ =	shalt  }
0x52: {  	_ =	shalt  }
0x53: {  	_ =	shalt  }
0x54: {  	_ =	shalt  }
0x55: {  	_ =	shalt  }
0x56: {  	_ =	shalt  }
0x57: {  	_ =	shalt  }
0x58: {  	_ =	shalt  }
0x59: {  	_ =	shalt  }
0x5a: {  	_ =	shalt  }
0x5b: {  	_ =	shalt  }
0x5c: {  	_ =	shalt  }
0x5d: {  	_ =	shalt  }
0x5e: {  	_ =	shalt  }
0x5f: {  	_ =	shalt  }
0x60: {  	_ =	shalt  }
0x61: {  	_ =	shalt  }
0x62: {  	_ =	shalt  }
0x63: {  	_ =	shalt  }
0x64: {  	_ =	shalt  }
0x65: {  	_ =	shalt  }
0x66: {  	_ =	shalt  }
0x67: {  	_ =	shalt  }
0x68: {  	_ =	shalt  }
0x69: {  	_ =	shalt  }
0x6a: {  	_ =	shalt  }
0x6b: {  	_ =	shalt  }
0x6c: {  	_ =	shalt  }
0x6d: {  	_ =	shalt  }
0x6e: {  	_ =	shalt  }
0x6f: {  	_ =	shalt  }
0x70: {  	_ =	shalt  }
0x71: {  	_ =	shalt  }
0x72: {  	_ =	shalt  }
0x73: {  	_ =	shalt  }
0x74: {  	_ =	shalt  }
0x75: {  	_ =	shalt  }
0x76: {  	_ =	shalt  }
0x77: {  	_ =	shalt  }
0x78: {  	_ =	shalt  }
0x79: {  	_ =	shalt  }
0x7a: {  	_ =	shalt  }
0x7b: {  	_ =	shalt  }
0x7c: {  	_ =	shalt  }
0x7d: {  	_ =	shalt  }
0x7e: {  	_ =	shalt  }
0x7f: {  	_ =	shalt  }
0x80: {  	_ =	shalt  }
0x81: {  	_ =	shalt  }
0x82: {  	_ =	shalt  }
0x83: {  	_ =	shalt  }
0x84: {  	_ =	shalt  }
0x85: {  	_ =	shalt  }
0x86: {  	_ =	shalt  }
0x87: {  	_ =	shalt  }
.Lfunc_end0:
.L_simem_size_0:
called_computation.1_lowered:
.L_overlay_start_0:
0x88: {  	s2 =	sld [smem:$0x3FD9]  }
0x89: {  	s3 =	sld [smem:$0x3FFE];
	_ =	sdelay $0x1  }
0x8a: {  	s1 =	srdreg.scid  }
0x8b: {  	s0 =	sand.u32 $0x1, s1  }
0x8c: {  	s16 =	sshll.u32 s0, $0xA;
	s2 =	sadd.s32 s3, s2  }
0x8d: {  	s2 =	sadd.s32 s2, s16  }
0x8e: {  	[smem:$0x3FBD] =	sst s2  }
0x8f: {  	_ = 	snop  }
0x90: {  	(tm) =	ssettm $0x1  }
0x91: {  	s17 =	sld [smem:$0x3FFB];
	_ =	sdelay $0x3  }
0x92: {  	_ =	strace s17  }
0x93: {  	s2 =	sld [smem:$0x3FFC];
	_ =	sdelay $0x3  }
0x94: {  	_ =	strace s2  }
0x95: {  	s2 =	sld [smem:$0x3FFD];
	_ =	sdelay $0x3  }
0x96: {  	_ =	strace s2  }
0x97: {  	_ =	strace $0x8FFFFFFF  }
0x98: {  	s18 =	sld [smem:$0x3FDB];
	_ =	sdelay $0x1  }
0x99: {  	s19 =	simm.s32 $_scs_section_size  }
0x9a: {  	s4 =	simm.s32 $_size__tile_overlayer_lowered;
	s5 =	simm.s32 $_tile_overlayer_lowered  }
0x9b: {  	s22 =	simm.s32 $0x1BFF;
	s21 =	sshll.u32 s5, $0x1;
	s2 =	sadd.s32 s19, s18  }
0x9c: {  	s6 =	simm.s32 $0x0;
	s20 =	sshll.u32 s4, $0x1;
	s4 =	sadd.s32 s21, s2  }
0x9d: {  	[timem:s6], [sflag:s22] =	dma.local [hbm:s4], s20  }
0x9e: {  	_ =	swait.ge [sflag:s22], s20  }
0x9f: {  	s3 =	ssub.s32 $0x0, s20;
	[sflag:s22] =	ssyncset.done $0x0  }
0xa0: {  	[sflag:s22] =	ssyncadd.s32 s3;
	_ =	sdelay $0x1  }
0xa1: {  	s23 =	simm.s32 $0x1B8B  }
0xa2: {  	_ =	swait.ge [sflag:s23], $0x1  }
0xa3: {  	[sflag:s23] =	ssyncset.done $0x0  }
0xa4: {  	s25 =	simm.s32 $0x1B8E;
	s24 =	sld [smem:$0x3FFE];
	[sflag:s23] =	ssyncadd.s32 $0xFFFFFFFF  }
0xa5: {  	s26 =	simm.s32 $execute0_lowered;
	[smem:$0x3FD2] =	sst s25  }
0xa6: {  	s4 =	sshll.u32 s26, $0x1;
	_ =	strace $0x80000049;
	[dreg:$0x1] =	wrdreg $0xFFFFFFFF  }
0xa7: {  	s28 =	simm.s32 $_size_execute0_lowered;
	s2 =	sadd.s32 s2, s4;
	[dreg:$0x0] =	wrdreg $0x0  }
0xa8: {  	s4 =	sshll.u32 s28, $0x1;
	[dreg:$0x2] =	wrdreg s2  }
0xa9: {  	[dreg:$0x3] =	wrdreg s4  }
0xaa: {  	[dreg:$0x4] =	wrdreg $0xC0  }
0xab: {  	_ =	task [dreg:s6], $0x5FFFF  }
0xac: {  	[dreg:$0x1] =	wrdreg $0xFFFFFFFF  }
0xad: {  	[dreg:$0x0] =	wrdreg $0x60  }
0xae: {  	[dreg:$0x2] =	wrdreg s24  }
0xaf: {  	[dreg:$0x3] =	wrdreg $0xB0000  }
0xb0: {  	[dreg:$0x4] =	wrdreg $0x9  }
0xb1: {  	_ =	task.clear_ibuf [dreg:s6], $0x5FFFF;
	_ =	strace $0x90000049  }
0xb2: {  	s29 =	simm.s32 $0x9;
	_ =	strace $0x8000004B  }
0xb3: {  	_ =	swait.ge [sflag:s29], $0x1  }
0xb4: {  	[sflag:s29] =	ssyncadd.s32 $0xFFFFFFFF  }
0xb5: {  	_ =	strace $0x9000004B  }
0xb6: {  	_ =	sfence  }
0xb7: {  	s30 =	sld [smem:$0x0];
	_ =	sdelay $0x2  }
0xb8: {  	s31 =	sshll.u32 s1, $0xD;
	s1 =	sshrl.u32 s1, $0x2  }
0xb9: {  	s3 =	sand.u32 $0x4000, s31;
	s1 =	sadd.s32 s1, s30  }
0xba: {  	s0 =	sor.u32 s3, s0;
	s1 =	sshll.u32 s1, $0x11  }
0xbb: {  	s0 =	sor.u32 s1, s0  }
0xbc: {  	s0 =	sadd.s32 $0x8F2B, s0  }
0xbd: {  	[sflag:s0] =	ssyncadd.remote.s32 $0x1  }
0xbe: {  	_ =	sfence.sel $0xFFFF  }
0xbf: {  	[dreg:$0x0] =	wrdreg $0xFFFFFFFF;
	(pc) =	sbr.abs _section_cstart, $3  }
0xc0: {  	[dreg:$0x1] =	wrdreg $0xFFFFFFFF  }
0xc1: {  	_ =	task.clear_ibuf [dreg:s6], $0x2FFFF;
	_ =	strace $0x9FFFFFFF  }
0xc2: {  	(tm) =	ssettm $0x7FFFFFFF  }
0xc3: {  	_ =	shalt  }
tec
execute0_lowered:
.L_overlay_start_1:
0x0: {  	(tag) =	ssettag $0x1  }
0x1: {  	s6 =	rddreg [dreg:$0x0]  }
0x2: {  	s2 =	rddreg [dreg:$0x1]  }
0x3: {  	s4 =	srdreg.scid;
	s3 =	simm.s32 $0x0;
	s0 =	stileid.u32  }
0x4: {  	s16 =	simm.s32 $0x3;
	s18 =	simm.s32 $0x9000;
	s19 =	simm.s32 $0x80  }
0x5: {  	s20 =	simm.s32 $0x5000;
	s21 =	simm.s32 $0x7000;
	s22 =	simm.s32 $0x1  }
0x6: {  	s23 =	simm.s32 $0x2;
	s24 =	simm.s32 $0x2780;
	s25 =	simm.s32 $0x4F00  }
0x7: {  	s26 =	simm.s32 $0x4F80;
	s7 =	sand.u32 $0x1, s4;
	s8 =	smul.u32 $0x280, s0  }
0x8: {  	[smem:$0x7FF] =	sst s3;
	s5 =	sadd.s32 $0x9AA00, s6;
	s30 =	smul.u32 $0x28000, s0  }
0x9: {  	s4 =	sshll.u32 s7, $0x4;
	_ =	strace $0x8000004A;
	s10 =	smul.u32 $0x2800, s7  }
0xa: {  	s7 =	ssub.s32 $0x2, s7;
	s9 =	sor.u32 s0, s4;
	s4 =	sadd.s32 $0xAEA00, s6  }
0xb: {  	s11 =	sshrl.u32 s7, $0x1;
	s9 =	smul.u32 $0x500, s9;
	s8 =	sadd.s32 s8, s10  }
0xc: {  	s31 =	sshrl.u32 s30, $0x2;
	s15 =	ssub.s32 s7, s11;
	s8 =	sshll.u32 s8, $0x3  }
0xd: {  	s15 =	smax.u32 s15, $0x1;
	s9 =	sadd.s32 s9, s6;
	s14 =	sadd.s32 s8, s6  }
0xe: {  	s8 =	sadd.s32 s31, s2;
	s6 =	sadd.s32 $0x18A00, s9;
	s7 =	sadd.s32 $0x4A00, s9  }
0xf: {  	s9 =	sadd.s32 $0x2000, s8;
	s10 =	sadd.s32 $0x4000, s8;
	s11 =	sadd.s32 $0x6000, s8  }
0x10: {  	v0 =	vimm.f32 $0.0e+00;
	s12 =	sadd.s32 $0x8000, s8;
	s13 =	sadd.s32 $0xC2A00, s14;
	s14 =	sadd.s32 $0xEAA00, s14  }
.LBB2_1:
0x11: {  	s29 =	simm.s32 $0x100;
	s28 =	simm.s32 $0x0  }
.LBB2_2:
0x12: {  	p0 =	sne.s32 s29, $0x7F00;
	[tilespmem:s28+$0x9030] =	vst v0;
	s30 =	smov.u32 s29;
	s29 =	sadd.s32 $0x100, s29  }
.Ltmp0:
0x13: {  	[tilespmem:s28+$0x9020] =	vst v0;
	(pc) =	sbr.rel @p0 .LBB2_2-.Ltmp0, $3  }
0x14: {  	[tilespmem:s28+$0x9000] =	vst v0  }
0x15: {  	[tilespmem:s28+$0x9010] =	vst v0;
	_ =	sdelay $0x1  }
0x16: {  	s28 =	sshra.s32 s30, $0x2  }
0x17: {  	[tilespmem:s28+$0x9030] =	vst v0  }
0x18: {  	[tilespmem:s28+$0x9020] =	vst v0  }
0x19: {  	[tilespmem:s28+$0x9000] =	vst v0  }
0x1a: {  	[tilespmem:s28+$0x9010] =	vst v0;
	s28 =	simm.s32 $0x0  }
0x1b: {  	[tilespmem:s28], [sflag:$0x3] =	stream.linear.gather [hbm4b:s6+s28], $0x2800, $0x38;
	[tilespmem:$0x15000] =	vst v63  }
0x1c: {  	_ =	swait.ge [sflag:s16], $0x2800  }
0x1d: {  	[sflag:s16] =	ssyncset.done $0x0  }
0x1e: {  	s0 =	simm.s32 $0x2800;
	[sflag:s16] =	ssyncadd.s32 $0xFFFFD800  }
0x1f: {  	[tilespmem:s0], [sflag:$0x3] =	stream.linear.gather [hbm4b:s7+s28], $0x2800, $0x38;
	[tilespmem:$0x15000] =	vst v63  }
0x20: {  	_ =	swait.ge [sflag:s16], $0x2800  }
0x21: {  	[sflag:s16] =	ssyncset.done $0x0  }
0x22: {  	[sflag:s16] =	ssyncadd.s32 $0xFFFFD800  }
0x23: {  	[bflag:$0x0] =	sbarrier.arrive $0xFFFF  }
0x24: {  	[spmem:s8] =	stream.linear.scatter [tilespmem:s18], [sflag:$0x3], $0x2000, $0x38;
	[tilespmem:$0x15000] =	vst v63  }
0x25: {  	_ =	swait.ge [sflag:s16], $0x2000  }
0x26: {  	[sflag:s16] =	ssyncset.done $0x0  }
0x27: {  	[sflag:s16] =	ssyncadd.s32 $0xFFFFE000  }
0x28: {  	[spmem:s9] =	stream.linear.scatter [tilespmem:s18], [sflag:$0x3], $0x2000, $0x38;
	[tilespmem:$0x15000] =	vst v63  }
0x29: {  	_ =	swait.ge [sflag:s16], $0x2000  }
0x2a: {  	[sflag:s16] =	ssyncset.done $0x0  }
0x2b: {  	[sflag:s16] =	ssyncadd.s32 $0xFFFFE000  }
0x2c: {  	[spmem:s10] =	stream.linear.scatter [tilespmem:s18], [sflag:$0x3], $0x2000, $0x38;
	[tilespmem:$0x15000] =	vst v63  }
0x2d: {  	_ =	swait.ge [sflag:s16], $0x2000  }
0x2e: {  	[sflag:s16] =	ssyncset.done $0x0  }
0x2f: {  	[sflag:s16] =	ssyncadd.s32 $0xFFFFE000  }
0x30: {  	[spmem:s11] =	stream.linear.scatter [tilespmem:s18], [sflag:$0x3], $0x2000, $0x38;
	[tilespmem:$0x15000] =	vst v63  }
0x31: {  	_ =	swait.ge [sflag:s16], $0x2000  }
0x32: {  	[sflag:s16] =	ssyncset.done $0x0  }
0x33: {  	[sflag:s16] =	ssyncadd.s32 $0xFFFFE000  }
0x34: {  	[spmem:s12] =	stream.linear.scatter [tilespmem:s18], [sflag:$0x3], $0x2000, $0x38;
	[tilespmem:$0x15000] =	vst v63  }
0x35: {  	_ =	swait.ge [sflag:s16], $0x2000  }
0x36: {  	[sflag:s16] =	ssyncset.done $0x0  }
0x37: {  	[sflag:s16] =	ssyncadd.s32 $0xFFFFE000  }
0x38: {  	[bflag:$0x0] =	sbarrier.arrive $0xFFFF  }
0x39: {  	[tilespmem:s20], [sflag:$0x1] =	stream.indirect.gather [hbm4b:s4+s19], $0x40, s28, s19, $0xb8;
	[tilespmem:$0x15000] =	vst v63  }
0x3a: {  	s28 =	simm.s32 $0x80  }
0x3b: {  	[tilespmem:s21], [sflag:$0x2] =	stream.indirect.gather [hbm4b:s4+s19], $0x40, s28, s19, $0xb8;
	[tilespmem:$0x15000] =	vst v63  }
0x3c: {  	_ =	swait.ge [sflag:s22], $0x2000  }
0x3d: {  	[sflag:s22] =	ssyncset.done $0x0  }
0x3e: {  	s28 =	simm.s32 $0x2800;
	[sflag:s22] =	ssyncadd.s32 $0xFFFFE000  }
0x3f: {  	[spmem:s2] =	stream.indirect.scatter.add.f32 [tilespmem:s20], [sflag:$0x3], $0x40, s28, s19, $0xb8;
	[tilespmem:$0x15000] =	vst v63  }
0x40: {  	_ =	swait.ge [sflag:s16], $0x2000  }
0x41: {  	[sflag:s16] =	ssyncset.done $0x0  }
0x42: {  	s28 =	simm.s32 $0x100;
	[sflag:s16] =	ssyncadd.s32 $0xFFFFE000  }
0x43: {  	[tilespmem:s20], [sflag:$0x1] =	stream.indirect.gather [hbm4b:s4+s19], $0x40, s28, s19, $0xb8;
	[tilespmem:$0x15000] =	vst v63  }
0x44: {  	_ =	swait.ge [sflag:s23], $0x2000  }
0x45: {  	[sflag:s23] =	ssyncset.done $0x0  }
0x46: {  	s28 =	simm.s32 $0x2880;
	[sflag:s23] =	ssyncadd.s32 $0xFFFFE000  }
0x47: {  	[spmem:s2] =	stream.indirect.scatter.add.f32 [tilespmem:s21], [sflag:$0x3], $0x40, s28, s19, $0xb8;
	[tilespmem:$0x15000] =	vst v63  }
0x48: {  	_ =	swait.ge [sflag:s16], $0x2000  }
0x49: {  	s29 =	simm.s32 $0x800;
	s28 =	simm.s32 $0x100;
	[sflag:s16] =	ssyncset.done $0x0  }
.LBB2_4:
0x4a: {  	s30 =	sadd.s32 $0x80, s28  }
0x4b: {  	[sflag:s16] =	ssyncadd.s32 $0xFFFFE000;
	s31 =	smov.u32 s29;
	s0 =	sadd.s32 $0x400, s29  }
0x4c: {  	[tilespmem:s21], [sflag:$0x2] =	stream.indirect.gather [hbm4b:s4+s19], $0x40, s30, s19, $0xb8;
	[tilespmem:$0x15000] =	vst v63  }
0x4d: {  	p0 =	sne.s32 s29, $0x9800;
	_ =	swait.ge [sflag:s22], $0x2000  }
0x4e: {  	[sflag:s22] =	ssyncset.done $0x0  }
0x4f: {  	s29 =	sadd.s32 $0x2800, s28;
	[sflag:s22] =	ssyncadd.s32 $0xFFFFE000  }
0x50: {  	[spmem:s2] =	stream.indirect.scatter.add.f32 [tilespmem:s20], [sflag:$0x3], $0x40, s29, s19, $0xb8;
	[tilespmem:$0x15000] =	vst v63  }
0x51: {  	_ =	swait.ge [sflag:s16], $0x2000  }
0x52: {  	[sflag:s16] =	ssyncset.done $0x0  }
0x53: {  	s29 =	sadd.s32 $0x100, s28;
	[sflag:s16] =	ssyncadd.s32 $0xFFFFE000  }
0x54: {  	[tilespmem:s20], [sflag:$0x1] =	stream.indirect.gather [hbm4b:s4+s19], $0x40, s29, s19, $0xb8;
	[tilespmem:$0x15000] =	vst v63  }
0x55: {  	_ =	swait.ge [sflag:s23], $0x2000  }
.Ltmp1:
0x56: {  	[sflag:s23] =	ssyncset.done $0x0;
	(pc) =	sbr.rel @p0 .LBB2_4-.Ltmp1, $4  }
0x57: {  	s28 =	sadd.s32 $0x2880, s28;
	[sflag:s23] =	ssyncadd.s32 $0xFFFFE000  }
0x58: {  	[spmem:s2] =	stream.indirect.scatter.add.f32 [tilespmem:s21], [sflag:$0x3], $0x40, s28, s19, $0xb8;
	[tilespmem:$0x15000] =	vst v63  }
0x59: {  	_ =	swait.ge [sflag:s16], $0x2000  }
0x5a: {  	s29 =	smov.u32 s0;
	s28 =	sshra.s32 s31, $0x2;
	[sflag:s16] =	ssyncset.done $0x0  }
0x5b: {  	s0 =	sadd.s32 $0x80, s28;
	[sflag:s16] =	ssyncadd.s32 $0xFFFFE000  }
0x5c: {  	[tilespmem:s21], [sflag:$0x2] =	stream.indirect.gather [hbm4b:s4+s19], $0x40, s0, s19, $0xb8;
	[tilespmem:$0x15000] =	vst v63  }
0x5d: {  	_ =	swait.ge [sflag:s22], $0x2000  }
0x5e: {  	[sflag:s22] =	ssyncset.done $0x0  }
0x5f: {  	s17 =	sadd.s32 $0x2800, s28;
	[sflag:s22] =	ssyncadd.s32 $0xFFFFE000  }
0x60: {  	[spmem:s2] =	stream.indirect.scatter.add.f32 [tilespmem:s20], [sflag:$0x3], $0x40, s17, s19, $0xb8;
	[tilespmem:$0x15000] =	vst v63  }
0x61: {  	_ =	swait.ge [sflag:s16], $0x2000  }
0x62: {  	[sflag:s16] =	ssyncset.done $0x0  }
0x63: {  	s1 =	sadd.s32 $0x100, s28;
	[sflag:s16] =	ssyncadd.s32 $0xFFFFE000  }
0x64: {  	[tilespmem:s20], [sflag:$0x1] =	stream.indirect.gather [hbm4b:s4+s19], $0x40, s1, s19, $0xb8;
	[tilespmem:$0x15000] =	vst v63  }
0x65: {  	_ =	swait.ge [sflag:s23], $0x2000  }
0x66: {  	[sflag:s23] =	ssyncset.done $0x0  }
0x67: {  	s17 =	sadd.s32 $0x2880, s28;
	[sflag:s23] =	ssyncadd.s32 $0xFFFFE000  }
0x68: {  	[spmem:s2] =	stream.indirect.scatter.add.f32 [tilespmem:s21], [sflag:$0x3], $0x40, s17, s19, $0xb8;
	[tilespmem:$0x15000] =	vst v63  }
0x69: {  	_ =	swait.ge [sflag:s16], $0x2000  }
0x6a: {  	[sflag:s16] =	ssyncset.done $0x0  }
0x6b: {  	[sflag:s16] =	ssyncadd.s32 $0xFFFFE000  }
0x6c: {  	[tilespmem:s21], [sflag:$0x2] =	stream.indirect.gather [hbm4b:s4+s19], $0x40, s24, s19, $0xb8;
	[tilespmem:$0x15000] =	vst v63  }
0x6d: {  	_ =	swait.ge [sflag:s22], $0x2000  }
0x6e: {  	[sflag:s22] =	ssyncset.done $0x0  }
0x6f: {  	[sflag:s22] =	ssyncadd.s32 $0xFFFFE000  }
0x70: {  	[spmem:s2] =	stream.indirect.scatter.add.f32 [tilespmem:s20], [sflag:$0x3], $0x40, s25, s19, $0xb8;
	[tilespmem:$0x15000] =	vst v63  }
0x71: {  	_ =	swait.ge [sflag:s16], $0x2000  }
0x72: {  	[sflag:s16] =	ssyncset.done $0x0  }
0x73: {  	[sflag:s16] =	ssyncadd.s32 $0xFFFFE000  }
0x74: {  	_ =	swait.ge [sflag:s23], $0x2000  }
0x75: {  	[sflag:s23] =	ssyncset.done $0x0  }
0x76: {  	[sflag:s23] =	ssyncadd.s32 $0xFFFFE000  }
0x77: {  	[spmem:s2] =	stream.indirect.scatter.add.f32 [tilespmem:s21], [sflag:$0x3], $0x40, s26, s19, $0xb8;
	[tilespmem:$0x15000] =	vst v63  }
0x78: {  	_ =	swait.ge [sflag:s16], $0x2000  }
0x79: {  	s1 =	stileid.u32;
	[sflag:s16] =	ssyncset.done $0x0  }
0x7a: {  	s0 =	sshll.u32 s1, $0x6;
	[sflag:s16] =	ssyncadd.s32 $0xFFFFE000  }
0x7b: {  	s29 =	sshrl.u32 s8, $0x3;
	s28 =	sor.u32 $0x1C03, s0;
	[bflag:$0x0] =	sbarrier.arrive $0xFFFF  }
0x7c: {  	[hbm:s13], [sflag:s28] =	dma.local [spmem:s29], $0x1400  }
0x7d: {  	_ =	swait.ge [sflag:s16], $0x1400  }
0x7e: {  	[sflag:s16] =	ssyncset.done $0x0  }
0x7f: {  	[sflag:s16] =	ssyncadd.s32 $0xFFFFEC00  }
0x80: {  	[bflag:$0x0] =	sbarrier.arrive $0xFFFF  }
0x81: {  	[spmem:s8] =	stream.linear.scatter [tilespmem:s18], [sflag:$0x3], $0x2000, $0x38;
	[tilespmem:$0x15000] =	vst v63  }
0x82: {  	_ =	swait.ge [sflag:s16], $0x2000  }
0x83: {  	[sflag:s16] =	ssyncset.done $0x0  }
0x84: {  	[sflag:s16] =	ssyncadd.s32 $0xFFFFE000  }
0x85: {  	[spmem:s9] =	stream.linear.scatter [tilespmem:s18], [sflag:$0x3], $0x2000, $0x38;
	[tilespmem:$0x15000] =	vst v63  }
0x86: {  	_ =	swait.ge [sflag:s16], $0x2000  }
0x87: {  	[sflag:s16] =	ssyncset.done $0x0  }
0x88: {  	[sflag:s16] =	ssyncadd.s32 $0xFFFFE000  }
0x89: {  	[spmem:s10] =	stream.linear.scatter [tilespmem:s18], [sflag:$0x3], $0x2000, $0x38;
	[tilespmem:$0x15000] =	vst v63  }
0x8a: {  	_ =	swait.ge [sflag:s16], $0x2000  }
0x8b: {  	[sflag:s16] =	ssyncset.done $0x0  }
0x8c: {  	[sflag:s16] =	ssyncadd.s32 $0xFFFFE000  }
0x8d: {  	[spmem:s11] =	stream.linear.scatter [tilespmem:s18], [sflag:$0x3], $0x2000, $0x38;
	[tilespmem:$0x15000] =	vst v63  }
0x8e: {  	_ =	swait.ge [sflag:s16], $0x2000  }
0x8f: {  	[sflag:s16] =	ssyncset.done $0x0  }
0x90: {  	[sflag:s16] =	ssyncadd.s32 $0xFFFFE000  }
0x91: {  	[spmem:s12] =	stream.linear.scatter [tilespmem:s18], [sflag:$0x3], $0x2000, $0x38;
	[tilespmem:$0x15000] =	vst v63  }
0x92: {  	_ =	swait.ge [sflag:s16], $0x2000  }
0x93: {  	[sflag:s16] =	ssyncset.done $0x0  }
0x94: {  	[sflag:s16] =	ssyncadd.s32 $0xFFFFE000  }
0x95: {  	s17 =	simm.s32 $0x0;
	[bflag:$0x0] =	sbarrier.arrive $0xFFFF  }
0x96: {  	[tilespmem:s20], [sflag:$0x1] =	stream.indirect.gather [hbm4b:s5+s19], $0x40, s17, s19, $0xb8;
	[tilespmem:$0x15000] =	vst v63  }
0x97: {  	s1 =	simm.s32 $0x80  }
0x98: {  	[tilespmem:s21], [sflag:$0x2] =	stream.indirect.gather [hbm4b:s5+s19], $0x40, s1, s19, $0xb8;
	[tilespmem:$0x15000] =	vst v63  }
0x99: {  	_ =	swait.ge [sflag:s22], $0x2000  }
0x9a: {  	[sflag:s22] =	ssyncset.done $0x0  }
0x9b: {  	s17 =	simm.s32 $0x2800;
	[sflag:s22] =	ssyncadd.s32 $0xFFFFE000  }
0x9c: {  	[spmem:s2] =	stream.indirect.scatter.add.f32 [tilespmem:s20], [sflag:$0x3], $0x40, s17, s19, $0xb8;
	[tilespmem:$0x15000] =	vst v63  }
0x9d: {  	_ =	swait.ge [sflag:s16], $0x2000  }
0x9e: {  	[sflag:s16] =	ssyncset.done $0x0  }
0x9f: {  	s1 =	simm.s32 $0x100;
	[sflag:s16] =	ssyncadd.s32 $0xFFFFE000  }
0xa0: {  	[tilespmem:s20], [sflag:$0x1] =	stream.indirect.gather [hbm4b:s5+s19], $0x40, s1, s19, $0xb8;
	[tilespmem:$0x15000] =	vst v63  }
0xa1: {  	_ =	swait.ge [sflag:s23], $0x2000  }
0xa2: {  	[sflag:s23] =	ssyncset.done $0x0  }
0xa3: {  	s17 =	simm.s32 $0x2880;
	[sflag:s23] =	ssyncadd.s32 $0xFFFFE000  }
0xa4: {  	[spmem:s2] =	stream.indirect.scatter.add.f32 [tilespmem:s21], [sflag:$0x3], $0x40, s17, s19, $0xb8;
	[tilespmem:$0x15000] =	vst v63  }
0xa5: {  	_ =	swait.ge [sflag:s16], $0x2000  }
0xa6: {  	s31 =	simm.s32 $0x800;
	s30 =	simm.s32 $0x100;
	[sflag:s16] =	ssyncset.done $0x0  }
.LBB2_6:
0xa7: {  	s0 =	sadd.s32 $0x80, s30  }
0xa8: {  	[sflag:s16] =	ssyncadd.s32 $0xFFFFE000;
	s17 =	smov.u32 s31;
	s1 =	sadd.s32 $0x400, s31  }
0xa9: {  	[tilespmem:s21], [sflag:$0x2] =	stream.indirect.gather [hbm4b:s5+s19], $0x40, s0, s19, $0xb8;
	[tilespmem:$0x15000] =	vst v63  }
0xaa: {  	p0 =	sne.s32 s31, $0x9800;
	_ =	swait.ge [sflag:s22], $0x2000  }
0xab: {  	[sflag:s22] =	ssyncset.done $0x0  }
0xac: {  	s0 =	sadd.s32 $0x2800, s30;
	[sflag:s22] =	ssyncadd.s32 $0xFFFFE000  }
0xad: {  	[spmem:s2] =	stream.indirect.scatter.add.f32 [tilespmem:s20], [sflag:$0x3], $0x40, s0, s19, $0xb8;
	[tilespmem:$0x15000] =	vst v63  }
0xae: {  	_ =	swait.ge [sflag:s16], $0x2000  }
0xaf: {  	[sflag:s16] =	ssyncset.done $0x0  }
0xb0: {  	s0 =	sadd.s32 $0x100, s30;
	[sflag:s16] =	ssyncadd.s32 $0xFFFFE000  }
0xb1: {  	[tilespmem:s20], [sflag:$0x1] =	stream.indirect.gather [hbm4b:s5+s19], $0x40, s0, s19, $0xb8;
	[tilespmem:$0x15000] =	vst v63  }
0xb2: {  	_ =	swait.ge [sflag:s23], $0x2000  }
.Ltmp2:
0xb3: {  	[sflag:s23] =	ssyncset.done $0x0;
	(pc) =	sbr.rel @p0 .LBB2_6-.Ltmp2, $4  }
0xb4: {  	s0 =	sadd.s32 $0x2880, s30;
	[sflag:s23] =	ssyncadd.s32 $0xFFFFE000  }
0xb5: {  	[spmem:s2] =	stream.indirect.scatter.add.f32 [tilespmem:s21], [sflag:$0x3], $0x40, s0, s19, $0xb8;
	[tilespmem:$0x15000] =	vst v63  }
0xb6: {  	_ =	swait.ge [sflag:s16], $0x2000  }
0xb7: {  	s31 =	smov.u32 s1;
	s30 =	sshra.s32 s17, $0x2;
	[sflag:s16] =	ssyncset.done $0x0  }
0xb8: {  	s0 =	sadd.s32 $0x80, s30;
	[sflag:s16] =	ssyncadd.s32 $0xFFFFE000  }
0xb9: {  	[tilespmem:s21], [sflag:$0x2] =	stream.indirect.gather [hbm4b:s5+s19], $0x40, s0, s19, $0xb8;
	[tilespmem:$0x15000] =	vst v63  }
0xba: {  	_ =	swait.ge [sflag:s22], $0x2000  }
0xbb: {  	[sflag:s22] =	ssyncset.done $0x0  }
0xbc: {  	s1 =	sadd.s32 $0x2800, s30;
	[sflag:s22] =	ssyncadd.s32 $0xFFFFE000  }
0xbd: {  	[spmem:s2] =	stream.indirect.scatter.add.f32 [tilespmem:s20], [sflag:$0x3], $0x40, s1, s19, $0xb8;
	[tilespmem:$0x15000] =	vst v63  }
0xbe: {  	_ =	swait.ge [sflag:s16], $0x2000  }
0xbf: {  	[sflag:s16] =	ssyncset.done $0x0  }
0xc0: {  	s17 =	sadd.s32 $0x100, s30;
	[sflag:s16] =	ssyncadd.s32 $0xFFFFE000  }
0xc1: {  	[tilespmem:s20], [sflag:$0x1] =	stream.indirect.gather [hbm4b:s5+s19], $0x40, s17, s19, $0xb8;
	[tilespmem:$0x15000] =	vst v63  }
0xc2: {  	_ =	swait.ge [sflag:s23], $0x2000  }
0xc3: {  	[sflag:s23] =	ssyncset.done $0x0  }
0xc4: {  	s31 =	sadd.s32 $0x2880, s30;
	[sflag:s23] =	ssyncadd.s32 $0xFFFFE000  }
0xc5: {  	[spmem:s2] =	stream.indirect.scatter.add.f32 [tilespmem:s21], [sflag:$0x3], $0x40, s31, s19, $0xb8;
	[tilespmem:$0x15000] =	vst v63  }
0xc6: {  	_ =	swait.ge [sflag:s16], $0x2000  }
0xc7: {  	[sflag:s16] =	ssyncset.done $0x0  }
0xc8: {  	[sflag:s16] =	ssyncadd.s32 $0xFFFFE000  }
0xc9: {  	[tilespmem:s21], [sflag:$0x2] =	stream.indirect.gather [hbm4b:s5+s19], $0x40, s24, s19, $0xb8;
	[tilespmem:$0x15000] =	vst v63  }
0xca: {  	_ =	swait.ge [sflag:s22], $0x2000  }
0xcb: {  	[sflag:s22] =	ssyncset.done $0x0  }
0xcc: {  	[sflag:s22] =	ssyncadd.s32 $0xFFFFE000  }
0xcd: {  	[spmem:s2] =	stream.indirect.scatter.add.f32 [tilespmem:s20], [sflag:$0x3], $0x40, s25, s19, $0xb8;
	[tilespmem:$0x15000] =	vst v63  }
0xce: {  	_ =	swait.ge [sflag:s16], $0x2000  }
0xcf: {  	[sflag:s16] =	ssyncset.done $0x0  }
0xd0: {  	[sflag:s16] =	ssyncadd.s32 $0xFFFFE000  }
0xd1: {  	_ =	swait.ge [sflag:s23], $0x2000  }
0xd2: {  	[sflag:s23] =	ssyncset.done $0x0  }
0xd3: {  	[sflag:s23] =	ssyncadd.s32 $0xFFFFE000  }
0xd4: {  	[spmem:s2] =	stream.indirect.scatter.add.f32 [tilespmem:s21], [sflag:$0x3], $0x40, s26, s19, $0xb8;
	[tilespmem:$0x15000] =	vst v63  }
0xd5: {  	_ =	swait.ge [sflag:s16], $0x2000  }
0xd6: {  	s3 =	sadd.s32 $0x1, s3;
	[sflag:s16] =	ssyncset.done $0x0  }
0xd7: {  	p0 =	sne.s32 s3, s15;
	[sflag:s16] =	ssyncadd.s32 $0xFFFFE000  }
.Ltmp3:
0xd8: {  	[bflag:$0x0] =	sbarrier.arrive $0xFFFF;
	(pc) =	sbr.rel @p0 .LBB2_1-.Ltmp3, $4  }
0xd9: {  	[hbm:s14], [sflag:s28] =	dma.local [spmem:s29], $0x1400  }
0xda: {  	_ =	swait.ge [sflag:s16], $0x1400  }
0xdb: {  	[sflag:s16] =	ssyncset.done $0x0  }
0xdc: {  	[sflag:s16] =	ssyncadd.s32 $0xFFFFEC00  }
0xdd: {  	_ =	sfence.sel $0x180000  }
0xde: {  	[bflag:$0x0] =	sbarrier.arrive $0xFFFF  }
0xdf: {  	_ =	strace $0x9000004A  }
0xe0: {  	s0 =	stileid.u32;
	[bflag:$0x2] =	sbarrier.arrive $0xFFFF  }
0xe1: {  	p0 =	sne.s32 s0, $0x0;
	s0 =	rddreg [dreg:$0x2]  }
0xe2: {  	s0 =	sadd.s32 @!p0 $0x100000, s0  }
0xe3: {  	[sflag:s0] =	ssyncadd.tile.s32 @!p0 $0x1;
	_ =	shalt  }
.Lfunc_end2:
_tile_overlayer_lowered:
.L_overlay_start_2:
0xe4: {  	(tag) =	ssettag $0x2  }
0xe5: {  	s0 =	rddreg [dreg:$0x0];
	s2 =	stileid.u32  }
0xe6: {  	s1 =	rddreg [dreg:$0x1];
	p0 =	sne.s32 s2, $0x0  }
0xe7: {  	s3 =	rddreg [dreg:$0x2];
	[bflag:$0x3] =	sbarrier.arrive $0xFFFF;
	s2 =	simm.s32 @!p0 $0x1C03  }
0xe8: {  	[timem:s3], [sflag:s2] =	dma.local @!p0 [hbm:s0], s1  }
0xe9: {  	s0 =	simm.s32 @!p0 $0x3  }
0xea: {  	_ =	swait.ge @!p0 [sflag:s0], s1  }
0xeb: {  	s1 =	ssub.s32 @!p0 $0x0, s1;
	[sflag:s0] =	ssyncset.done @!p0 $0x0  }
0xec: {  	[sflag:s0] =	ssyncadd.s32 @!p0 s1  }
0xed: {  	[bflag:$0x3] =	sbarrier.arrive $0xFFFF  }
0xee: {  	_ =	shalt  }

// kernel: kernel.14.cloned.1.call-start
scs
__scs_entry_jumppad:
0x0: {  	(pc) =	sbr.rel $0x88, $3  }
0x1: {  	(tag) =	ssettag $0x0;
	lr =	simm.s32 $0x1  }
0x2: {  	[smem:$0x3F96] =	sst lr;
	_ =	strace $0xD0000000  }
0x3: {  	_ = 	snop  }
0x4: {  	_ = 	snop  }
0x5: {  	_ = 	snop  }
0x6: {  	_ = 	snop  }
0x7: {  	_ = 	snop  }
__scs_overlays_trampoline_lowered:
0x8: {  	[smem:$0x3FA5] =	sst s0  }
0x9: {  	[smem:$0x3FA6] =	sst s1  }
0xa: {  	[smem:$0x3FA7] =	sst s2  }
0xb: {  	[smem:$0x3FA8] =	sst s3  }
0xc: {  	[smem:$0x3FA9] =	sst s4  }
0xd: {  	[smem:$0x3FAA] =	sst s5  }
0xe: {  	[smem:$0x3FAB] =	sst s6  }
0xf: {  	[smem:$0x3FAC] =	sst s7  }
0x10: {  	[smem:$0x3FAD] =	sst s8  }
0x11: {  	[smem:$0x3FAE] =	sst s9;
	s0 =	simm.s32 @!p0 $0x0  }
0x12: {  	s1 =	sld [smem:$0x3F94];
	s0 =	simm.s32 @p0 $0x1  }
0x13: {  	[smem:$0x3FAF] =	sst s0;
	s0 =	simm.s32 @!p1 $0x0  }
0x14: {  	s2 =	sld [smem:$0x3F93];
	s0 =	simm.s32 @p1 $0x1  }
0x15: {  	[smem:$0x3FB0] =	sst s0;
	s0 =	simm.s32 @!p2 $0x0  }
0x16: {  	s3 =	sld [smem:$0x3FDB];
	s0 =	simm.s32 @p2 $0x1  }
0x17: {  	s4 =	simm.s32 $0x1BF5;
	[smem:$0x3FB2] =	sst s0  }
0x18: {  	s0 =	sld [smem:$0x3F95];
	_ =	swait.ge [sflag:s4], $0x0  }
0x19: {  	s7 =	sld [smem:$0x3F96]  }
0x1a: {  	s8 =	sadd.s32 $0xFFFFE003, lr  }
0x1b: {  	s9 =	sadd.s32 $0xFFFFFEF7, lr;
	s5 =	simm.s32 $0xFFFFFFFF;
	p2 =	slt.u32 s8, $0xFFFFF086  }
0x1c: {  	p1 =	slt.u32 s9, $0xF7A;
	s5 =	simm.s32 @!p2 $0x0  }
0x1d: {  	s5 =	simm.s32 @p1 $0x1;
	p0 =	seq.s32 s7, s2  }
0x1e: {  	s7 =	smul.u32 @!p0 $0xF7A, s2;
	p2 =	seq.s32 @!p0 s5, $0x0  }
0x1f: {  	s9 =	smul.u32 $0xF7A, s1;
	s8 =	simm.s32 @!p0 $0x1BF5;
	p2 =	por !p2, p0  }
0x20: {  	[sflag:s8] =	ssyncset.s32 @!p0 $0xFFFFF086;
	s6 =	sadd.s32 @!p0 s3, s7;
	s7 =	simm.s32 @!p0 $0x108  }
0x21: {  	s3 =	sadd.s32 s3, s9;
	s6 =	sadd.s32 @!p0 $0x88, s6;
	s7 =	simm.s32 @p2 $0x1082  }
0x22: {  	[simem:s7], [sflag:s8] =	dma.local @!p0 [hbm:s6], $0xF7A  }
0x23: {  	s9 =	sor.u32 $0xD0000000, s2;
	s6 =	simm.s32 $0x108;
	_ =	swait.ge @!p0 [sflag:s8], $0x0  }
0x24: {  	s3 =	sadd.s32 $0x88, s3;
	s6 =	simm.s32 @!p1 $0x1082;
	[sflag:s4] =	ssyncset.s32 $0xFFFFF086  }
0x25: {  	[simem:s6], [sflag:s4] =	dma.local [hbm:s3], $0xF7A  }
0x26: {  	[smem:$0x3F96] =	sst s1;
	(tag) =	ssettag s2;
	_ =	strace s9  }
0x27: {  	s1 =	sld [smem:$0x3FA6]  }
0x28: {  	s2 =	sld [smem:$0x3FA7]  }
0x29: {  	s4 =	sld [smem:$0x3FA9]  }
0x2a: {  	p0 =	seq.s32 s5, $0x0;
	s5 =	sld [smem:$0x3FAA]  }
0x2b: {  	s6 =	sld [smem:$0x3FAB]  }
0x2c: {  	s7 =	sld [smem:$0x3FAC]  }
0x2d: {  	s3 =	simm.s32 $0x108;
	s8 =	sld [smem:$0x3FAD]  }
0x2e: {  	s3 =	simm.s32 @!p0 $0x1082;
	s9 =	sld [smem:$0x3FAE]  }
0x2f: {  	lr =	sadd.s32 s0, s3;
	s0 =	sld [smem:$0x3FA5]  }
0x30: {  	s3 =	sld [smem:$0x3FA8]  }
0x31: {  	[smem:$0x3FB1] =	sst s10  }
0x32: {  	s10 =	sld [smem:$0x3FAF];
	_ =	sdelay $0x3  }
0x33: {  	p0 =	seq.s32 s10, $0x1;
	s10 =	sld [smem:$0x3FB1];
	_ =	sdelay $0x3  }
0x34: {  	[smem:$0x3FB1] =	sst s10  }
0x35: {  	s10 =	sld [smem:$0x3FB0];
	_ =	sdelay $0x3  }
0x36: {  	p1 =	seq.s32 s10, $0x1;
	s10 =	sld [smem:$0x3FB1];
	_ =	sdelay $0x3  }
0x37: {  	[smem:$0x3FB1] =	sst s10  }
0x38: {  	s10 =	sld [smem:$0x3FB2]  }
0x39: {  	_ = 	snop;
	(pc) =	sbr.ind lr, $3  }
0x3a: {  	_ = 	snop  }
0x3b: {  	_ = 	snop  }
0x3c: {  	p2 =	seq.s32 s10, $0x1;
	s10 =	sld [smem:$0x3FB1]  }
0x3d: {  	_ =	shalt  }
0x3e: {  	_ =	shalt  }
0x3f: {  	_ =	shalt  }
0x40: {  	_ =	shalt  }
0x41: {  	_ =	shalt  }
0x42: {  	_ =	shalt  }
0x43: {  	_ =	shalt  }
0x44: {  	_ =	shalt  }
0x45: {  	_ =	shalt  }
0x46: {  	_ =	shalt  }
0x47: {  	_ =	shalt  }
0x48: {  	_ =	shalt  }
0x49: {  	_ =	shalt  }
0x4a: {  	_ =	shalt  }
0x4b: {  	_ =	shalt  }
0x4c: {  	_ =	shalt  }
0x4d: {  	_ =	shalt  }
0x4e: {  	_ =	shalt  }
0x4f: {  	_ =	shalt  }
0x50: {  	_ =	shalt  }
0x51: {  	_ =	shalt  }
0x52: {  	_ =	shalt  }
0x53: {  	_ =	shalt  }
0x54: {  	_ =	shalt  }
0x55: {  	_ =	shalt  }
0x56: {  	_ =	shalt  }
0x57: {  	_ =	shalt  }
0x58: {  	_ =	shalt  }
0x59: {  	_ =	shalt  }
0x5a: {  	_ =	shalt  }
0x5b: {  	_ =	shalt  }
0x5c: {  	_ =	shalt  }
0x5d: {  	_ =	shalt  }
0x5e: {  	_ =	shalt  }
0x5f: {  	_ =	shalt  }
0x60: {  	_ =	shalt  }
0x61: {  	_ =	shalt  }
0x62: {  	_ =	shalt  }
0x63: {  	_ =	shalt  }
0x64: {  	_ =	shalt  }
0x65: {  	_ =	shalt  }
0x66: {  	_ =	shalt  }
0x67: {  	_ =	shalt  }
0x68: {  	_ =	shalt  }
0x69: {  	_ =	shalt  }
0x6a: {  	_ =	shalt  }
0x6b: {  	_ =	shalt  }
0x6c: {  	_ =	shalt  }
0x6d: {  	_ =	shalt  }
0x6e: {  	_ =	shalt  }
0x6f: {  	_ =	shalt  }
0x70: {  	_ =	shalt  }
0x71: {  	_ =	shalt  }
0x72: {  	_ =	shalt  }
0x73: {  	_ =	shalt  }
0x74: {  	_ =	shalt  }
0x75: {  	_ =	shalt  }
0x76: {  	_ =	shalt  }
0x77: {  	_ =	shalt  }
0x78: {  	_ =	shalt  }
0x79: {  	_ =	shalt  }
0x7a: {  	_ =	shalt  }
0x7b: {  	_ =	shalt  }
0x7c: {  	_ =	shalt  }
0x7d: {  	_ =	shalt  }
0x7e: {  	_ =	shalt  }
0x7f: {  	_ =	shalt  }
0x80: {  	_ =	shalt  }
0x81: {  	_ =	shalt  }
0x82: {  	_ =	shalt  }
0x83: {  	_ =	shalt  }
0x84: {  	_ =	shalt  }
0x85: {  	_ =	shalt  }
0x86: {  	_ =	shalt  }
0x87: {  	_ =	shalt  }
.Lfunc_end0:
.L_simem_size_0:
called_computation.2_lowered:
.L_overlay_start_0:
0x88: {  	s2 =	sld [smem:$0x3FD9]  }
0x89: {  	s3 =	sld [smem:$0x3FFE];
	_ =	sdelay $0x1  }
0x8a: {  	s1 =	srdreg.scid  }
0x8b: {  	s0 =	sand.u32 $0x1, s1  }
0x8c: {  	s16 =	sshll.u32 s0, $0xA;
	s2 =	sadd.s32 s3, s2  }
0x8d: {  	s2 =	sadd.s32 s2, s16  }
0x8e: {  	[smem:$0x3FBD] =	sst s2  }
0x8f: {  	_ = 	snop  }
0x90: {  	(tm) =	ssettm $0x1  }
0x91: {  	s17 =	sld [smem:$0x3FFB];
	_ =	sdelay $0x3  }
0x92: {  	_ =	strace s17  }
0x93: {  	s2 =	sld [smem:$0x3FFC];
	_ =	sdelay $0x3  }
0x94: {  	_ =	strace s2  }
0x95: {  	s2 =	sld [smem:$0x3FFD];
	_ =	sdelay $0x3  }
0x96: {  	_ =	strace s2  }
0x97: {  	_ =	strace $0x8FFFFFFF  }
0x98: {  	s18 =	sld [smem:$0x3FDB];
	_ =	sdelay $0x1  }
0x99: {  	s19 =	simm.s32 $_scs_section_size  }
0x9a: {  	s4 =	simm.s32 $_size__tile_overlayer_lowered;
	s5 =	simm.s32 $_tile_overlayer_lowered  }
0x9b: {  	s22 =	simm.s32 $0x1BFF;
	s21 =	sshll.u32 s5, $0x1;
	s2 =	sadd.s32 s19, s18  }
0x9c: {  	s6 =	simm.s32 $0x0;
	s20 =	sshll.u32 s4, $0x1;
	s4 =	sadd.s32 s21, s2  }
0x9d: {  	[timem:s6], [sflag:s22] =	dma.local [hbm:s4], s20  }
0x9e: {  	_ =	swait.ge [sflag:s22], s20  }
0x9f: {  	s3 =	ssub.s32 $0x0, s20;
	[sflag:s22] =	ssyncset.done $0x0  }
0xa0: {  	[sflag:s22] =	ssyncadd.s32 s3;
	_ =	sdelay $0x1  }
0xa1: {  	s23 =	simm.s32 $0x1B8B  }
0xa2: {  	_ =	swait.ge [sflag:s23], $0x1  }
0xa3: {  	[sflag:s23] =	ssyncset.done $0x0  }
0xa4: {  	s25 =	simm.s32 $0x1B8E;
	s24 =	sld [smem:$0x3FFE];
	[sflag:s23] =	ssyncadd.s32 $0xFFFFFFFF  }
0xa5: {  	s26 =	simm.s32 $execute0_lowered;
	[smem:$0x3FD2] =	sst s25  }
0xa6: {  	s4 =	sshll.u32 s26, $0x1;
	_ =	strace $0x8000004C;
	[dreg:$0x1] =	wrdreg $0xFFFFFFFF  }
0xa7: {  	s28 =	simm.s32 $_size_execute0_lowered;
	s2 =	sadd.s32 s2, s4;
	[dreg:$0x0] =	wrdreg $0x0  }
0xa8: {  	s4 =	sshll.u32 s28, $0x1;
	[dreg:$0x2] =	wrdreg s2  }
0xa9: {  	[dreg:$0x3] =	wrdreg s4  }
0xaa: {  	[dreg:$0x4] =	wrdreg $0xC0  }
0xab: {  	_ =	task [dreg:s6], $0x5FFFF  }
0xac: {  	[dreg:$0x1] =	wrdreg $0xFFFFFFFF  }
0xad: {  	[dreg:$0x0] =	wrdreg $0x60  }
0xae: {  	[dreg:$0x2] =	wrdreg s24  }
0xaf: {  	[dreg:$0x3] =	wrdreg $0xB0000  }
0xb0: {  	[dreg:$0x4] =	wrdreg $0x9  }
0xb1: {  	_ =	task.clear_ibuf [dreg:s6], $0x5FFFF;
	_ =	strace $0x9000004C  }
0xb2: {  	s29 =	simm.s32 $0x9;
	_ =	strace $0x8000004E  }
0xb3: {  	_ =	swait.ge [sflag:s29], $0x1  }
0xb4: {  	[sflag:s29] =	ssyncadd.s32 $0xFFFFFFFF  }
0xb5: {  	_ =	strace $0x9000004E  }
0xb6: {  	_ =	sfence  }
0xb7: {  	s30 =	sld [smem:$0x0];
	_ =	sdelay $0x2  }
0xb8: {  	s31 =	sshll.u32 s1, $0xD;
	s1 =	sshrl.u32 s1, $0x2  }
0xb9: {  	s3 =	sand.u32 $0x4000, s31;
	s1 =	sadd.s32 s1, s30  }
0xba: {  	s0 =	sor.u32 s3, s0;
	s1 =	sshll.u32 s1, $0x11  }
0xbb: {  	s0 =	sor.u32 s1, s0  }
0xbc: {  	s0 =	sadd.s32 $0x8F2B, s0  }
0xbd: {  	[sflag:s0] =	ssyncadd.remote.s32 $0x1  }
0xbe: {  	_ =	sfence.sel $0xFFFF  }
0xbf: {  	[dreg:$0x0] =	wrdreg $0xFFFFFFFF;
	(pc) =	sbr.abs _section_cstart, $3  }
0xc0: {  	[dreg:$0x1] =	wrdreg $0xFFFFFFFF  }
0xc1: {  	_ =	task.clear_ibuf [dreg:s6], $0x2FFFF;
	_ =	strace $0x9FFFFFFF  }
0xc2: {  	(tm) =	ssettm $0x7FFFFFFF  }
0xc3: {  	_ =	shalt  }
tec
execute0_lowered:
.L_overlay_start_1:
0x0: {  	(tag) =	ssettag $0x1  }
0x1: {  	s6 =	rddreg [dreg:$0x0]  }
0x2: {  	s2 =	rddreg [dreg:$0x1]  }
0x3: {  	s4 =	srdreg.scid;
	s3 =	simm.s32 $0x0;
	s0 =	stileid.u32  }
0x4: {  	s16 =	simm.s32 $0x3;
	s18 =	simm.s32 $0x9000;
	s19 =	simm.s32 $0x80  }
0x5: {  	s20 =	simm.s32 $0x5000;
	s21 =	simm.s32 $0x7000;
	s22 =	simm.s32 $0x1  }
0x6: {  	s23 =	simm.s32 $0x2;
	s24 =	simm.s32 $0x2780;
	s25 =	simm.s32 $0x4F00  }
0x7: {  	s26 =	simm.s32 $0x4F80;
	s7 =	sand.u32 $0x1, s4;
	s8 =	smul.u32 $0x280, s0  }
0x8: {  	[smem:$0x7FF] =	sst s3;
	s5 =	sadd.s32 $0x4AA00, s6;
	s30 =	smul.u32 $0x28000, s0  }
0x9: {  	s4 =	sshll.u32 s7, $0x4;
	_ =	strace $0x8000004D;
	s10 =	smul.u32 $0x2800, s7  }
0xa: {  	s7 =	ssub.s32 $0x2, s7;
	s9 =	sor.u32 s0, s4;
	s4 =	sadd.s32 $0x5EA00, s6  }
0xb: {  	s11 =	sshrl.u32 s7, $0x1;
	s9 =	smul.u32 $0x500, s9;
	s8 =	sadd.s32 s8, s10  }
0xc: {  	s31 =	sshrl.u32 s30, $0x2;
	s15 =	ssub.s32 s7, s11;
	s8 =	sshll.u32 s8, $0x3  }
0xd: {  	s15 =	smax.u32 s15, $0x1;
	s9 =	sadd.s32 s9, s6;
	s14 =	sadd.s32 s8, s6  }
0xe: {  	s8 =	sadd.s32 s31, s2;
	s6 =	sadd.s32 $0x18A00, s9;
	s7 =	sadd.s32 $0x4A00, s9  }
0xf: {  	s9 =	sadd.s32 $0x2000, s8;
	s10 =	sadd.s32 $0x4000, s8;
	s11 =	sadd.s32 $0x6000, s8  }
0x10: {  	v0 =	vimm.f32 $0.0e+00;
	s12 =	sadd.s32 $0x8000, s8;
	s13 =	sadd.s32 $0x9AA00, s14;
	s14 =	sadd.s32 $0x72A00, s14  }
.LBB2_1:
0x11: {  	s29 =	simm.s32 $0x100;
	s28 =	simm.s32 $0x0  }
.LBB2_2:
0x12: {  	p0 =	sne.s32 s29, $0x7F00;
	[tilespmem:s28+$0x9030] =	vst v0;
	s30 =	smov.u32 s29;
	s29 =	sadd.s32 $0x100, s29  }
.Ltmp0:
0x13: {  	[tilespmem:s28+$0x9020] =	vst v0;
	(pc) =	sbr.rel @p0 .LBB2_2-.Ltmp0, $3  }
0x14: {  	[tilespmem:s28+$0x9000] =	vst v0  }
0x15: {  	[tilespmem:s28+$0x9010] =	vst v0;
	_ =	sdelay $0x1  }
0x16: {  	s28 =	sshra.s32 s30, $0x2  }
0x17: {  	[tilespmem:s28+$0x9030] =	vst v0  }
0x18: {  	[tilespmem:s28+$0x9020] =	vst v0  }
0x19: {  	[tilespmem:s28+$0x9000] =	vst v0  }
0x1a: {  	[tilespmem:s28+$0x9010] =	vst v0;
	s28 =	simm.s32 $0x0  }
0x1b: {  	[tilespmem:s28], [sflag:$0x3] =	stream.linear.gather [hbm4b:s6+s28], $0x2800, $0x38;
	[tilespmem:$0x15000] =	vst v63  }
0x1c: {  	_ =	swait.ge [sflag:s16], $0x2800  }
0x1d: {  	[sflag:s16] =	ssyncset.done $0x0  }
0x1e: {  	s0 =	simm.s32 $0x2800;
	[sflag:s16] =	ssyncadd.s32 $0xFFFFD800  }
0x1f: {  	[tilespmem:s0], [sflag:$0x3] =	stream.linear.gather [hbm4b:s7+s28], $0x2800, $0x38;
	[tilespmem:$0x15000] =	vst v63  }
0x20: {  	_ =	swait.ge [sflag:s16], $0x2800  }
0x21: {  	[sflag:s16] =	ssyncset.done $0x0  }
0x22: {  	[sflag:s16] =	ssyncadd.s32 $0xFFFFD800  }
0x23: {  	[bflag:$0x0] =	sbarrier.arrive $0xFFFF  }
0x24: {  	[spmem:s8] =	stream.linear.scatter [tilespmem:s18], [sflag:$0x3], $0x2000, $0x38;
	[tilespmem:$0x15000] =	vst v63  }
0x25: {  	_ =	swait.ge [sflag:s16], $0x2000  }
0x26: {  	[sflag:s16] =	ssyncset.done $0x0  }
0x27: {  	[sflag:s16] =	ssyncadd.s32 $0xFFFFE000  }
0x28: {  	[spmem:s9] =	stream.linear.scatter [tilespmem:s18], [sflag:$0x3], $0x2000, $0x38;
	[tilespmem:$0x15000] =	vst v63  }
0x29: {  	_ =	swait.ge [sflag:s16], $0x2000  }
0x2a: {  	[sflag:s16] =	ssyncset.done $0x0  }
0x2b: {  	[sflag:s16] =	ssyncadd.s32 $0xFFFFE000  }
0x2c: {  	[spmem:s10] =	stream.linear.scatter [tilespmem:s18], [sflag:$0x3], $0x2000, $0x38;
	[tilespmem:$0x15000] =	vst v63  }
0x2d: {  	_ =	swait.ge [sflag:s16], $0x2000  }
0x2e: {  	[sflag:s16] =	ssyncset.done $0x0  }
0x2f: {  	[sflag:s16] =	ssyncadd.s32 $0xFFFFE000  }
0x30: {  	[spmem:s11] =	stream.linear.scatter [tilespmem:s18], [sflag:$0x3], $0x2000, $0x38;
	[tilespmem:$0x15000] =	vst v63  }
0x31: {  	_ =	swait.ge [sflag:s16], $0x2000  }
0x32: {  	[sflag:s16] =	ssyncset.done $0x0  }
0x33: {  	[sflag:s16] =	ssyncadd.s32 $0xFFFFE000  }
0x34: {  	[spmem:s12] =	stream.linear.scatter [tilespmem:s18], [sflag:$0x3], $0x2000, $0x38;
	[tilespmem:$0x15000] =	vst v63  }
0x35: {  	_ =	swait.ge [sflag:s16], $0x2000  }
0x36: {  	[sflag:s16] =	ssyncset.done $0x0  }
0x37: {  	[sflag:s16] =	ssyncadd.s32 $0xFFFFE000  }
0x38: {  	[bflag:$0x0] =	sbarrier.arrive $0xFFFF  }
0x39: {  	[tilespmem:s20], [sflag:$0x1] =	stream.indirect.gather [hbm4b:s4+s19], $0x40, s28, s19, $0xb8;
	[tilespmem:$0x15000] =	vst v63  }
0x3a: {  	s28 =	simm.s32 $0x80  }
0x3b: {  	[tilespmem:s21], [sflag:$0x2] =	stream.indirect.gather [hbm4b:s4+s19], $0x40, s28, s19, $0xb8;
	[tilespmem:$0x15000] =	vst v63  }
0x3c: {  	_ =	swait.ge [sflag:s22], $0x2000  }
0x3d: {  	[sflag:s22] =	ssyncset.done $0x0  }
0x3e: {  	s28 =	simm.s32 $0x2800;
	[sflag:s22] =	ssyncadd.s32 $0xFFFFE000  }
0x3f: {  	[spmem:s2] =	stream.indirect.scatter.add.f32 [tilespmem:s20], [sflag:$0x3], $0x40, s28, s19, $0xb8;
	[tilespmem:$0x15000] =	vst v63  }
0x40: {  	_ =	swait.ge [sflag:s16], $0x2000  }
0x41: {  	[sflag:s16] =	ssyncset.done $0x0  }
0x42: {  	s28 =	simm.s32 $0x100;
	[sflag:s16] =	ssyncadd.s32 $0xFFFFE000  }
0x43: {  	[tilespmem:s20], [sflag:$0x1] =	stream.indirect.gather [hbm4b:s4+s19], $0x40, s28, s19, $0xb8;
	[tilespmem:$0x15000] =	vst v63  }
0x44: {  	_ =	swait.ge [sflag:s23], $0x2000  }
0x45: {  	[sflag:s23] =	ssyncset.done $0x0  }
0x46: {  	s28 =	simm.s32 $0x2880;
	[sflag:s23] =	ssyncadd.s32 $0xFFFFE000  }
0x47: {  	[spmem:s2] =	stream.indirect.scatter.add.f32 [tilespmem:s21], [sflag:$0x3], $0x40, s28, s19, $0xb8;
	[tilespmem:$0x15000] =	vst v63  }
0x48: {  	_ =	swait.ge [sflag:s16], $0x2000  }
0x49: {  	s29 =	simm.s32 $0x800;
	s28 =	simm.s32 $0x100;
	[sflag:s16] =	ssyncset.done $0x0  }
.LBB2_4:
0x4a: {  	s30 =	sadd.s32 $0x80, s28  }
0x4b: {  	[sflag:s16] =	ssyncadd.s32 $0xFFFFE000;
	s31 =	smov.u32 s29;
	s0 =	sadd.s32 $0x400, s29  }
0x4c: {  	[tilespmem:s21], [sflag:$0x2] =	stream.indirect.gather [hbm4b:s4+s19], $0x40, s30, s19, $0xb8;
	[tilespmem:$0x15000] =	vst v63  }
0x4d: {  	p0 =	sne.s32 s29, $0x9800;
	_ =	swait.ge [sflag:s22], $0x2000  }
0x4e: {  	[sflag:s22] =	ssyncset.done $0x0  }
0x4f: {  	s29 =	sadd.s32 $0x2800, s28;
	[sflag:s22] =	ssyncadd.s32 $0xFFFFE000  }
0x50: {  	[spmem:s2] =	stream.indirect.scatter.add.f32 [tilespmem:s20], [sflag:$0x3], $0x40, s29, s19, $0xb8;
	[tilespmem:$0x15000] =	vst v63  }
0x51: {  	_ =	swait.ge [sflag:s16], $0x2000  }
0x52: {  	[sflag:s16] =	ssyncset.done $0x0  }
0x53: {  	s29 =	sadd.s32 $0x100, s28;
	[sflag:s16] =	ssyncadd.s32 $0xFFFFE000  }
0x54: {  	[tilespmem:s20], [sflag:$0x1] =	stream.indirect.gather [hbm4b:s4+s19], $0x40, s29, s19, $0xb8;
	[tilespmem:$0x15000] =	vst v63  }
0x55: {  	_ =	swait.ge [sflag:s23], $0x2000  }
.Ltmp1:
0x56: {  	[sflag:s23] =	ssyncset.done $0x0;
	(pc) =	sbr.rel @p0 .LBB2_4-.Ltmp1, $4  }
0x57: {  	s28 =	sadd.s32 $0x2880, s28;
	[sflag:s23] =	ssyncadd.s32 $0xFFFFE000  }
0x58: {  	[spmem:s2] =	stream.indirect.scatter.add.f32 [tilespmem:s21], [sflag:$0x3], $0x40, s28, s19, $0xb8;
	[tilespmem:$0x15000] =	vst v63  }
0x59: {  	_ =	swait.ge [sflag:s16], $0x2000  }
0x5a: {  	s29 =	smov.u32 s0;
	s28 =	sshra.s32 s31, $0x2;
	[sflag:s16] =	ssyncset.done $0x0  }
0x5b: {  	s0 =	sadd.s32 $0x80, s28;
	[sflag:s16] =	ssyncadd.s32 $0xFFFFE000  }
0x5c: {  	[tilespmem:s21], [sflag:$0x2] =	stream.indirect.gather [hbm4b:s4+s19], $0x40, s0, s19, $0xb8;
	[tilespmem:$0x15000] =	vst v63  }
0x5d: {  	_ =	swait.ge [sflag:s22], $0x2000  }
0x5e: {  	[sflag:s22] =	ssyncset.done $0x0  }
0x5f: {  	s17 =	sadd.s32 $0x2800, s28;
	[sflag:s22] =	ssyncadd.s32 $0xFFFFE000  }
0x60: {  	[spmem:s2] =	stream.indirect.scatter.add.f32 [tilespmem:s20], [sflag:$0x3], $0x40, s17, s19, $0xb8;
	[tilespmem:$0x15000] =	vst v63  }
0x61: {  	_ =	swait.ge [sflag:s16], $0x2000  }
0x62: {  	[sflag:s16] =	ssyncset.done $0x0  }
0x63: {  	s1 =	sadd.s32 $0x100, s28;
	[sflag:s16] =	ssyncadd.s32 $0xFFFFE000  }
0x64: {  	[tilespmem:s20], [sflag:$0x1] =	stream.indirect.gather [hbm4b:s4+s19], $0x40, s1, s19, $0xb8;
	[tilespmem:$0x15000] =	vst v63  }
0x65: {  	_ =	swait.ge [sflag:s23], $0x2000  }
0x66: {  	[sflag:s23] =	ssyncset.done $0x0  }
0x67: {  	s17 =	sadd.s32 $0x2880, s28;
	[sflag:s23] =	ssyncadd.s32 $0xFFFFE000  }
0x68: {  	[spmem:s2] =	stream.indirect.scatter.add.f32 [tilespmem:s21], [sflag:$0x3], $0x40, s17, s19, $0xb8;
	[tilespmem:$0x15000] =	vst v63  }
0x69: {  	_ =	swait.ge [sflag:s16], $0x2000  }
0x6a: {  	[sflag:s16] =	ssyncset.done $0x0  }
0x6b: {  	[sflag:s16] =	ssyncadd.s32 $0xFFFFE000  }
0x6c: {  	[tilespmem:s21], [sflag:$0x2] =	stream.indirect.gather [hbm4b:s4+s19], $0x40, s24, s19, $0xb8;
	[tilespmem:$0x15000] =	vst v63  }
0x6d: {  	_ =	swait.ge [sflag:s22], $0x2000  }
0x6e: {  	[sflag:s22] =	ssyncset.done $0x0  }
0x6f: {  	[sflag:s22] =	ssyncadd.s32 $0xFFFFE000  }
0x70: {  	[spmem:s2] =	stream.indirect.scatter.add.f32 [tilespmem:s20], [sflag:$0x3], $0x40, s25, s19, $0xb8;
	[tilespmem:$0x15000] =	vst v63  }
0x71: {  	_ =	swait.ge [sflag:s16], $0x2000  }
0x72: {  	[sflag:s16] =	ssyncset.done $0x0  }
0x73: {  	[sflag:s16] =	ssyncadd.s32 $0xFFFFE000  }
0x74: {  	_ =	swait.ge [sflag:s23], $0x2000  }
0x75: {  	[sflag:s23] =	ssyncset.done $0x0  }
0x76: {  	[sflag:s23] =	ssyncadd.s32 $0xFFFFE000  }
0x77: {  	[spmem:s2] =	stream.indirect.scatter.add.f32 [tilespmem:s21], [sflag:$0x3], $0x40, s26, s19, $0xb8;
	[tilespmem:$0x15000] =	vst v63  }
0x78: {  	_ =	swait.ge [sflag:s16], $0x2000  }
0x79: {  	s1 =	stileid.u32;
	[sflag:s16] =	ssyncset.done $0x0  }
0x7a: {  	s0 =	sshll.u32 s1, $0x6;
	[sflag:s16] =	ssyncadd.s32 $0xFFFFE000  }
0x7b: {  	s29 =	sshrl.u32 s8, $0x3;
	s28 =	sor.u32 $0x1C03, s0;
	[bflag:$0x0] =	sbarrier.arrive $0xFFFF  }
0x7c: {  	[hbm:s13], [sflag:s28] =	dma.local [spmem:s29], $0x1400  }
0x7d: {  	_ =	swait.ge [sflag:s16], $0x1400  }
0x7e: {  	[sflag:s16] =	ssyncset.done $0x0  }
0x7f: {  	[sflag:s16] =	ssyncadd.s32 $0xFFFFEC00  }
0x80: {  	[bflag:$0x0] =	sbarrier.arrive $0xFFFF  }
0x81: {  	[spmem:s8] =	stream.linear.scatter [tilespmem:s18], [sflag:$0x3], $0x2000, $0x38;
	[tilespmem:$0x15000] =	vst v63  }
0x82: {  	_ =	swait.ge [sflag:s16], $0x2000  }
0x83: {  	[sflag:s16] =	ssyncset.done $0x0  }
0x84: {  	[sflag:s16] =	ssyncadd.s32 $0xFFFFE000  }
0x85: {  	[spmem:s9] =	stream.linear.scatter [tilespmem:s18], [sflag:$0x3], $0x2000, $0x38;
	[tilespmem:$0x15000] =	vst v63  }
0x86: {  	_ =	swait.ge [sflag:s16], $0x2000  }
0x87: {  	[sflag:s16] =	ssyncset.done $0x0  }
0x88: {  	[sflag:s16] =	ssyncadd.s32 $0xFFFFE000  }
0x89: {  	[spmem:s10] =	stream.linear.scatter [tilespmem:s18], [sflag:$0x3], $0x2000, $0x38;
	[tilespmem:$0x15000] =	vst v63  }
0x8a: {  	_ =	swait.ge [sflag:s16], $0x2000  }
0x8b: {  	[sflag:s16] =	ssyncset.done $0x0  }
0x8c: {  	[sflag:s16] =	ssyncadd.s32 $0xFFFFE000  }
0x8d: {  	[spmem:s11] =	stream.linear.scatter [tilespmem:s18], [sflag:$0x3], $0x2000, $0x38;
	[tilespmem:$0x15000] =	vst v63  }
0x8e: {  	_ =	swait.ge [sflag:s16], $0x2000  }
0x8f: {  	[sflag:s16] =	ssyncset.done $0x0  }
0x90: {  	[sflag:s16] =	ssyncadd.s32 $0xFFFFE000  }
0x91: {  	[spmem:s12] =	stream.linear.scatter [tilespmem:s18], [sflag:$0x3], $0x2000, $0x38;
	[tilespmem:$0x15000] =	vst v63  }
0x92: {  	_ =	swait.ge [sflag:s16], $0x2000  }
0x93: {  	[sflag:s16] =	ssyncset.done $0x0  }
0x94: {  	[sflag:s16] =	ssyncadd.s32 $0xFFFFE000  }
0x95: {  	s17 =	simm.s32 $0x0;
	[bflag:$0x0] =	sbarrier.arrive $0xFFFF  }
0x96: {  	[tilespmem:s20], [sflag:$0x1] =	stream.indirect.gather [hbm4b:s5+s19], $0x40, s17, s19, $0xb8;
	[tilespmem:$0x15000] =	vst v63  }
0x97: {  	s1 =	simm.s32 $0x80  }
0x98: {  	[tilespmem:s21], [sflag:$0x2] =	stream.indirect.gather [hbm4b:s5+s19], $0x40, s1, s19, $0xb8;
	[tilespmem:$0x15000] =	vst v63  }
0x99: {  	_ =	swait.ge [sflag:s22], $0x2000  }
0x9a: {  	[sflag:s22] =	ssyncset.done $0x0  }
0x9b: {  	s17 =	simm.s32 $0x2800;
	[sflag:s22] =	ssyncadd.s32 $0xFFFFE000  }
0x9c: {  	[spmem:s2] =	stream.indirect.scatter.add.f32 [tilespmem:s20], [sflag:$0x3], $0x40, s17, s19, $0xb8;
	[tilespmem:$0x15000] =	vst v63  }
0x9d: {  	_ =	swait.ge [sflag:s16], $0x2000  }
0x9e: {  	[sflag:s16] =	ssyncset.done $0x0  }
0x9f: {  	s1 =	simm.s32 $0x100;
	[sflag:s16] =	ssyncadd.s32 $0xFFFFE000  }
0xa0: {  	[tilespmem:s20], [sflag:$0x1] =	stream.indirect.gather [hbm4b:s5+s19], $0x40, s1, s19, $0xb8;
	[tilespmem:$0x15000] =	vst v63  }
0xa1: {  	_ =	swait.ge [sflag:s23], $0x2000  }
0xa2: {  	[sflag:s23] =	ssyncset.done $0x0  }
0xa3: {  	s17 =	simm.s32 $0x2880;
	[sflag:s23] =	ssyncadd.s32 $0xFFFFE000  }
0xa4: {  	[spmem:s2] =	stream.indirect.scatter.add.f32 [tilespmem:s21], [sflag:$0x3], $0x40, s17, s19, $0xb8;
	[tilespmem:$0x15000] =	vst v63  }
0xa5: {  	_ =	swait.ge [sflag:s16], $0x2000  }
0xa6: {  	s31 =	simm.s32 $0x800;
	s30 =	simm.s32 $0x100;
	[sflag:s16] =	ssyncset.done $0x0  }
.LBB2_6:
0xa7: {  	s0 =	sadd.s32 $0x80, s30  }
0xa8: {  	[sflag:s16] =	ssyncadd.s32 $0xFFFFE000;
	s17 =	smov.u32 s31;
	s1 =	sadd.s32 $0x400, s31  }
0xa9: {  	[tilespmem:s21], [sflag:$0x2] =	stream.indirect.gather [hbm4b:s5+s19], $0x40, s0, s19, $0xb8;
	[tilespmem:$0x15000] =	vst v63  }
0xaa: {  	p0 =	sne.s32 s31, $0x9800;
	_ =	swait.ge [sflag:s22], $0x2000  }
0xab: {  	[sflag:s22] =	ssyncset.done $0x0  }
0xac: {  	s0 =	sadd.s32 $0x2800, s30;
	[sflag:s22] =	ssyncadd.s32 $0xFFFFE000  }
0xad: {  	[spmem:s2] =	stream.indirect.scatter.add.f32 [tilespmem:s20], [sflag:$0x3], $0x40, s0, s19, $0xb8;
	[tilespmem:$0x15000] =	vst v63  }
0xae: {  	_ =	swait.ge [sflag:s16], $0x2000  }
0xaf: {  	[sflag:s16] =	ssyncset.done $0x0  }
0xb0: {  	s0 =	sadd.s32 $0x100, s30;
	[sflag:s16] =	ssyncadd.s32 $0xFFFFE000  }
0xb1: {  	[tilespmem:s20], [sflag:$0x1] =	stream.indirect.gather [hbm4b:s5+s19], $0x40, s0, s19, $0xb8;
	[tilespmem:$0x15000] =	vst v63  }
0xb2: {  	_ =	swait.ge [sflag:s23], $0x2000  }
.Ltmp2:
0xb3: {  	[sflag:s23] =	ssyncset.done $0x0;
	(pc) =	sbr.rel @p0 .LBB2_6-.Ltmp2, $4  }
0xb4: {  	s0 =	sadd.s32 $0x2880, s30;
	[sflag:s23] =	ssyncadd.s32 $0xFFFFE000  }
0xb5: {  	[spmem:s2] =	stream.indirect.scatter.add.f32 [tilespmem:s21], [sflag:$0x3], $0x40, s0, s19, $0xb8;
	[tilespmem:$0x15000] =	vst v63  }
0xb6: {  	_ =	swait.ge [sflag:s16], $0x2000  }
0xb7: {  	s31 =	smov.u32 s1;
	s30 =	sshra.s32 s17, $0x2;
	[sflag:s16] =	ssyncset.done $0x0  }
0xb8: {  	s0 =	sadd.s32 $0x80, s30;
	[sflag:s16] =	ssyncadd.s32 $0xFFFFE000  }
0xb9: {  	[tilespmem:s21], [sflag:$0x2] =	stream.indirect.gather [hbm4b:s5+s19], $0x40, s0, s19, $0xb8;
	[tilespmem:$0x15000] =	vst v63  }
0xba: {  	_ =	swait.ge [sflag:s22], $0x2000  }
0xbb: {  	[sflag:s22] =	ssyncset.done $0x0  }
0xbc: {  	s1 =	sadd.s32 $0x2800, s30;
	[sflag:s22] =	ssyncadd.s32 $0xFFFFE000  }
0xbd: {  	[spmem:s2] =	stream.indirect.scatter.add.f32 [tilespmem:s20], [sflag:$0x3], $0x40, s1, s19, $0xb8;
	[tilespmem:$0x15000] =	vst v63  }
0xbe: {  	_ =	swait.ge [sflag:s16], $0x2000  }
0xbf: {  	[sflag:s16] =	ssyncset.done $0x0  }
0xc0: {  	s17 =	sadd.s32 $0x100, s30;
	[sflag:s16] =	ssyncadd.s32 $0xFFFFE000  }
0xc1: {  	[tilespmem:s20], [sflag:$0x1] =	stream.indirect.gather [hbm4b:s5+s19], $0x40, s17, s19, $0xb8;
	[tilespmem:$0x15000] =	vst v63  }
0xc2: {  	_ =	swait.ge [sflag:s23], $0x2000  }
0xc3: {  	[sflag:s23] =	ssyncset.done $0x0  }
0xc4: {  	s31 =	sadd.s32 $0x2880, s30;
	[sflag:s23] =	ssyncadd.s32 $0xFFFFE000  }
0xc5: {  	[spmem:s2] =	stream.indirect.scatter.add.f32 [tilespmem:s21], [sflag:$0x3], $0x40, s31, s19, $0xb8;
	[tilespmem:$0x15000] =	vst v63  }
0xc6: {  	_ =	swait.ge [sflag:s16], $0x2000  }
0xc7: {  	[sflag:s16] =	ssyncset.done $0x0  }
0xc8: {  	[sflag:s16] =	ssyncadd.s32 $0xFFFFE000  }
0xc9: {  	[tilespmem:s21], [sflag:$0x2] =	stream.indirect.gather [hbm4b:s5+s19], $0x40, s24, s19, $0xb8;
	[tilespmem:$0x15000] =	vst v63  }
0xca: {  	_ =	swait.ge [sflag:s22], $0x2000  }
0xcb: {  	[sflag:s22] =	ssyncset.done $0x0  }
0xcc: {  	[sflag:s22] =	ssyncadd.s32 $0xFFFFE000  }
0xcd: {  	[spmem:s2] =	stream.indirect.scatter.add.f32 [tilespmem:s20], [sflag:$0x3], $0x40, s25, s19, $0xb8;
	[tilespmem:$0x15000] =	vst v63  }
0xce: {  	_ =	swait.ge [sflag:s16], $0x2000  }
0xcf: {  	[sflag:s16] =	ssyncset.done $0x0  }
0xd0: {  	[sflag:s16] =	ssyncadd.s32 $0xFFFFE000  }
0xd1: {  	_ =	swait.ge [sflag:s23], $0x2000  }
0xd2: {  	[sflag:s23] =	ssyncset.done $0x0  }
0xd3: {  	[sflag:s23] =	ssyncadd.s32 $0xFFFFE000  }
0xd4: {  	[spmem:s2] =	stream.indirect.scatter.add.f32 [tilespmem:s21], [sflag:$0x3], $0x40, s26, s19, $0xb8;
	[tilespmem:$0x15000] =	vst v63  }
0xd5: {  	_ =	swait.ge [sflag:s16], $0x2000  }
0xd6: {  	s3 =	sadd.s32 $0x1, s3;
	[sflag:s16] =	ssyncset.done $0x0  }
0xd7: {  	p0 =	sne.s32 s3, s15;
	[sflag:s16] =	ssyncadd.s32 $0xFFFFE000  }
.Ltmp3:
0xd8: {  	[bflag:$0x0] =	sbarrier.arrive $0xFFFF;
	(pc) =	sbr.rel @p0 .LBB2_1-.Ltmp3, $4  }
0xd9: {  	[hbm:s14], [sflag:s28] =	dma.local [spmem:s29], $0x1400  }
0xda: {  	_ =	swait.ge [sflag:s16], $0x1400  }
0xdb: {  	[sflag:s16] =	ssyncset.done $0x0  }
0xdc: {  	[sflag:s16] =	ssyncadd.s32 $0xFFFFEC00  }
0xdd: {  	_ =	sfence.sel $0x180000  }
0xde: {  	[bflag:$0x0] =	sbarrier.arrive $0xFFFF  }
0xdf: {  	_ =	strace $0x9000004D  }
0xe0: {  	s0 =	stileid.u32;
	[bflag:$0x2] =	sbarrier.arrive $0xFFFF  }
0xe1: {  	p0 =	sne.s32 s0, $0x0;
	s0 =	rddreg [dreg:$0x2]  }
0xe2: {  	s0 =	sadd.s32 @!p0 $0x100000, s0  }
0xe3: {  	[sflag:s0] =	ssyncadd.tile.s32 @!p0 $0x1;
	_ =	shalt  }
.Lfunc_end2:
_tile_overlayer_lowered:
.L_overlay_start_2:
0xe4: {  	(tag) =	ssettag $0x2  }
0xe5: {  	s0 =	rddreg [dreg:$0x0];
	s2 =	stileid.u32  }
0xe6: {  	s1 =	rddreg [dreg:$0x1];
	p0 =	sne.s32 s2, $0x0  }
0xe7: {  	s3 =	rddreg [dreg:$0x2];
	[bflag:$0x3] =	sbarrier.arrive $0xFFFF;
	s2 =	simm.s32 @!p0 $0x1C03  }
0xe8: {  	[timem:s3], [sflag:s2] =	dma.local @!p0 [hbm:s0], s1  }
0xe9: {  	s0 =	simm.s32 @!p0 $0x3  }
0xea: {  	_ =	swait.ge @!p0 [sflag:s0], s1  }
0xeb: {  	s1 =	ssub.s32 @!p0 $0x0, s1;
	[sflag:s0] =	ssyncset.done @!p0 $0x0  }
0xec: {  	[sflag:s0] =	ssyncadd.s32 @!p0 s1  }
0xed: {  	[bflag:$0x3] =	sbarrier.arrive $0xFFFF  }
0xee: {  	_ =	shalt  }

// kernel: kernel.8.cloned.1.call-start
scs
__scs_entry_jumppad:
0x0: {  	(pc) =	sbr.rel $0x88, $3  }
0x1: {  	(tag) =	ssettag $0x0;
	lr =	simm.s32 $0x1  }
0x2: {  	[smem:$0x3F96] =	sst lr;
	_ =	strace $0xD0000000  }
0x3: {  	_ = 	snop  }
0x4: {  	_ = 	snop  }
0x5: {  	_ = 	snop  }
0x6: {  	_ = 	snop  }
0x7: {  	_ = 	snop  }
__scs_overlays_trampoline_lowered:
0x8: {  	[smem:$0x3FA5] =	sst s0  }
0x9: {  	[smem:$0x3FA6] =	sst s1  }
0xa: {  	[smem:$0x3FA7] =	sst s2  }
0xb: {  	[smem:$0x3FA8] =	sst s3  }
0xc: {  	[smem:$0x3FA9] =	sst s4  }
0xd: {  	[smem:$0x3FAA] =	sst s5  }
0xe: {  	[smem:$0x3FAB] =	sst s6  }
0xf: {  	[smem:$0x3FAC] =	sst s7  }
0x10: {  	[smem:$0x3FAD] =	sst s8  }
0x11: {  	[smem:$0x3FAE] =	sst s9;
	s0 =	simm.s32 @!p0 $0x0  }
0x12: {  	s1 =	sld [smem:$0x3F94];
	s0 =	simm.s32 @p0 $0x1  }
0x13: {  	[smem:$0x3FAF] =	sst s0;
	s0 =	simm.s32 @!p1 $0x0  }
0x14: {  	s2 =	sld [smem:$0x3F93];
	s0 =	simm.s32 @p1 $0x1  }
0x15: {  	[smem:$0x3FB0] =	sst s0;
	s0 =	simm.s32 @!p2 $0x0  }
0x16: {  	s3 =	sld [smem:$0x3FDB];
	s0 =	simm.s32 @p2 $0x1  }
0x17: {  	s4 =	simm.s32 $0x1BF5;
	[smem:$0x3FB2] =	sst s0  }
0x18: {  	s0 =	sld [smem:$0x3F95];
	_ =	swait.ge [sflag:s4], $0x0  }
0x19: {  	s7 =	sld [smem:$0x3F96]  }
0x1a: {  	s8 =	sadd.s32 $0xFFFFE003, lr  }
0x1b: {  	s9 =	sadd.s32 $0xFFFFFEF7, lr;
	s5 =	simm.s32 $0xFFFFFFFF;
	p2 =	slt.u32 s8, $0xFFFFF086  }
0x1c: {  	p1 =	slt.u32 s9, $0xF7A;
	s5 =	simm.s32 @!p2 $0x0  }
0x1d: {  	s5 =	simm.s32 @p1 $0x1;
	p0 =	seq.s32 s7, s2  }
0x1e: {  	s7 =	smul.u32 @!p0 $0xF7A, s2;
	p2 =	seq.s32 @!p0 s5, $0x0  }
0x1f: {  	s9 =	smul.u32 $0xF7A, s1;
	s8 =	simm.s32 @!p0 $0x1BF5;
	p2 =	por !p2, p0  }
0x20: {  	[sflag:s8] =	ssyncset.s32 @!p0 $0xFFFFF086;
	s6 =	sadd.s32 @!p0 s3, s7;
	s7 =	simm.s32 @!p0 $0x108  }
0x21: {  	s3 =	sadd.s32 s3, s9;
	s6 =	sadd.s32 @!p0 $0x88, s6;
	s7 =	simm.s32 @p2 $0x1082  }
0x22: {  	[simem:s7], [sflag:s8] =	dma.local @!p0 [hbm:s6], $0xF7A  }
0x23: {  	s9 =	sor.u32 $0xD0000000, s2;
	s6 =	simm.s32 $0x108;
	_ =	swait.ge @!p0 [sflag:s8], $0x0  }
0x24: {  	s3 =	sadd.s32 $0x88, s3;
	s6 =	simm.s32 @!p1 $0x1082;
	[sflag:s4] =	ssyncset.s32 $0xFFFFF086  }
0x25: {  	[simem:s6], [sflag:s4] =	dma.local [hbm:s3], $0xF7A  }
0x26: {  	[smem:$0x3F96] =	sst s1;
	(tag) =	ssettag s2;
	_ =	strace s9  }
0x27: {  	s1 =	sld [smem:$0x3FA6]  }
0x28: {  	s2 =	sld [smem:$0x3FA7]  }
0x29: {  	s4 =	sld [smem:$0x3FA9]  }
0x2a: {  	p0 =	seq.s32 s5, $0x0;
	s5 =	sld [smem:$0x3FAA]  }
0x2b: {  	s6 =	sld [smem:$0x3FAB]  }
0x2c: {  	s7 =	sld [smem:$0x3FAC]  }
0x2d: {  	s3 =	simm.s32 $0x108;
	s8 =	sld [smem:$0x3FAD]  }
0x2e: {  	s3 =	simm.s32 @!p0 $0x1082;
	s9 =	sld [smem:$0x3FAE]  }
0x2f: {  	lr =	sadd.s32 s0, s3;
	s0 =	sld [smem:$0x3FA5]  }
0x30: {  	s3 =	sld [smem:$0x3FA8]  }
0x31: {  	[smem:$0x3FB1] =	sst s10  }
0x32: {  	s10 =	sld [smem:$0x3FAF];
	_ =	sdelay $0x3  }
0x33: {  	p0 =	seq.s32 s10, $0x1;
	s10 =	sld [smem:$0x3FB1];
	_ =	sdelay $0x3  }
0x34: {  	[smem:$0x3FB1] =	sst s10  }
0x35: {  	s10 =	sld [smem:$0x3FB0];
	_ =	sdelay $0x3  }
0x36: {  	p1 =	seq.s32 s10, $0x1;
	s10 =	sld [smem:$0x3FB1];
	_ =	sdelay $0x3  }
0x37: {  	[smem:$0x3FB1] =	sst s10  }
0x38: {  	s10 =	sld [smem:$0x3FB2]  }
0x39: {  	_ = 	snop;
	(pc) =	sbr.ind lr, $3  }
0x3a: {  	_ = 	snop  }
0x3b: {  	_ = 	snop  }
0x3c: {  	p2 =	seq.s32 s10, $0x1;
	s10 =	sld [smem:$0x3FB1]  }
0x3d: {  	_ =	shalt  }
0x3e: {  	_ =	shalt  }
0x3f: {  	_ =	shalt  }
0x40: {  	_ =	shalt  }
0x41: {  	_ =	shalt  }
0x42: {  	_ =	shalt  }
0x43: {  	_ =	shalt  }
0x44: {  	_ =	shalt  }
0x45: {  	_ =	shalt  }
0x46: {  	_ =	shalt  }
0x47: {  	_ =	shalt  }
0x48: {  	_ =	shalt  }
0x49: {  	_ =	shalt  }
0x4a: {  	_ =	shalt  }
0x4b: {  	_ =	shalt  }
0x4c: {  	_ =	shalt  }
0x4d: {  	_ =	shalt  }
0x4e: {  	_ =	shalt  }
0x4f: {  	_ =	shalt  }
0x50: {  	_ =	shalt  }
0x51: {  	_ =	shalt  }
0x52: {  	_ =	shalt  }
0x53: {  	_ =	shalt  }
0x54: {  	_ =	shalt  }
0x55: {  	_ =	shalt  }
0x56: {  	_ =	shalt  }
0x57: {  	_ =	shalt  }
0x58: {  	_ =	shalt  }
0x59: {  	_ =	shalt  }
0x5a: {  	_ =	shalt  }
0x5b: {  	_ =	shalt  }
0x5c: {  	_ =	shalt  }
0x5d: {  	_ =	shalt  }
0x5e: {  	_ =	shalt  }
0x5f: {  	_ =	shalt  }
0x60: {  	_ =	shalt  }
0x61: {  	_ =	shalt  }
0x62: {  	_ =	shalt  }
0x63: {  	_ =	shalt  }
0x64: {  	_ =	shalt  }
0x65: {  	_ =	shalt  }
0x66: {  	_ =	shalt  }
0x67: {  	_ =	shalt  }
0x68: {  	_ =	shalt  }
0x69: {  	_ =	shalt  }
0x6a: {  	_ =	shalt  }
0x6b: {  	_ =	shalt  }
0x6c: {  	_ =	shalt  }
0x6d: {  	_ =	shalt  }
0x6e: {  	_ =	shalt  }
0x6f: {  	_ =	shalt  }
0x70: {  	_ =	shalt  }
0x71: {  	_ =	shalt  }
0x72: {  	_ =	shalt  }
0x73: {  	_ =	shalt  }
0x74: {  	_ =	shalt  }
0x75: {  	_ =	shalt  }
0x76: {  	_ =	shalt  }
0x77: {  	_ =	shalt  }
0x78: {  	_ =	shalt  }
0x79: {  	_ =	shalt  }
0x7a: {  	_ =	shalt  }
0x7b: {  	_ =	shalt  }
0x7c: {  	_ =	shalt  }
0x7d: {  	_ =	shalt  }
0x7e: {  	_ =	shalt  }
0x7f: {  	_ =	shalt  }
0x80: {  	_ =	shalt  }
0x81: {  	_ =	shalt  }
0x82: {  	_ =	shalt  }
0x83: {  	_ =	shalt  }
0x84: {  	_ =	shalt  }
0x85: {  	_ =	shalt  }
0x86: {  	_ =	shalt  }
0x87: {  	_ =	shalt  }
.Lfunc_end0:
.L_simem_size_0:
called_computation_lowered:
.L_overlay_start_0:
0x88: {  	s2 =	sld [smem:$0x3FD9]  }
0x89: {  	s3 =	sld [smem:$0x3FFE];
	_ =	sdelay $0x1  }
0x8a: {  	s1 =	srdreg.scid  }
0x8b: {  	s0 =	sand.u32 $0x1, s1  }
0x8c: {  	s16 =	sshll.u32 s0, $0xA;
	s2 =	sadd.s32 s3, s2  }
0x8d: {  	s2 =	sadd.s32 s2, s16  }
0x8e: {  	[smem:$0x3FBD] =	sst s2  }
0x8f: {  	_ = 	snop  }
0x90: {  	(tm) =	ssettm $0x1  }
0x91: {  	s17 =	sld [smem:$0x3FFB];
	_ =	sdelay $0x3  }
0x92: {  	_ =	strace s17  }
0x93: {  	s2 =	sld [smem:$0x3FFC];
	_ =	sdelay $0x3  }
0x94: {  	_ =	strace s2  }
0x95: {  	s2 =	sld [smem:$0x3FFD];
	_ =	sdelay $0x3  }
0x96: {  	_ =	strace s2  }
0x97: {  	_ =	strace $0x8FFFFFFF  }
0x98: {  	s18 =	sld [smem:$0x3FDB];
	_ =	sdelay $0x1  }
0x99: {  	s19 =	simm.s32 $_scs_section_size  }
0x9a: {  	s4 =	simm.s32 $_size__tile_overlayer_lowered;
	s5 =	simm.s32 $_tile_overlayer_lowered  }
0x9b: {  	s22 =	simm.s32 $0x1BFF;
	s21 =	sshll.u32 s5, $0x1;
	s2 =	sadd.s32 s19, s18  }
0x9c: {  	s6 =	simm.s32 $0x0;
	s20 =	sshll.u32 s4, $0x1;
	s4 =	sadd.s32 s21, s2  }
0x9d: {  	[timem:s6], [sflag:s22] =	dma.local [hbm:s4], s20  }
0x9e: {  	_ =	swait.ge [sflag:s22], s20  }
0x9f: {  	s3 =	ssub.s32 $0x0, s20;
	[sflag:s22] =	ssyncset.done $0x0  }
0xa0: {  	[sflag:s22] =	ssyncadd.s32 s3;
	_ =	sdelay $0x1  }
0xa1: {  	s23 =	simm.s32 $0x1B8B  }
0xa2: {  	_ =	swait.ge [sflag:s23], $0x1  }
0xa3: {  	[sflag:s23] =	ssyncset.done $0x0  }
0xa4: {  	s25 =	simm.s32 $0x1B8E;
	s24 =	sld [smem:$0x3FFE];
	[sflag:s23] =	ssyncadd.s32 $0xFFFFFFFF  }
0xa5: {  	s26 =	simm.s32 $execute0_lowered;
	[smem:$0x3FD2] =	sst s25  }
0xa6: {  	s4 =	sshll.u32 s26, $0x1;
	_ =	strace $0x80000046;
	[dreg:$0x1] =	wrdreg $0xFFFFFFFF  }
0xa7: {  	s28 =	simm.s32 $_size_execute0_lowered;
	s2 =	sadd.s32 s2, s4;
	[dreg:$0x0] =	wrdreg $0x0  }
0xa8: {  	s4 =	sshll.u32 s28, $0x1;
	[dreg:$0x2] =	wrdreg s2  }
0xa9: {  	[dreg:$0x3] =	wrdreg s4  }
0xaa: {  	[dreg:$0x4] =	wrdreg $0xC0  }
0xab: {  	_ =	task [dreg:s6], $0x5FFFF  }
0xac: {  	[dreg:$0x1] =	wrdreg $0xFFFFFFFF  }
0xad: {  	[dreg:$0x0] =	wrdreg $0x60  }
0xae: {  	[dreg:$0x2] =	wrdreg s24  }
0xaf: {  	[dreg:$0x3] =	wrdreg $0x58000  }
0xb0: {  	[dreg:$0x4] =	wrdreg $0x9  }
0xb1: {  	_ =	task.clear_ibuf [dreg:s6], $0x5FFFF;
	_ =	strace $0x90000046  }
0xb2: {  	s29 =	simm.s32 $0x9;
	_ =	strace $0x80000048  }
0xb3: {  	_ =	swait.ge [sflag:s29], $0x1  }
0xb4: {  	[sflag:s29] =	ssyncadd.s32 $0xFFFFFFFF  }
0xb5: {  	_ =	strace $0x90000048  }
0xb6: {  	_ =	sfence  }
0xb7: {  	s30 =	sld [smem:$0x0];
	_ =	sdelay $0x2  }
0xb8: {  	s31 =	sshll.u32 s1, $0xD;
	s1 =	sshrl.u32 s1, $0x2  }
0xb9: {  	s3 =	sand.u32 $0x4000, s31;
	s1 =	sadd.s32 s1, s30  }
0xba: {  	s0 =	sor.u32 s3, s0;
	s1 =	sshll.u32 s1, $0x11  }
0xbb: {  	s0 =	sor.u32 s1, s0  }
0xbc: {  	s0 =	sadd.s32 $0x8F2B, s0  }
0xbd: {  	[sflag:s0] =	ssyncadd.remote.s32 $0x1  }
0xbe: {  	_ =	sfence.sel $0xFFFF  }
0xbf: {  	[dreg:$0x0] =	wrdreg $0xFFFFFFFF;
	(pc) =	sbr.abs _section_cstart, $3  }
0xc0: {  	[dreg:$0x1] =	wrdreg $0xFFFFFFFF  }
0xc1: {  	_ =	task.clear_ibuf [dreg:s6], $0x2FFFF;
	_ =	strace $0x9FFFFFFF  }
0xc2: {  	(tm) =	ssettm $0x7FFFFFFF  }
0xc3: {  	_ =	shalt  }
tec
execute0_lowered:
.L_overlay_start_1:
0x0: {  	(tag) =	ssettag $0x1  }
0x1: {  	s5 =	rddreg [dreg:$0x0]  }
0x2: {  	s0 =	srdreg.scid;
	s2 =	rddreg [dreg:$0x1]  }
0x3: {  	s3 =	simm.s32 $0x0;
	s4 =	sand.u32 $0x1, s0;
	s0 =	stileid.u32  }
0x4: {  	s10 =	simm.s32 $0x80;
	s11 =	simm.s32 $0x2800;
	s7 =	smul.u32 $0x500, s0  }
0x5: {  	[smem:$0x7FF] =	sst s3;
	s1 =	sshll.u32 s4, $0x4;
	s8 =	smul.u32 $0x5000, s4  }
0x6: {  	s9 =	smul.u32 $0xA000, s0;
	s4 =	ssub.s32 $0x2, s4;
	s12 =	sshll.u32 s0, $0x6  }
0x7: {  	s1 =	sor.u32 s0, s1;
	s29 =	sshrl.u32 s4, $0x1;
	s12 =	sor.u32 $0x1C01, s12  }
0x8: {  	s6 =	smul.u32 $0x500, s1;
	s1 =	rddreg [dreg:$0x2];
	_ =	strace $0x80000047  }
0x9: {  	s7 =	sadd.s32 s7, s8;
	s30 =	sshrl.u32 s9, $0x2;
	s31 =	ssub.s32 s4, s29  }
0xa: {  	s8 =	simm.s32 $0x3000;
	s9 =	simm.s32 $0x1;
	s4 =	sadd.s32 s30, s2  }
0xb: {  	s7 =	sadd.s32 s7, s5;
	s6 =	sadd.s32 s6, s5;
	s13 =	sshrl.u32 s4, $0x3  }
0xc: {  	v0 =	vimm.f32 $0.0e+00;
	v1 =	vimm.f32 $1.000000000e+00;
	s5 =	sadd.s32 $0x4A00, s6;
	s6 =	sadd.s32 $0xEA00, s7;
	s7 =	smax.u32 s31, $0x1  }
.LBB2_1:
0xd: {  	s14 =	simm.s32 $0x0  }
.LBB2_2:
0xe: {  	p0 =	sne.s32 s14, $0x9FC0  }
.Ltmp0:
0xf: {  	_ = 	snop;
	(pc) =	sbr.rel @p0 .LBB2_2-.Ltmp0, $3  }
0x10: {  	_ =	sdelay $0x1  }
0x11: {  	s15 =	sshra.s32 s14, $0x2  }
0x12: {  	s14 =	sadd.s32 $0x40, s14;
	[tilespmem:s15+$0x3000] =	vst v0  }
0x13: {  	s14 =	simm.s32 $0x40;
	s15 =	simm.s32 $0x0  }
.LBB2_4:
0x14: {  	p0 =	sne.s32 s14, $0x1FC0;
	[tilespmem:s15+$0x2800] =	vst v1;
	s15 =	smov.u32 s14;
	s14 =	sadd.s32 $0x40, s14  }
.Ltmp1:
0x15: {  	(pc) =	sbr.rel @p0 .LBB2_4-.Ltmp1, $2  }
0x16: {  	_ =	sdelay $0x2  }
0x17: {  	s15 =	sshra.s32 s15, $0x2  }
0x18: {  	[tilespmem:s15+$0x2800] =	vst v1  }
0x19: {  	[spmem:s4] =	stream.linear.scatter [tilespmem:s8], [sflag:$0x1], $0x2800, $0x38;
	[tilespmem:$0x8000] =	vst v63  }
0x1a: {  	_ =	swait.ge [sflag:s9], $0x2800  }
0x1b: {  	[sflag:s9] =	ssyncset.done $0x0  }
0x1c: {  	[sflag:s9] =	ssyncadd.s32 $0xFFFFD800  }
0x1d: {  	s14 =	simm.s32 $0x0;
	[bflag:$0x0] =	sbarrier.arrive $0xFFFF  }
0x1e: {  	[tilespmem:s14], [sflag:$0x1] =	stream.linear.gather [hbm4b:s5+s14], $0x2800, $0x38;
	[tilespmem:$0x8000] =	vst v63  }
0x1f: {  	_ =	swait.ge [sflag:s9], $0x2800  }
0x20: {  	[sflag:s9] =	ssyncset.done $0x0  }
0x21: {  	s31 =	simm.s32 $0x0;
	[sflag:s9] =	ssyncadd.s32 $0xFFFFD800  }
0x22: {  	[spmem:s2] =	stream.indirect.scatter.add.f32 [tilespmem:s11], [sflag:$0x1], $0x10, s31, s10, $0xb8;
	[tilespmem:$0x8000] =	vst v63  }
0x23: {  	_ =	swait.ge [sflag:s9], $0x800  }
0x24: {  	s14 =	simm.s32 $0x200;
	[sflag:s9] =	ssyncset.done $0x0  }
.LBB2_6:
0x25: {  	s15 =	sshra.s32 s14, $0x2;
	[sflag:s9] =	ssyncadd.s32 $0xFFFFF800;
	p0 =	sne.s32 s14, $0x9E00  }
0x26: {  	[spmem:s2] =	stream.indirect.scatter.add.f32 [tilespmem:s11], [sflag:$0x1], $0x10, s15, s10, $0xb8;
	[tilespmem:$0x8000] =	vst v63  }
.Ltmp2:
0x27: {  	_ = 	snop;
	(pc) =	sbr.rel @p0 .LBB2_6-.Ltmp2, $4  }
0x28: {  	_ = 	snop  }
0x29: {  	s14 =	sadd.s32 $0x200, s14  }
0x2a: {  	_ =	swait.ge [sflag:s9], $0x800  }
0x2b: {  	[sflag:s9] =	ssyncset.done $0x0  }
0x2c: {  	s3 =	sadd.s32 $0x1, s3  }
0x2d: {  	[sflag:s9] =	ssyncadd.s32 $0xFFFFF800;
	p0 =	sne.s32 s3, s7  }
.Ltmp3:
0x2e: {  	[bflag:$0x0] =	sbarrier.arrive $0xFFFF;
	(pc) =	sbr.rel @p0 .LBB2_1-.Ltmp3, $4  }
0x2f: {  	[hbm:s6], [sflag:s12] =	dma.local [spmem:s13], $0x500  }
0x30: {  	_ =	swait.ge [sflag:s9], $0x500  }
0x31: {  	[sflag:s9] =	ssyncset.done $0x0  }
0x32: {  	[sflag:s9] =	ssyncadd.s32 $0xFFFFFB00  }
0x33: {  	_ =	sfence.sel $0x180000  }
0x34: {  	[bflag:$0x0] =	sbarrier.arrive $0xFFFF  }
0x35: {  	p0 =	sne.s32 s0, $0x0;
	_ =	strace $0x90000047  }
0x36: {  	s0 =	sadd.s32 @!p0 $0x100000, s1;
	[bflag:$0x2] =	sbarrier.arrive $0xFFFF  }
0x37: {  	[sflag:s0] =	ssyncadd.tile.s32 @!p0 $0x1;
	_ =	shalt  }
.Lfunc_end2:
_tile_overlayer_lowered:
.L_overlay_start_2:
0x38: {  	(tag) =	ssettag $0x2  }
0x39: {  	s0 =	rddreg [dreg:$0x0];
	s2 =	stileid.u32  }
0x3a: {  	s1 =	rddreg [dreg:$0x1];
	p0 =	sne.s32 s2, $0x0  }
0x3b: {  	s3 =	rddreg [dreg:$0x2];
	[bflag:$0x3] =	sbarrier.arrive $0xFFFF;
	s2 =	simm.s32 @!p0 $0x1C01  }
0x3c: {  	[timem:s3], [sflag:s2] =	dma.local @!p0 [hbm:s0], s1  }
0x3d: {  	s0 =	simm.s32 @!p0 $0x1  }
0x3e: {  	_ =	swait.ge @!p0 [sflag:s0], s1  }
0x3f: {  	s1 =	ssub.s32 @!p0 $0x0, s1;
	[sflag:s0] =	ssyncset.done @!p0 $0x0  }
0x40: {  	[sflag:s0] =	ssyncadd.s32 @!p0 s1  }
0x41: {  	[bflag:$0x3] =	sbarrier.arrive $0xFFFF  }
0x42: {  	_ =	shalt  }

</sc_bundles>
